<compile_context>
chip_gen: v7x
topology: tpu7x:2x2x1
jax: 0.10.2.dev20260603
libtpu: 0.0.44.dev20260713+nightly
codegen_flags: <defaults>
</compile_context>

<pallas_src>
import functools

import jax
import jax.numpy as jnp
from jax import lax
from jax.experimental import pallas as pl
from jax.experimental.pallas import tpu as pltpu
from jax.experimental.pallas import tpu_sc as plsc

N = 10000
D = 128
G = 128
OUT = 64
E = 320000

NC = 2
NS = 16
NW = NC * NS

C = 128
NBUF = 2
K = 80
KH = K // 2
EPAD = NW * K * C
RB = 632
NP = NS * RB


def _sc_agg_body(h_hbm, src_hbm, dst_hbm, out_hbm,
                 src_v, dst_v, rows_v, agg_sh, sems):
    c = lax.axis_index("c")
    s = lax.axis_index("s")
    w = c * NS + s

    def _zrow(r, carry):
        for cc in range(D // 16):
            rows_v[0, r, pl.ds(cc * 16, 16)] = jnp.zeros((16,), jnp.float32)
        return carry
    lax.fori_loop(0, C, _zrow, 0)
    for j in range(RB // C):
        pltpu.sync_copy(rows_v.at[0], agg_sh.at[pl.ds(s * RB + j * C, C)])
    ztail = RB - (RB // C) * C
    pltpu.sync_copy(rows_v.at[0].at[pl.ds(0, ztail)],
                    agg_sh.at[pl.ds(s * RB + (RB // C) * C, ztail)])
    plsc.subcore_barrier()

    def _pair(k0, carry):
        cps = []
        for b in range(NBUF):
            cps.append(pltpu.async_copy(
                h_hbm.at[src_v.at[k0 + b]], rows_v.at[b], sems[b]))
        for b in range(NBUF):
            cps[b].wait()
            pltpu.sync_copy(rows_v.at[b], agg_sh.at[dst_v.at[k0 + b]],
                            add=True)
        return carry
    for half in range(K // KH):
        pltpu.sync_copy(src_hbm.at[w, pl.ds(half * KH, KH)], src_v)
        pltpu.sync_copy(dst_hbm.at[w, pl.ds(half * KH, KH)], dst_v)
        lax.fori_loop(0, KH // NBUF, lambda i, cy: _pair(i * NBUF, cy), 0)
    plsc.subcore_barrier()

    pltpu.sync_copy(agg_sh.at[pl.ds(s * RB, RB)],
                    out_hbm.at[c, pl.ds(s * RB, RB)])


_sc_agg = functools.partial(
    pl.kernel,
    out_type=jax.ShapeDtypeStruct((NC, NP, D), jnp.float32),
    mesh=plsc.VectorSubcoreMesh(core_axis_name="c", subcore_axis_name="s"),
    scratch_types=[
        pltpu.VMEM((KH, C), jnp.int32),
        pltpu.VMEM((KH, C), jnp.int32),
        pltpu.VMEM((NBUF, C, D), jnp.float32),
        pltpu.VMEM_SHARED((NP, D), jnp.float32),
        [pltpu.SemaphoreType.DMA] * NBUF,
    ],
)(_sc_agg_body)


def _dense_body(h_ref, agg_ref, w_ref, b_ref, o_ref):
    z = h_ref[...] + agg_ref[0] + agg_ref[1]
    y = lax.dot_general(z, w_ref[...], (((1,), (1,)), ((), ())),
                        preferred_element_type=jnp.float32)
    o_ref[...] = jnp.maximum(y + b_ref[...], 0.0)


def _dense(h, agg, W, b2d):
    return pl.pallas_call(
        _dense_body,
        grid=(NP // RB,),
        in_specs=[
            pl.BlockSpec((RB, D), lambda i: (i, 0)),
            pl.BlockSpec((NC, RB, D), lambda i: (0, i, 0)),
            pl.BlockSpec((D, D), lambda i: (0, 0)),
            pl.BlockSpec((1, D), lambda i: (0, 0)),
        ],
        out_specs=pl.BlockSpec((RB, D), lambda i: (i, 0)),
        out_shape=jax.ShapeDtypeStruct((NP, D), jnp.float32),
    )(h, agg, W, b2d)


def _final_body(h_ref, agg_ref, w3_ref, b3_ref, bid_ref, wl_ref, bl_ref,
                o_ref, sums, cnts):
    i = pl.program_id(0)

    @pl.when(i == 0)
    def _():
        sums[...] = jnp.zeros_like(sums)
        cnts[...] = jnp.zeros_like(cnts)

    z = h_ref[...] + agg_ref[0] + agg_ref[1]
    h3 = jnp.maximum(
        lax.dot_general(z, w3_ref[...], (((1,), (1,)), ((), ())),
                        preferred_element_type=jnp.float32) + b3_ref[...],
        0.0)
    bid = bid_ref[0, 0, :]
    onehot = (bid[:, None] ==
              lax.broadcasted_iota(jnp.int32, (RB, G), 1)).astype(jnp.float32)
    sums[...] += lax.dot_general(onehot, h3, (((0,), (0,)), ((), ())),
                                 preferred_element_type=jnp.float32)
    cnts[...] += lax.dot_general(onehot, jnp.ones((RB, D), jnp.float32),
                                 (((0,), (0,)), ((), ())),
                                 preferred_element_type=jnp.float32)

    @pl.when(i == pl.num_programs(0) - 1)
    def _():
        pooled = sums[...] / jnp.maximum(cnts[...], 1.0)
        o_ref[...] = lax.dot_general(
            pooled, wl_ref[...], (((1,), (1,)), ((), ())),
            preferred_element_type=jnp.float32) + bl_ref[...]


def _final(h, agg, W3, b3_2d, bid, Wl, bl_2d):
    return pl.pallas_call(
        _final_body,
        grid=(NP // RB,),
        in_specs=[
            pl.BlockSpec((RB, D), lambda i: (i, 0)),
            pl.BlockSpec((NC, RB, D), lambda i: (0, i, 0)),
            pl.BlockSpec((D, D), lambda i: (0, 0)),
            pl.BlockSpec((1, D), lambda i: (0, 0)),
            pl.BlockSpec((1, 1, RB), lambda i: (i, 0, 0)),
            pl.BlockSpec((OUT, D), lambda i: (0, 0)),
            pl.BlockSpec((1, OUT), lambda i: (0, 0)),
        ],
        out_specs=pl.BlockSpec((G, OUT), lambda i: (0, 0)),
        out_shape=jax.ShapeDtypeStruct((G, OUT), jnp.float32),
        scratch_shapes=[
            pltpu.VMEM((G, D), jnp.float32),
            pltpu.VMEM((G, D), jnp.float32),
        ],
    )(h, agg, W3, b3_2d, bid, Wl, bl_2d)


def kernel(x, edge_index, batch, W1, b1, W2, b2, W3, b3, Wl, bl):
    h = jnp.zeros((NP, D), jnp.float32).at[:N].set(x)
    src_s, dst_s = lax.sort((edge_index[0], edge_index[1]), num_keys=1,
                            is_stable=False)
    src = jnp.concatenate(
        [src_s, jnp.zeros((EPAD - E,), jnp.int32)]).reshape(NW, K, C)
    dst = jnp.concatenate(
        [dst_s, jnp.full((EPAD - E,), N, jnp.int32)]).reshape(NW, K, C)
    src_u = jnp.concatenate(
        [edge_index[0], jnp.zeros((EPAD - E,), jnp.int32)]).reshape(NW, K, C)
    dst_u = jnp.concatenate(
        [edge_index[1], jnp.full((EPAD - E,), N, jnp.int32)]).reshape(NW, K, C)
    bid = jnp.concatenate(
        [batch, jnp.full((NP - N,), G, jnp.int32)]).reshape(NP // RB, 1, RB)

    agg1 = _sc_agg(h, src_u, dst_u)
    h1 = _dense(h, agg1, W1, b1.reshape(1, D))
    agg2 = _sc_agg(h1, src, dst)
    h2 = _dense(h1, agg2, W2, b2.reshape(1, D))
    agg3 = _sc_agg(h2, src, dst)
    return _final(h2, agg3, W3, b3.reshape(1, D), bid, Wl, bl.reshape(1, OUT))

# --- scband reference (transcript-rebuilt; emitter-appended) ---
"""Pipeline reference for scband-gin-3layer-11510512353341 (READ-ONLY COPY).

The authoritative reference and input builder live on the scoring server;
editing this copy changes nothing except your own understanding.
"""

import jax, jax.numpy as jnp
import numpy as np

N = 10000
E = 320000
D = 128
H = 128
OUT = 64
G = 128


def setup_inputs(seed: int = 0) -> dict:
    key = jax.random.key(seed)
    ks = jax.random.split(key, 12)
    x = jax.random.normal(ks[0], (N, D), dtype=jnp.float32)
    edge_index = jax.random.randint(ks[1], (2, E), 0, N, dtype=jnp.int32)
    batch = jnp.sort(jax.random.randint(ks[2], (N,), 0, G, dtype=jnp.int32))
    W1 = jax.random.normal(ks[3], (H, D), dtype=jnp.float32) * 0.05
    b1 = jnp.zeros((H,), dtype=jnp.float32)
    W2 = jax.random.normal(ks[4], (H, H), dtype=jnp.float32) * 0.05
    b2 = jnp.zeros((H,), dtype=jnp.float32)
    W3 = jax.random.normal(ks[5], (H, H), dtype=jnp.float32) * 0.05
    b3 = jnp.zeros((H,), dtype=jnp.float32)
    Wl = jax.random.normal(ks[6], (OUT, H), dtype=jnp.float32) * 0.05
    bl = jnp.zeros((OUT,), dtype=jnp.float32)
    return {"x": x, "edge_index": edge_index, "batch": batch,
            "W1": W1, "b1": b1, "W2": W2, "b2": b2, "W3": W3, "b3": b3,
            "Wl": Wl, "bl": bl}


def reference(x, edge_index, batch, W1, b1, W2, b2, W3, b3, Wl, bl):
    src = edge_index[0]
    dst = edge_index[1]

    def gin_conv(h, W, b):
        # GINConv with default eps=0: out = nn((1+eps)*x + sum_{j->i} x_j)
        agg = jnp.zeros_like(h).at[dst].add(h[src])
        z = h + agg
        return z @ W.T + b

    h = jax.nn.relu(gin_conv(x, W1, b1))
    h = jax.nn.relu(gin_conv(h, W2, b2))
    h = jax.nn.relu(gin_conv(h, W3, b3))

    # global_mean_pool over graph ids
    sums = jax.ops.segment_sum(h, batch, num_segments=G)
    counts = jax.ops.segment_sum(jnp.ones((h.shape[0], 1), h.dtype), batch, num_segments=G)
    pooled = sums / jnp.maximum(counts, 1.0)

    return pooled @ Wl.T + bl

if __name__ == "__main__":
    import jax
    _d = setup_inputs()
    print(jax.jit(kernel)(*tuple(_d.values())))

</pallas_src>

<mosaic_0001>
#map = affine_map<(d0, d1) -> (0, 0)>
#map1 = affine_map<(d0, d1) -> (0, 0, 0)>
module attributes {stable_mosaic.version = 14 : i64} {
  func.func @_sc_agg_body(%arg0: i32, %arg1: i32, %arg2: memref<10112x128xf32, #tpu.memory_space<hbm>>, %arg3: memref<32x80x128xi32, #tpu.memory_space<hbm>>, %arg4: memref<32x80x128xi32, #tpu.memory_space<hbm>>, %arg5: memref<2x10112x128xf32, #tpu.memory_space<hbm>>, %arg6: memref<40x128xi32, #tpu.memory_space<vmem>>, %arg7: memref<40x128xi32, #tpu.memory_space<vmem>>, %arg8: memref<2x128x128xf32, #tpu.memory_space<vmem>>, %arg9: memref<10112x128xf32, #tpu.memory_space<vmem_shared>>, %arg10: memref<!tpu.dma_semaphore, #tpu.memory_space<semaphore_mem>>, %arg11: memref<!tpu.dma_semaphore, #tpu.memory_space<semaphore_mem>>) attributes {dimension_semantics = [#tpu.dimension_semantics<core_parallel>, #tpu.dimension_semantics<subcore_parallel>], iteration_bounds = array<i64: 2, 16>, scalar_prefetch = 0 : i64, scratch_operands = 6 : i64, tpu.core_type = #tpu.core_type<sc_vector_subcore>, window_params = [{transform_indices = #map}, {transform_indices = #map1}, {transform_indices = #map1}, {transform_indices = #map1}]} {
    %mul3A = arith.constant 16 : i32
    %mul3A_0 = arith.muli %arg0, %mul3A : i32
    %add3A = arith.addi %mul3A_0, %arg1 : i32
    %scan3A = arith.constant 0 : i32
    %scan3A_1 = arith.constant 0 : i32
    %scan3A_2 = arith.constant 128 : i32
    %scan3A_3 = arith.addi %scan3A_1, %scan3A_2 : i32
    %scan3A_4 = arith.constant 1 : i32
    scf.for %scan3A_47 = %scan3A_1 to %scan3A_3 step %scan3A_4  : i32 {
      %broadcast_in_dim3A = arith.constant 0.000000e+00 : f32
      %broadcast_in_dim3A_48 = vector.broadcast %broadcast_in_dim3A : f32 to vector<16xf32>
      %swap3A = arith.constant 0 : i32
      %swap3A_49 = arith.index_cast %swap3A : i32 to index
      %swap3A_50 = arith.index_cast %scan3A_47 : i32 to index
      %swap3A_51 = arith.constant 0 : index
      %swap3A_52 = tpu.vector_load %arg8[%swap3A_49, %swap3A_50, %swap3A_51] {strides = array<i32>} : memref<2x128x128xf32, #tpu.memory_space<vmem>>, vector<1x1x16xf32>,
      %swap3A_53 = vector.shape_cast %swap3A_52 : vector<1x1x16xf32> to vector<16xf32>
      %swap3A_54 = vector.shape_cast %broadcast_in_dim3A_48 : vector<16xf32> to vector<1x1x16xf32>
      tpu.vector_store %arg8[%swap3A_49, %swap3A_50, %swap3A_51], %swap3A_54 {strides = array<i32>} : memref<2x128x128xf32, #tpu.memory_space<vmem>>, vector<1x1x16xf32>,
      %broadcast_in_dim3A_55 = arith.constant 0.000000e+00 : f32
      %broadcast_in_dim3A_56 = vector.broadcast %broadcast_in_dim3A_55 : f32 to vector<16xf32>
      %swap3A_57 = arith.constant 0 : i32
      %swap3A_58 = arith.index_cast %swap3A_57 : i32 to index
      %swap3A_59 = arith.index_cast %scan3A_47 : i32 to index
      %swap3A_60 = arith.constant 16 : index
      %swap3A_61 = tpu.vector_load %arg8[%swap3A_58, %swap3A_59, %swap3A_60] {strides = array<i32>} : memref<2x128x128xf32, #tpu.memory_space<vmem>>, vector<1x1x16xf32>,
      %swap3A_62 = vector.shape_cast %swap3A_61 : vector<1x1x16xf32> to vector<16xf32>
      %swap3A_63 = vector.shape_cast %broadcast_in_dim3A_56 : vector<16xf32> to vector<1x1x16xf32>
      tpu.vector_store %arg8[%swap3A_58, %swap3A_59, %swap3A_60], %swap3A_63 {strides = array<i32>} : memref<2x128x128xf32, #tpu.memory_space<vmem>>, vector<1x1x16xf32>,
      %broadcast_in_dim3A_64 = arith.constant 0.000000e+00 : f32
      %broadcast_in_dim3A_65 = vector.broadcast %broadcast_in_dim3A_64 : f32 to vector<16xf32>
      %swap3A_66 = arith.constant 0 : i32
      %swap3A_67 = arith.index_cast %swap3A_66 : i32 to index
      %swap3A_68 = arith.index_cast %scan3A_47 : i32 to index
      %swap3A_69 = arith.constant 32 : index
      %swap3A_70 = tpu.vector_load %arg8[%swap3A_67, %swap3A_68, %swap3A_69] {strides = array<i32>} : memref<2x128x128xf32, #tpu.memory_space<vmem>>, vector<1x1x16xf32>,
      %swap3A_71 = vector.shape_cast %swap3A_70 : vector<1x1x16xf32> to vector<16xf32>
      %swap3A_72 = vector.shape_cast %broadcast_in_dim3A_65 : vector<16xf32> to vector<1x1x16xf32>
      tpu.vector_store %arg8[%swap3A_67, %swap3A_68, %swap3A_69], %swap3A_72 {strides = array<i32>} : memref<2x128x128xf32, #tpu.memory_space<vmem>>, vector<1x1x16xf32>,
      %broadcast_in_dim3A_73 = arith.constant 0.000000e+00 : f32
      %broadcast_in_dim3A_74 = vector.broadcast %broadcast_in_dim3A_73 : f32 to vector<16xf32>
      %swap3A_75 = arith.constant 0 : i32
      %swap3A_76 = arith.index_cast %swap3A_75 : i32 to index
      %swap3A_77 = arith.index_cast %scan3A_47 : i32 to index
      %swap3A_78 = arith.constant 48 : index
      %swap3A_79 = tpu.vector_load %arg8[%swap3A_76, %swap3A_77, %swap3A_78] {strides = array<i32>} : memref<2x128x128xf32, #tpu.memory_space<vmem>>, vector<1x1x16xf32>,
      %swap3A_80 = vector.shape_cast %swap3A_79 : vector<1x1x16xf32> to vector<16xf32>
      %swap3A_81 = vector.shape_cast %broadcast_in_dim3A_74 : vector<16xf32> to vector<1x1x16xf32>
      tpu.vector_store %arg8[%swap3A_76, %swap3A_77, %swap3A_78], %swap3A_81 {strides = array<i32>} : memref<2x128x128xf32, #tpu.memory_space<vmem>>, vector<1x1x16xf32>,
      %broadcast_in_dim3A_82 = arith.constant 0.000000e+00 : f32
      %broadcast_in_dim3A_83 = vector.broadcast %broadcast_in_dim3A_82 : f32 to vector<16xf32>
      %swap3A_84 = arith.constant 0 : i32
      %swap3A_85 = arith.index_cast %swap3A_84 : i32 to index
      %swap3A_86 = arith.index_cast %scan3A_47 : i32 to index
      %swap3A_87 = arith.constant 64 : index
      %swap3A_88 = tpu.vector_load %arg8[%swap3A_85, %swap3A_86, %swap3A_87] {strides = array<i32>} : memref<2x128x128xf32, #tpu.memory_space<vmem>>, vector<1x1x16xf32>,
      %swap3A_89 = vector.shape_cast %swap3A_88 : vector<1x1x16xf32> to vector<16xf32>
      %swap3A_90 = vector.shape_cast %broadcast_in_dim3A_83 : vector<16xf32> to vector<1x1x16xf32>
      tpu.vector_store %arg8[%swap3A_85, %swap3A_86, %swap3A_87], %swap3A_90 {strides = array<i32>} : memref<2x128x128xf32, #tpu.memory_space<vmem>>, vector<1x1x16xf32>,
      %broadcast_in_dim3A_91 = arith.constant 0.000000e+00 : f32
      %broadcast_in_dim3A_92 = vector.broadcast %broadcast_in_dim3A_91 : f32 to vector<16xf32>
      %swap3A_93 = arith.constant 0 : i32
      %swap3A_94 = arith.index_cast %swap3A_93 : i32 to index
      %swap3A_95 = arith.index_cast %scan3A_47 : i32 to index
      %swap3A_96 = arith.constant 80 : index
      %swap3A_97 = tpu.vector_load %arg8[%swap3A_94, %swap3A_95, %swap3A_96] {strides = array<i32>} : memref<2x128x128xf32, #tpu.memory_space<vmem>>, vector<1x1x16xf32>,
      %swap3A_98 = vector.shape_cast %swap3A_97 : vector<1x1x16xf32> to vector<16xf32>
      %swap3A_99 = vector.shape_cast %broadcast_in_dim3A_92 : vector<16xf32> to vector<1x1x16xf32>
      tpu.vector_store %arg8[%swap3A_94, %swap3A_95, %swap3A_96], %swap3A_99 {strides = array<i32>} : memref<2x128x128xf32, #tpu.memory_space<vmem>>, vector<1x1x16xf32>,
      %broadcast_in_dim3A_100 = arith.constant 0.000000e+00 : f32
      %broadcast_in_dim3A_101 = vector.broadcast %broadcast_in_dim3A_100 : f32 to vector<16xf32>
      %swap3A_102 = arith.constant 0 : i32
      %swap3A_103 = arith.index_cast %swap3A_102 : i32 to index
      %swap3A_104 = arith.index_cast %scan3A_47 : i32 to index
      %swap3A_105 = arith.constant 96 : index
      %swap3A_106 = tpu.vector_load %arg8[%swap3A_103, %swap3A_104, %swap3A_105] {strides = array<i32>} : memref<2x128x128xf32, #tpu.memory_space<vmem>>, vector<1x1x16xf32>,
      %swap3A_107 = vector.shape_cast %swap3A_106 : vector<1x1x16xf32> to vector<16xf32>
      %swap3A_108 = vector.shape_cast %broadcast_in_dim3A_101 : vector<16xf32> to vector<1x1x16xf32>
      tpu.vector_store %arg8[%swap3A_103, %swap3A_104, %swap3A_105], %swap3A_108 {strides = array<i32>} : memref<2x128x128xf32, #tpu.memory_space<vmem>>, vector<1x1x16xf32>,
      %broadcast_in_dim3A_109 = arith.constant 0.000000e+00 : f32
      %broadcast_in_dim3A_110 = vector.broadcast %broadcast_in_dim3A_109 : f32 to vector<16xf32>
      %swap3A_111 = arith.constant 0 : i32
      %swap3A_112 = arith.index_cast %swap3A_111 : i32 to index
      %swap3A_113 = arith.index_cast %scan3A_47 : i32 to index
      %swap3A_114 = arith.constant 112 : index
      %swap3A_115 = tpu.vector_load %arg8[%swap3A_112, %swap3A_113, %swap3A_114] {strides = array<i32>} : memref<2x128x128xf32, #tpu.memory_space<vmem>>, vector<1x1x16xf32>,
      %swap3A_116 = vector.shape_cast %swap3A_115 : vector<1x1x16xf32> to vector<16xf32>
      %swap3A_117 = vector.shape_cast %broadcast_in_dim3A_110 : vector<16xf32> to vector<1x1x16xf32>
      tpu.vector_store %arg8[%swap3A_112, %swap3A_113, %swap3A_114], %swap3A_117 {strides = array<i32>} : memref<2x128x128xf32, #tpu.memory_space<vmem>>, vector<1x1x16xf32>,
    }
    %scan3A_5 = arith.constant 128 : i32
    %mul3A_6 = arith.constant 632 : i32
    %mul3A_7 = arith.muli %arg1, %mul3A_6 : i32
    %add3A_8 = arith.constant 0 : i32
    %add3A_9 = arith.addi %mul3A_7, %add3A_8 : i32
    %run_scoped3A = arith.constant 0 : i32
    "tpu.region"() ({
      %run_scoped3A_47 = tpu.sem_alloc : memref<!tpu.dma_semaphore, #tpu.memory_space<semaphore_mem>>
      %dma_start3A = arith.constant 0 : i32
      %dma_start3A_48 = arith.constant 0 : i32
      %dma_start3A_49 = tpu.memref_slice %arg8[%run_scoped3A, %dma_start3A, %dma_start3A_48] : memref<2x128x128xf32, #tpu.memory_space<vmem>> -> memref<1x128x128xf32, #tpu.memory_space<vmem>>
      %dma_start3A_50 = tpu.memref_squeeze %dma_start3A_49 : memref<1x128x128xf32, #tpu.memory_space<vmem>> -> memref<128x128xf32, #tpu.memory_space<vmem>>
      %dma_start3A_51 = arith.constant 0 : i32
      %dma_start3A_52 = tpu.memref_slice %arg9[%add3A_9, %dma_start3A_51] : memref<10112x128xf32, #tpu.memory_space<vmem_shared>> -> memref<128x128xf32, #tpu.memory_space<vmem_shared>>
      %dma_start3A_53 = arith.constant 0 : i32
      %dma_start3A_54 = tpu.memref_slice %arg9[%add3A_9, %dma_start3A_53] : memref<10112x128xf32, #tpu.memory_space<vmem_shared>> -> memref<128x128xf32, #tpu.memory_space<vmem_shared>>
      %dma_start3A_55 = arith.constant 0 : i32
      %dma_start3A_56 = arith.constant 0 : i32
      %dma_start3A_57 = tpu.memref_slice %arg8[%run_scoped3A, %dma_start3A_55, %dma_start3A_56] : memref<2x128x128xf32, #tpu.memory_space<vmem>> -> memref<1x128x128xf32, #tpu.memory_space<vmem>>
      %dma_start3A_58 = tpu.memref_squeeze %dma_start3A_57 : memref<1x128x128xf32, #tpu.memory_space<vmem>> -> memref<128x128xf32, #tpu.memory_space<vmem>>
      tpu.enqueue_dma source(%dma_start3A_58 : memref<128x128xf32, #tpu.memory_space<vmem>>) target(%dma_start3A_54 : memref<128x128xf32, #tpu.memory_space<vmem_shared>>) target_semaphore(%run_scoped3A_47 : memref<!tpu.dma_semaphore, #tpu.memory_space<semaphore_mem>>)
      %dma_wait3A = arith.constant 0 : i32
      %dma_wait3A_59 = arith.constant 0 : i32
      %dma_wait3A_60 = tpu.memref_slice %arg8[%run_scoped3A, %dma_wait3A, %dma_wait3A_59] : memref<2x128x128xf32, #tpu.memory_space<vmem>> -> memref<1x128x128xf32, #tpu.memory_space<vmem>>
      %dma_wait3A_61 = tpu.memref_squeeze %dma_wait3A_60 : memref<1x128x128xf32, #tpu.memory_space<vmem>> -> memref<128x128xf32, #tpu.memory_space<vmem>>
      %dma_wait3A_62 = arith.constant 0 : i32
      %dma_wait3A_63 = tpu.memref_slice %arg9[%add3A_9, %dma_wait3A_62] : memref<10112x128xf32, #tpu.memory_space<vmem_shared>> -> memref<128x128xf32, #tpu.memory_space<vmem_shared>>
      %dma_wait3A_64 = arith.constant 0 : i32
      %dma_wait3A_65 = tpu.memref_slice %arg9[%add3A_9, %dma_wait3A_64] : memref<10112x128xf32, #tpu.memory_space<vmem_shared>> -> memref<128x128xf32, #tpu.memory_space<vmem_shared>>
      %dma_wait3A_66 = arith.constant 0 : i32
      %dma_wait3A_67 = arith.constant 0 : i32
      %dma_wait3A_68 = tpu.memref_slice %arg8[%run_scoped3A, %dma_wait3A_66, %dma_wait3A_67] : memref<2x128x128xf32, #tpu.memory_space<vmem>> -> memref<1x128x128xf32, #tpu.memory_space<vmem>>
      %dma_wait3A_69 = tpu.memref_squeeze %dma_wait3A_68 : memref<1x128x128xf32, #tpu.memory_space<vmem>> -> memref<128x128xf32, #tpu.memory_space<vmem>>
      tpu.wait_dma2 semaphore(%run_scoped3A_47 : memref<!tpu.dma_semaphore, #tpu.memory_space<semaphore_mem>>) src(%dma_wait3A_69 : memref<128x128xf32, #tpu.memory_space<vmem>>) dst(%dma_wait3A_65 : memref<128x128xf32, #tpu.memory_space<vmem_shared>>)
      tpu.yield
    }) : () -> ()
    %mul3A_10 = arith.constant 632 : i32
    %mul3A_11 = arith.muli %arg1, %mul3A_10 : i32
    %add3A_12 = arith.constant 128 : i32
    %add3A_13 = arith.addi %mul3A_11, %add3A_12 : i32
    %run_scoped3A_14 = arith.constant 0 : i32
    "tpu.region"() ({
      %run_scoped3A_47 = tpu.sem_alloc : memref<!tpu.dma_semaphore, #tpu.memory_space<semaphore_mem>>
      %dma_start3A = arith.constant 0 : i32
      %dma_start3A_48 = arith.constant 0 : i32
      %dma_start3A_49 = tpu.memref_slice %arg8[%run_scoped3A_14, %dma_start3A, %dma_start3A_48] : memref<2x128x128xf32, #tpu.memory_space<vmem>> -> memref<1x128x128xf32, #tpu.memory_space<vmem>>
      %dma_start3A_50 = tpu.memref_squeeze %dma_start3A_49 : memref<1x128x128xf32, #tpu.memory_space<vmem>> -> memref<128x128xf32, #tpu.memory_space<vmem>>
      %dma_start3A_51 = arith.constant 0 : i32
      %dma_start3A_52 = tpu.memref_slice %arg9[%add3A_13, %dma_start3A_51] : memref<10112x128xf32, #tpu.memory_space<vmem_shared>> -> memref<128x128xf32, #tpu.memory_space<vmem_shared>>
      %dma_start3A_53 = arith.constant 0 : i32
      %dma_start3A_54 = tpu.memref_slice %arg9[%add3A_13, %dma_start3A_53] : memref<10112x128xf32, #tpu.memory_space<vmem_shared>> -> memref<128x128xf32, #tpu.memory_space<vmem_shared>>
      %dma_start3A_55 = arith.constant 0 : i32
      %dma_start3A_56 = arith.constant 0 : i32
      %dma_start3A_57 = tpu.memref_slice %arg8[%run_scoped3A_14, %dma_start3A_55, %dma_start3A_56] : memref<2x128x128xf32, #tpu.memory_space<vmem>> -> memref<1x128x128xf32, #tpu.memory_space<vmem>>
      %dma_start3A_58 = tpu.memref_squeeze %dma_start3A_57 : memref<1x128x128xf32, #tpu.memory_space<vmem>> -> memref<128x128xf32, #tpu.memory_space<vmem>>
      tpu.enqueue_dma source(%dma_start3A_58 : memref<128x128xf32, #tpu.memory_space<vmem>>) target(%dma_start3A_54 : memref<128x128xf32, #tpu.memory_space<vmem_shared>>) target_semaphore(%run_scoped3A_47 : memref<!tpu.dma_semaphore, #tpu.memory_space<semaphore_mem>>)
      %dma_wait3A = arith.constant 0 : i32
      %dma_wait3A_59 = arith.constant 0 : i32
      %dma_wait3A_60 = tpu.memref_slice %arg8[%run_scoped3A_14, %dma_wait3A, %dma_wait3A_59] : memref<2x128x128xf32, #tpu.memory_space<vmem>> -> memref<1x128x128xf32, #tpu.memory_space<vmem>>
      %dma_wait3A_61 = tpu.memref_squeeze %dma_wait3A_60 : memref<1x128x128xf32, #tpu.memory_space<vmem>> -> memref<128x128xf32, #tpu.memory_space<vmem>>
      %dma_wait3A_62 = arith.constant 0 : i32
      %dma_wait3A_63 = tpu.memref_slice %arg9[%add3A_13, %dma_wait3A_62] : memref<10112x128xf32, #tpu.memory_space<vmem_shared>> -> memref<128x128xf32, #tpu.memory_space<vmem_shared>>
      %dma_wait3A_64 = arith.constant 0 : i32
      %dma_wait3A_65 = tpu.memref_slice %arg9[%add3A_13, %dma_wait3A_64] : memref<10112x128xf32, #tpu.memory_space<vmem_shared>> -> memref<128x128xf32, #tpu.memory_space<vmem_shared>>
      %dma_wait3A_66 = arith.constant 0 : i32
      %dma_wait3A_67 = arith.constant 0 : i32
      %dma_wait3A_68 = tpu.memref_slice %arg8[%run_scoped3A_14, %dma_wait3A_66, %dma_wait3A_67] : memref<2x128x128xf32, #tpu.memory_space<vmem>> -> memref<1x128x128xf32, #tpu.memory_space<vmem>>
      %dma_wait3A_69 = tpu.memref_squeeze %dma_wait3A_68 : memref<1x128x128xf32, #tpu.memory_space<vmem>> -> memref<128x128xf32, #tpu.memory_space<vmem>>
      tpu.wait_dma2 semaphore(%run_scoped3A_47 : memref<!tpu.dma_semaphore, #tpu.memory_space<semaphore_mem>>) src(%dma_wait3A_69 : memref<128x128xf32, #tpu.memory_space<vmem>>) dst(%dma_wait3A_65 : memref<128x128xf32, #tpu.memory_space<vmem_shared>>)
      tpu.yield
    }) : () -> ()
    %mul3A_15 = arith.constant 632 : i32
    %mul3A_16 = arith.muli %arg1, %mul3A_15 : i32
    %add3A_17 = arith.constant 256 : i32
    %add3A_18 = arith.addi %mul3A_16, %add3A_17 : i32
    %run_scoped3A_19 = arith.constant 0 : i32
    "tpu.region"() ({
      %run_scoped3A_47 = tpu.sem_alloc : memref<!tpu.dma_semaphore, #tpu.memory_space<semaphore_mem>>
      %dma_start3A = arith.constant 0 : i32
      %dma_start3A_48 = arith.constant 0 : i32
      %dma_start3A_49 = tpu.memref_slice %arg8[%run_scoped3A_19, %dma_start3A, %dma_start3A_48] : memref<2x128x128xf32, #tpu.memory_space<vmem>> -> memref<1x128x128xf32, #tpu.memory_space<vmem>>
      %dma_start3A_50 = tpu.memref_squeeze %dma_start3A_49 : memref<1x128x128xf32, #tpu.memory_space<vmem>> -> memref<128x128xf32, #tpu.memory_space<vmem>>
      %dma_start3A_51 = arith.constant 0 : i32
      %dma_start3A_52 = tpu.memref_slice %arg9[%add3A_18, %dma_start3A_51] : memref<10112x128xf32, #tpu.memory_space<vmem_shared>> -> memref<128x128xf32, #tpu.memory_space<vmem_shared>>
      %dma_start3A_53 = arith.constant 0 : i32
      %dma_start3A_54 = tpu.memref_slice %arg9[%add3A_18, %dma_start3A_53] : memref<10112x128xf32, #tpu.memory_space<vmem_shared>> -> memref<128x128xf32, #tpu.memory_space<vmem_shared>>
      %dma_start3A_55 = arith.constant 0 : i32
      %dma_start3A_56 = arith.constant 0 : i32
      %dma_start3A_57 = tpu.memref_slice %arg8[%run_scoped3A_19, %dma_start3A_55, %dma_start3A_56] : memref<2x128x128xf32, #tpu.memory_space<vmem>> -> memref<1x128x128xf32, #tpu.memory_space<vmem>>
      %dma_start3A_58 = tpu.memref_squeeze %dma_start3A_57 : memref<1x128x128xf32, #tpu.memory_space<vmem>> -> memref<128x128xf32, #tpu.memory_space<vmem>>
      tpu.enqueue_dma source(%dma_start3A_58 : memref<128x128xf32, #tpu.memory_space<vmem>>) target(%dma_start3A_54 : memref<128x128xf32, #tpu.memory_space<vmem_shared>>) target_semaphore(%run_scoped3A_47 : memref<!tpu.dma_semaphore, #tpu.memory_space<semaphore_mem>>)
      %dma_wait3A = arith.constant 0 : i32
      %dma_wait3A_59 = arith.constant 0 : i32
      %dma_wait3A_60 = tpu.memref_slice %arg8[%run_scoped3A_19, %dma_wait3A, %dma_wait3A_59] : memref<2x128x128xf32, #tpu.memory_space<vmem>> -> memref<1x128x128xf32, #tpu.memory_space<vmem>>
      %dma_wait3A_61 = tpu.memref_squeeze %dma_wait3A_60 : memref<1x128x128xf32, #tpu.memory_space<vmem>> -> memref<128x128xf32, #tpu.memory_space<vmem>>
      %dma_wait3A_62 = arith.constant 0 : i32
      %dma_wait3A_63 = tpu.memref_slice %arg9[%add3A_18, %dma_wait3A_62] : memref<10112x128xf32, #tpu.memory_space<vmem_shared>> -> memref<128x128xf32, #tpu.memory_space<vmem_shared>>
      %dma_wait3A_64 = arith.constant 0 : i32
      %dma_wait3A_65 = tpu.memref_slice %arg9[%add3A_18, %dma_wait3A_64] : memref<10112x128xf32, #tpu.memory_space<vmem_shared>> -> memref<128x128xf32, #tpu.memory_space<vmem_shared>>
      %dma_wait3A_66 = arith.constant 0 : i32
      %dma_wait3A_67 = arith.constant 0 : i32
      %dma_wait3A_68 = tpu.memref_slice %arg8[%run_scoped3A_19, %dma_wait3A_66, %dma_wait3A_67] : memref<2x128x128xf32, #tpu.memory_space<vmem>> -> memref<1x128x128xf32, #tpu.memory_space<vmem>>
      %dma_wait3A_69 = tpu.memref_squeeze %dma_wait3A_68 : memref<1x128x128xf32, #tpu.memory_space<vmem>> -> memref<128x128xf32, #tpu.memory_space<vmem>>
      tpu.wait_dma2 semaphore(%run_scoped3A_47 : memref<!tpu.dma_semaphore, #tpu.memory_space<semaphore_mem>>) src(%dma_wait3A_69 : memref<128x128xf32, #tpu.memory_space<vmem>>) dst(%dma_wait3A_65 : memref<128x128xf32, #tpu.memory_space<vmem_shared>>)
      tpu.yield
    }) : () -> ()
    %mul3A_20 = arith.constant 632 : i32
    %mul3A_21 = arith.muli %arg1, %mul3A_20 : i32
    %add3A_22 = arith.constant 384 : i32
    %add3A_23 = arith.addi %mul3A_21, %add3A_22 : i32
    %run_scoped3A_24 = arith.constant 0 : i32
    "tpu.region"() ({
      %run_scoped3A_47 = tpu.sem_alloc : memref<!tpu.dma_semaphore, #tpu.memory_space<semaphore_mem>>
      %dma_start3A = arith.constant 0 : i32
      %dma_start3A_48 = arith.constant 0 : i32
      %dma_start3A_49 = tpu.memref_slice %arg8[%run_scoped3A_24, %dma_start3A, %dma_start3A_48] : memref<2x128x128xf32, #tpu.memory_space<vmem>> -> memref<1x128x128xf32, #tpu.memory_space<vmem>>
      %dma_start3A_50 = tpu.memref_squeeze %dma_start3A_49 : memref<1x128x128xf32, #tpu.memory_space<vmem>> -> memref<128x128xf32, #tpu.memory_space<vmem>>
      %dma_start3A_51 = arith.constant 0 : i32
      %dma_start3A_52 = tpu.memref_slice %arg9[%add3A_23, %dma_start3A_51] : memref<10112x128xf32, #tpu.memory_space<vmem_shared>> -> memref<128x128xf32, #tpu.memory_space<vmem_shared>>
      %dma_start3A_53 = arith.constant 0 : i32
      %dma_start3A_54 = tpu.memref_slice %arg9[%add3A_23, %dma_start3A_53] : memref<10112x128xf32, #tpu.memory_space<vmem_shared>> -> memref<128x128xf32, #tpu.memory_space<vmem_shared>>
      %dma_start3A_55 = arith.constant 0 : i32
      %dma_start3A_56 = arith.constant 0 : i32
      %dma_start3A_57 = tpu.memref_slice %arg8[%run_scoped3A_24, %dma_start3A_55, %dma_start3A_56] : memref<2x128x128xf32, #tpu.memory_space<vmem>> -> memref<1x128x128xf32, #tpu.memory_space<vmem>>
      %dma_start3A_58 = tpu.memref_squeeze %dma_start3A_57 : memref<1x128x128xf32, #tpu.memory_space<vmem>> -> memref<128x128xf32, #tpu.memory_space<vmem>>
      tpu.enqueue_dma source(%dma_start3A_58 : memref<128x128xf32, #tpu.memory_space<vmem>>) target(%dma_start3A_54 : memref<128x128xf32, #tpu.memory_space<vmem_shared>>) target_semaphore(%run_scoped3A_47 : memref<!tpu.dma_semaphore, #tpu.memory_space<semaphore_mem>>)
      %dma_wait3A = arith.constant 0 : i32
      %dma_wait3A_59 = arith.constant 0 : i32
      %dma_wait3A_60 = tpu.memref_slice %arg8[%run_scoped3A_24, %dma_wait3A, %dma_wait3A_59] : memref<2x128x128xf32, #tpu.memory_space<vmem>> -> memref<1x128x128xf32, #tpu.memory_space<vmem>>
      %dma_wait3A_61 = tpu.memref_squeeze %dma_wait3A_60 : memref<1x128x128xf32, #tpu.memory_space<vmem>> -> memref<128x128xf32, #tpu.memory_space<vmem>>
      %dma_wait3A_62 = arith.constant 0 : i32
      %dma_wait3A_63 = tpu.memref_slice %arg9[%add3A_23, %dma_wait3A_62] : memref<10112x128xf32, #tpu.memory_space<vmem_shared>> -> memref<128x128xf32, #tpu.memory_space<vmem_shared>>
      %dma_wait3A_64 = arith.constant 0 : i32
      %dma_wait3A_65 = tpu.memref_slice %arg9[%add3A_23, %dma_wait3A_64] : memref<10112x128xf32, #tpu.memory_space<vmem_shared>> -> memref<128x128xf32, #tpu.memory_space<vmem_shared>>
      %dma_wait3A_66 = arith.constant 0 : i32
      %dma_wait3A_67 = arith.constant 0 : i32
      %dma_wait3A_68 = tpu.memref_slice %arg8[%run_scoped3A_24, %dma_wait3A_66, %dma_wait3A_67] : memref<2x128x128xf32, #tpu.memory_space<vmem>> -> memref<1x128x128xf32, #tpu.memory_space<vmem>>
      %dma_wait3A_69 = tpu.memref_squeeze %dma_wait3A_68 : memref<1x128x128xf32, #tpu.memory_space<vmem>> -> memref<128x128xf32, #tpu.memory_space<vmem>>
      tpu.wait_dma2 semaphore(%run_scoped3A_47 : memref<!tpu.dma_semaphore, #tpu.memory_space<semaphore_mem>>) src(%dma_wait3A_69 : memref<128x128xf32, #tpu.memory_space<vmem>>) dst(%dma_wait3A_65 : memref<128x128xf32, #tpu.memory_space<vmem_shared>>)
      tpu.yield
    }) : () -> ()
    %mul3A_25 = arith.constant 632 : i32
    %mul3A_26 = arith.muli %arg1, %mul3A_25 : i32
    %add3A_27 = arith.constant 512 : i32
    %add3A_28 = arith.addi %mul3A_26, %add3A_27 : i32
    %run_scoped3A_29 = arith.constant 0 : i32
    "tpu.region"() ({
      %run_scoped3A_47 = tpu.sem_alloc : memref<!tpu.dma_semaphore, #tpu.memory_space<semaphore_mem>>
      %dma_start3A = arith.constant 0 : i32
      %dma_start3A_48 = arith.constant 0 : i32
      %dma_start3A_49 = tpu.memref_slice %arg8[%run_scoped3A_29, %dma_start3A, %dma_start3A_48] : memref<2x128x128xf32, #tpu.memory_space<vmem>> -> memref<1x128x128xf32, #tpu.memory_space<vmem>>
      %dma_start3A_50 = tpu.memref_squeeze %dma_start3A_49 : memref<1x128x128xf32, #tpu.memory_space<vmem>> -> memref<128x128xf32, #tpu.memory_space<vmem>>
      %dma_start3A_51 = arith.constant 0 : i32
      %dma_start3A_52 = arith.constant 0 : i32
      %dma_start3A_53 = tpu.memref_slice %dma_start3A_50[%dma_start3A_51, %dma_start3A_52] : memref<128x128xf32, #tpu.memory_space<vmem>> -> memref<120x128xf32, #tpu.memory_space<vmem>>
      %dma_start3A_54 = arith.constant 0 : i32
      %dma_start3A_55 = tpu.memref_slice %arg9[%add3A_28, %dma_start3A_54] : memref<10112x128xf32, #tpu.memory_space<vmem_shared>> -> memref<120x128xf32, #tpu.memory_space<vmem_shared>>
      %dma_start3A_56 = arith.constant 0 : i32
      %dma_start3A_57 = tpu.memref_slice %arg9[%add3A_28, %dma_start3A_56] : memref<10112x128xf32, #tpu.memory_space<vmem_shared>> -> memref<120x128xf32, #tpu.memory_space<vmem_shared>>
      %dma_start3A_58 = arith.constant 0 : i32
      %dma_start3A_59 = arith.constant 0 : i32
      %dma_start3A_60 = tpu.memref_slice %arg8[%run_scoped3A_29, %dma_start3A_58, %dma_start3A_59] : memref<2x128x128xf32, #tpu.memory_space<vmem>> -> memref<1x128x128xf32, #tpu.memory_space<vmem>>
      %dma_start3A_61 = tpu.memref_squeeze %dma_start3A_60 : memref<1x128x128xf32, #tpu.memory_space<vmem>> -> memref<128x128xf32, #tpu.memory_space<vmem>>
      %dma_start3A_62 = arith.constant 0 : i32
      %dma_start3A_63 = arith.constant 0 : i32
      %dma_start3A_64 = tpu.memref_slice %dma_start3A_61[%dma_start3A_62, %dma_start3A_63] : memref<128x128xf32, #tpu.memory_space<vmem>> -> memref<120x128xf32, #tpu.memory_space<vmem>>
      tpu.enqueue_dma source(%dma_start3A_64 : memref<120x128xf32, #tpu.memory_space<vmem>>) target(%dma_start3A_57 : memref<120x128xf32, #tpu.memory_space<vmem_shared>>) target_semaphore(%run_scoped3A_47 : memref<!tpu.dma_semaphore, #tpu.memory_space<semaphore_mem>>)
      %dma_wait3A = arith.constant 0 : i32
      %dma_wait3A_65 = arith.constant 0 : i32
      %dma_wait3A_66 = tpu.memref_slice %arg8[%run_scoped3A_29, %dma_wait3A, %dma_wait3A_65] : memref<2x128x128xf32, #tpu.memory_space<vmem>> -> memref<1x128x128xf32, #tpu.memory_space<vmem>>
      %dma_wait3A_67 = tpu.memref_squeeze %dma_wait3A_66 : memref<1x128x128xf32, #tpu.memory_space<vmem>> -> memref<128x128xf32, #tpu.memory_space<vmem>>
      %dma_wait3A_68 = arith.constant 0 : i32
      %dma_wait3A_69 = arith.constant 0 : i32
      %dma_wait3A_70 = tpu.memref_slice %dma_wait3A_67[%dma_wait3A_68, %dma_wait3A_69] : memref<128x128xf32, #tpu.memory_space<vmem>> -> memref<120x128xf32, #tpu.memory_space<vmem>>
      %dma_wait3A_71 = arith.constant 0 : i32
      %dma_wait3A_72 = tpu.memref_slice %arg9[%add3A_28, %dma_wait3A_71] : memref<10112x128xf32, #tpu.memory_space<vmem_shared>> -> memref<120x128xf32, #tpu.memory_space<vmem_shared>>
      %dma_wait3A_73 = arith.constant 0 : i32
      %dma_wait3A_74 = tpu.memref_slice %arg9[%add3A_28, %dma_wait3A_73] : memref<10112x128xf32, #tpu.memory_space<vmem_shared>> -> memref<120x128xf32, #tpu.memory_space<vmem_shared>>
      %dma_wait3A_75 = arith.constant 0 : i32
      %dma_wait3A_76 = arith.constant 0 : i32
      %dma_wait3A_77 = tpu.memref_slice %arg8[%run_scoped3A_29, %dma_wait3A_75, %dma_wait3A_76] : memref<2x128x128xf32, #tpu.memory_space<vmem>> -> memref<1x128x128xf32, #tpu.memory_space<vmem>>
      %dma_wait3A_78 = tpu.memref_squeeze %dma_wait3A_77 : memref<1x128x128xf32, #tpu.memory_space<vmem>> -> memref<128x128xf32, #tpu.memory_space<vmem>>
      %dma_wait3A_79 = arith.constant 0 : i32
      %dma_wait3A_80 = arith.constant 0 : i32
      %dma_wait3A_81 = tpu.memref_slice %dma_wait3A_78[%dma_wait3A_79, %dma_wait3A_80] : memref<128x128xf32, #tpu.memory_space<vmem>> -> memref<120x128xf32, #tpu.memory_space<vmem>>
      tpu.wait_dma2 semaphore(%run_scoped3A_47 : memref<!tpu.dma_semaphore, #tpu.memory_space<semaphore_mem>>) src(%dma_wait3A_81 : memref<120x128xf32, #tpu.memory_space<vmem>>) dst(%dma_wait3A_74 : memref<120x128xf32, #tpu.memory_space<vmem_shared>>)
      tpu.yield
    }) : () -> ()
    %barrier3A = arith.constant 0 : index
    tpu.barrier barrier_id(%barrier3A)
    "tpu.region"() ({
      %run_scoped3A_47 = tpu.sem_alloc : memref<!tpu.dma_semaphore, #tpu.memory_space<semaphore_mem>>
      %dma_start3A = arith.constant 0 : i32
      %dma_start3A_48 = arith.constant 0 : i32
      %dma_start3A_49 = tpu.memref_slice %arg3[%add3A, %dma_start3A, %dma_start3A_48] : memref<32x80x128xi32, #tpu.memory_space<hbm>> -> memref<1x40x128xi32, #tpu.memory_space<hbm>>
      %dma_start3A_50 = tpu.memref_squeeze %dma_start3A_49 : memref<1x40x128xi32, #tpu.memory_space<hbm>> -> memref<40x128xi32, #tpu.memory_space<hbm>>
      %dma_start3A_51 = arith.constant 0 : i32
      %dma_start3A_52 = arith.constant 0 : i32
      %dma_start3A_53 = tpu.memref_slice %arg3[%add3A, %dma_start3A_51, %dma_start3A_52] : memref<32x80x128xi32, #tpu.memory_space<hbm>> -> memref<1x40x128xi32, #tpu.memory_space<hbm>>
      %dma_start3A_54 = tpu.memref_squeeze %dma_start3A_53 : memref<1x40x128xi32, #tpu.memory_space<hbm>> -> memref<40x128xi32, #tpu.memory_space<hbm>>
      tpu.enqueue_dma source(%dma_start3A_54 : memref<40x128xi32, #tpu.memory_space<hbm>>) target(%arg6 : memref<40x128xi32, #tpu.memory_space<vmem>>) target_semaphore(%run_scoped3A_47 : memref<!tpu.dma_semaphore, #tpu.memory_space<semaphore_mem>>)
      %dma_wait3A = arith.constant 0 : i32
      %dma_wait3A_55 = arith.constant 0 : i32
      %dma_wait3A_56 = tpu.memref_slice %arg3[%add3A, %dma_wait3A, %dma_wait3A_55] : memref<32x80x128xi32, #tpu.memory_space<hbm>> -> memref<1x40x128xi32, #tpu.memory_space<hbm>>
      %dma_wait3A_57 = tpu.memref_squeeze %dma_wait3A_56 : memref<1x40x128xi32, #tpu.memory_space<hbm>> -> memref<40x128xi32, #tpu.memory_space<hbm>>
      %dma_wait3A_58 = arith.constant 0 : i32
      %dma_wait3A_59 = arith.constant 0 : i32
      %dma_wait3A_60 = tpu.memref_slice %arg3[%add3A, %dma_wait3A_58, %dma_wait3A_59] : memref<32x80x128xi32, #tpu.memory_space<hbm>> -> memref<1x40x128xi32, #tpu.memory_space<hbm>>
      %dma_wait3A_61 = tpu.memref_squeeze %dma_wait3A_60 : memref<1x40x128xi32, #tpu.memory_space<hbm>> -> memref<40x128xi32, #tpu.memory_space<hbm>>
      tpu.wait_dma2 semaphore(%run_scoped3A_47 : memref<!tpu.dma_semaphore, #tpu.memory_space<semaphore_mem>>) src(%dma_wait3A_61 : memref<40x128xi32, #tpu.memory_space<hbm>>) dst(%arg6 : memref<40x128xi32, #tpu.memory_space<vmem>>)
      tpu.yield
    }) : () -> ()
    "tpu.region"() ({
      %run_scoped3A_47 = tpu.sem_alloc : memref<!tpu.dma_semaphore, #tpu.memory_space<semaphore_mem>>
      %dma_start3A = arith.constant 0 : i32
      %dma_start3A_48 = arith.constant 0 : i32
      %dma_start3A_49 = tpu.memref_slice %arg4[%add3A, %dma_start3A, %dma_start3A_48] : memref<32x80x128xi32, #tpu.memory_space<hbm>> -> memref<1x40x128xi32, #tpu.memory_space<hbm>>
      %dma_start3A_50 = tpu.memref_squeeze %dma_start3A_49 : memref<1x40x128xi32, #tpu.memory_space<hbm>> -> memref<40x128xi32, #tpu.memory_space<hbm>>
      %dma_start3A_51 = arith.constant 0 : i32
      %dma_start3A_52 = arith.constant 0 : i32
      %dma_start3A_53 = tpu.memref_slice %arg4[%add3A, %dma_start3A_51, %dma_start3A_52] : memref<32x80x128xi32, #tpu.memory_space<hbm>> -> memref<1x40x128xi32, #tpu.memory_space<hbm>>
      %dma_start3A_54 = tpu.memref_squeeze %dma_start3A_53 : memref<1x40x128xi32, #tpu.memory_space<hbm>> -> memref<40x128xi32, #tpu.memory_space<hbm>>
      tpu.enqueue_dma source(%dma_start3A_54 : memref<40x128xi32, #tpu.memory_space<hbm>>) target(%arg7 : memref<40x128xi32, #tpu.memory_space<vmem>>) target_semaphore(%run_scoped3A_47 : memref<!tpu.dma_semaphore, #tpu.memory_space<semaphore_mem>>)
      %dma_wait3A = arith.constant 0 : i32
      %dma_wait3A_55 = arith.constant 0 : i32
      %dma_wait3A_56 = tpu.memref_slice %arg4[%add3A, %dma_wait3A, %dma_wait3A_55] : memref<32x80x128xi32, #tpu.memory_space<hbm>> -> memref<1x40x128xi32, #tpu.memory_space<hbm>>
      %dma_wait3A_57 = tpu.memref_squeeze %dma_wait3A_56 : memref<1x40x128xi32, #tpu.memory_space<hbm>> -> memref<40x128xi32, #tpu.memory_space<hbm>>
      %dma_wait3A_58 = arith.constant 0 : i32
      %dma_wait3A_59 = arith.constant 0 : i32
      %dma_wait3A_60 = tpu.memref_slice %arg4[%add3A, %dma_wait3A_58, %dma_wait3A_59] : memref<32x80x128xi32, #tpu.memory_space<hbm>> -> memref<1x40x128xi32, #tpu.memory_space<hbm>>
      %dma_wait3A_61 = tpu.memref_squeeze %dma_wait3A_60 : memref<1x40x128xi32, #tpu.memory_space<hbm>> -> memref<40x128xi32, #tpu.memory_space<hbm>>
      tpu.wait_dma2 semaphore(%run_scoped3A_47 : memref<!tpu.dma_semaphore, #tpu.memory_space<semaphore_mem>>) src(%dma_wait3A_61 : memref<40x128xi32, #tpu.memory_space<hbm>>) dst(%arg7 : memref<40x128xi32, #tpu.memory_space<vmem>>)
      tpu.yield
    }) : () -> ()
    %scan3A_30 = arith.constant 0 : i32
    %scan3A_31 = arith.constant 0 : i32
    %scan3A_32 = arith.constant 20 : i32
    %scan3A_33 = arith.addi %scan3A_31, %scan3A_32 : i32
    %scan3A_34 = arith.constant 1 : i32
    scf.for %scan3A_47 = %scan3A_31 to %scan3A_33 step %scan3A_34  : i32 {
      %mul3A_48 = arith.constant 2 : i32
      %mul3A_49 = arith.muli %scan3A_47, %mul3A_48 : i32
      %add3A_50 = arith.constant 0 : i32
      %add3A_51 = arith.addi %mul3A_49, %add3A_50 : i32
      %dma_start3A = arith.constant 0 : i32
      %dma_start3A_52 = arith.constant 0 : i32
      %dma_start3A_53 = arith.constant 0 : i32
      %dma_start3A_54 = tpu.memref_slice %arg8[%dma_start3A, %dma_start3A_52, %dma_start3A_53] : memref<2x128x128xf32, #tpu.memory_space<vmem>> -> memref<1x128x128xf32, #tpu.memory_space<vmem>>
      %dma_start3A_55 = tpu.memref_squeeze %dma_start3A_54 : memref<1x128x128xf32, #tpu.memory_space<vmem>> -> memref<128x128xf32, #tpu.memory_space<vmem>>
      %dma_start3A_56 = arith.constant 0 : i32
      %dma_start3A_57 = tpu.memref_slice %arg6[%add3A_51, %dma_start3A_56] : memref<40x128xi32, #tpu.memory_space<vmem>> -> memref<1x128xi32, #tpu.memory_space<vmem>>
      %dma_start3A_58 = tpu.memref_squeeze %dma_start3A_57 : memref<1x128xi32, #tpu.memory_space<vmem>> -> memref<128xi32, #tpu.memory_space<vmem>>
      %dma_start3A_59 = arith.constant 0 : i32
      %dma_start3A_60 = arith.constant 0 : i32
      %dma_start3A_61 = tpu.memref_slice %arg2[%dma_start3A_59, %dma_start3A_60] : memref<10112x128xf32, #tpu.memory_space<hbm>> -> memref<10112x128xf32, #tpu.memory_space<hbm>>
      tpu.enqueue_indirect_dma source(%dma_start3A_61 : memref<10112x128xf32, #tpu.memory_space<hbm>>) target(%dma_start3A_55 : memref<128x128xf32, #tpu.memory_space<vmem>>) offsets(%dma_start3A_58 : memref<128xi32, #tpu.memory_space<vmem>>) semaphore(%arg10 : memref<!tpu.dma_semaphore, #tpu.memory_space<semaphore_mem>>)
      %add3A_62 = arith.constant 1 : i32
      %add3A_63 = arith.addi %mul3A_49, %add3A_62 : i32
      %dma_start3A_64 = arith.constant 1 : i32
      %dma_start3A_65 = arith.constant 0 : i32
      %dma_start3A_66 = arith.constant 0 : i32
      %dma_start3A_67 = tpu.memref_slice %arg8[%dma_start3A_64, %dma_start3A_65, %dma_start3A_66] : memref<2x128x128xf32, #tpu.memory_space<vmem>> -> memref<1x128x128xf32, #tpu.memory_space<vmem>>
      %dma_start3A_68 = tpu.memref_squeeze %dma_start3A_67 : memref<1x128x128xf32, #tpu.memory_space<vmem>> -> memref<128x128xf32, #tpu.memory_space<vmem>>
      %dma_start3A_69 = arith.constant 0 : i32
      %dma_start3A_70 = tpu.memref_slice %arg6[%add3A_63, %dma_start3A_69] : memref<40x128xi32, #tpu.memory_space<vmem>> -> memref<1x128xi32, #tpu.memory_space<vmem>>
      %dma_start3A_71 = tpu.memref_squeeze %dma_start3A_70 : memref<1x128xi32, #tpu.memory_space<vmem>> -> memref<128xi32, #tpu.memory_space<vmem>>
      %dma_start3A_72 = arith.constant 0 : i32
      %dma_start3A_73 = arith.constant 0 : i32
      %dma_start3A_74 = tpu.memref_slice %arg2[%dma_start3A_72, %dma_start3A_73] : memref<10112x128xf32, #tpu.memory_space<hbm>> -> memref<10112x128xf32, #tpu.memory_space<hbm>>
      tpu.enqueue_indirect_dma source(%dma_start3A_74 : memref<10112x128xf32, #tpu.memory_space<hbm>>) target(%dma_start3A_68 : memref<128x128xf32, #tpu.memory_space<vmem>>) offsets(%dma_start3A_71 : memref<128xi32, #tpu.memory_space<vmem>>) semaphore(%arg11 : memref<!tpu.dma_semaphore, #tpu.memory_space<semaphore_mem>>)
      %dma_wait3A = arith.constant 0 : i32
      %dma_wait3A_75 = arith.constant 0 : i32
      %dma_wait3A_76 = arith.constant 0 : i32
      %dma_wait3A_77 = tpu.memref_slice %arg8[%dma_wait3A, %dma_wait3A_75, %dma_wait3A_76] : memref<2x128x128xf32, #tpu.memory_space<vmem>> -> memref<1x128x128xf32, #tpu.memory_space<vmem>>
      %dma_wait3A_78 = tpu.memref_squeeze %dma_wait3A_77 : memref<1x128x128xf32, #tpu.memory_space<vmem>> -> memref<128x128xf32, #tpu.memory_space<vmem>>
      %dma_wait3A_79 = arith.constant 0 : i32
      %dma_wait3A_80 = tpu.memref_slice %arg6[%add3A_51, %dma_wait3A_79] : memref<40x128xi32, #tpu.memory_space<vmem>> -> memref<1x128xi32, #tpu.memory_space<vmem>>
      %dma_wait3A_81 = tpu.memref_squeeze %dma_wait3A_80 : memref<1x128xi32, #tpu.memory_space<vmem>> -> memref<128xi32, #tpu.memory_space<vmem>>
      %dma_wait3A_82 = arith.constant 0 : i32
      %dma_wait3A_83 = arith.constant 0 : i32
      %dma_wait3A_84 = tpu.memref_slice %arg2[%dma_wait3A_82, %dma_wait3A_83] : memref<10112x128xf32, #tpu.memory_space<hbm>> -> memref<10112x128xf32, #tpu.memory_space<hbm>>
      tpu.wait_indirect_dma semaphore(%arg10 : memref<!tpu.dma_semaphore, #tpu.memory_space<semaphore_mem>>) src(%dma_wait3A_84 : memref<10112x128xf32, #tpu.memory_space<hbm>>) dst(%dma_wait3A_78 : memref<128x128xf32, #tpu.memory_space<vmem>>)
      %add3A_85 = arith.constant 0 : i32
      %add3A_86 = arith.addi %mul3A_49, %add3A_85 : i32
      %run_scoped3A_87 = arith.constant 0 : i32
      "tpu.region"() ({
        %run_scoped3A_102 = tpu.sem_alloc : memref<!tpu.dma_semaphore, #tpu.memory_space<semaphore_mem>>
        %dma_start3A_103 = arith.constant 0 : i32
        %dma_start3A_104 = arith.constant 0 : i32
        %dma_start3A_105 = tpu.memref_slice %arg8[%run_scoped3A_87, %dma_start3A_103, %dma_start3A_104] : memref<2x128x128xf32, #tpu.memory_space<vmem>> -> memref<1x128x128xf32, #tpu.memory_space<vmem>>
        %dma_start3A_106 = tpu.memref_squeeze %dma_start3A_105 : memref<1x128x128xf32, #tpu.memory_space<vmem>> -> memref<128x128xf32, #tpu.memory_space<vmem>>
        %dma_start3A_107 = arith.constant 0 : i32
        %dma_start3A_108 = tpu.memref_slice %arg7[%add3A_86, %dma_start3A_107] : memref<40x128xi32, #tpu.memory_space<vmem>> -> memref<1x128xi32, #tpu.memory_space<vmem>>
        %dma_start3A_109 = tpu.memref_squeeze %dma_start3A_108 : memref<1x128xi32, #tpu.memory_space<vmem>> -> memref<128xi32, #tpu.memory_space<vmem>>
        %dma_start3A_110 = arith.constant 0 : i32
        %dma_start3A_111 = arith.constant 0 : i32
        %dma_start3A_112 = tpu.memref_slice %arg9[%dma_start3A_110, %dma_start3A_111] : memref<10112x128xf32, #tpu.memory_space<vmem_shared>> -> memref<10112x128xf32, #tpu.memory_space<vmem_shared>>
        tpu.enqueue_indirect_dma source(%dma_start3A_106 : memref<128x128xf32, #tpu.memory_space<vmem>>) target(%dma_start3A_112 : memref<10112x128xf32, #tpu.memory_space<vmem_shared>>) offsets(%dma_start3A_109 : memref<128xi32, #tpu.memory_space<vmem>>) semaphore(%run_scoped3A_102 : memref<!tpu.dma_semaphore, #tpu.memory_space<semaphore_mem>>) {add = true}
        %dma_wait3A_113 = arith.constant 0 : i32
        %dma_wait3A_114 = arith.constant 0 : i32
        %dma_wait3A_115 = tpu.memref_slice %arg8[%run_scoped3A_87, %dma_wait3A_113, %dma_wait3A_114] : memref<2x128x128xf32, #tpu.memory_space<vmem>> -> memref<1x128x128xf32, #tpu.memory_space<vmem>>
        %dma_wait3A_116 = tpu.memref_squeeze %dma_wait3A_115 : memref<1x128x128xf32, #tpu.memory_space<vmem>> -> memref<128x128xf32, #tpu.memory_space<vmem>>
        %dma_wait3A_117 = arith.constant 0 : i32
        %dma_wait3A_118 = tpu.memref_slice %arg7[%add3A_86, %dma_wait3A_117] : memref<40x128xi32, #tpu.memory_space<vmem>> -> memref<1x128xi32, #tpu.memory_space<vmem>>
        %dma_wait3A_119 = tpu.memref_squeeze %dma_wait3A_118 : memref<1x128xi32, #tpu.memory_space<vmem>> -> memref<128xi32, #tpu.memory_space<vmem>>
        %dma_wait3A_120 = arith.constant 0 : i32
        %dma_wait3A_121 = arith.constant 0 : i32
        %dma_wait3A_122 = tpu.memref_slice %arg9[%dma_wait3A_120, %dma_wait3A_121] : memref<10112x128xf32, #tpu.memory_space<vmem_shared>> -> memref<10112x128xf32, #tpu.memory_space<vmem_shared>>
        tpu.wait_indirect_dma semaphore(%run_scoped3A_102 : memref<!tpu.dma_semaphore, #tpu.memory_space<semaphore_mem>>) src(%dma_wait3A_116 : memref<128x128xf32, #tpu.memory_space<vmem>>) dst(%dma_wait3A_122 : memref<10112x128xf32, #tpu.memory_space<vmem_shared>>)
        tpu.yield
      }) : () -> ()
      %dma_wait3A_88 = arith.constant 1 : i32
      %dma_wait3A_89 = arith.constant 0 : i32
      %dma_wait3A_90 = arith.constant 0 : i32
      %dma_wait3A_91 = tpu.memref_slice %arg8[%dma_wait3A_88, %dma_wait3A_89, %dma_wait3A_90] : memref<2x128x128xf32, #tpu.memory_space<vmem>> -> memref<1x128x128xf32, #tpu.memory_space<vmem>>
      %dma_wait3A_92 = tpu.memref_squeeze %dma_wait3A_91 : memref<1x128x128xf32, #tpu.memory_space<vmem>> -> memref<128x128xf32, #tpu.memory_space<vmem>>
      %dma_wait3A_93 = arith.constant 0 : i32
      %dma_wait3A_94 = tpu.memref_slice %arg6[%add3A_63, %dma_wait3A_93] : memref<40x128xi32, #tpu.memory_space<vmem>> -> memref<1x128xi32, #tpu.memory_space<vmem>>
      %dma_wait3A_95 = tpu.memref_squeeze %dma_wait3A_94 : memref<1x128xi32, #tpu.memory_space<vmem>> -> memref<128xi32, #tpu.memory_space<vmem>>
      %dma_wait3A_96 = arith.constant 0 : i32
      %dma_wait3A_97 = arith.constant 0 : i32
      %dma_wait3A_98 = tpu.memref_slice %arg2[%dma_wait3A_96, %dma_wait3A_97] : memref<10112x128xf32, #tpu.memory_space<hbm>> -> memref<10112x128xf32, #tpu.memory_space<hbm>>
      tpu.wait_indirect_dma semaphore(%arg11 : memref<!tpu.dma_semaphore, #tpu.memory_space<semaphore_mem>>) src(%dma_wait3A_98 : memref<10112x128xf32, #tpu.memory_space<hbm>>) dst(%dma_wait3A_92 : memref<128x128xf32, #tpu.memory_space<vmem>>)
      %add3A_99 = arith.constant 1 : i32
      %add3A_100 = arith.addi %mul3A_49, %add3A_99 : i32
      %run_scoped3A_101 = arith.constant 1 : i32
      "tpu.region"() ({
        %run_scoped3A_102 = tpu.sem_alloc : memref<!tpu.dma_semaphore, #tpu.memory_space<semaphore_mem>>
        %dma_start3A_103 = arith.constant 0 : i32
        %dma_start3A_104 = arith.constant 0 : i32
        %dma_start3A_105 = tpu.memref_slice %arg8[%run_scoped3A_101, %dma_start3A_103, %dma_start3A_104] : memref<2x128x128xf32, #tpu.memory_space<vmem>> -> memref<1x128x128xf32, #tpu.memory_space<vmem>>
        %dma_start3A_106 = tpu.memref_squeeze %dma_start3A_105 : memref<1x128x128xf32, #tpu.memory_space<vmem>> -> memref<128x128xf32, #tpu.memory_space<vmem>>
        %dma_start3A_107 = arith.constant 0 : i32
        %dma_start3A_108 = tpu.memref_slice %arg7[%add3A_100, %dma_start3A_107] : memref<40x128xi32, #tpu.memory_space<vmem>> -> memref<1x128xi32, #tpu.memory_space<vmem>>
        %dma_start3A_109 = tpu.memref_squeeze %dma_start3A_108 : memref<1x128xi32, #tpu.memory_space<vmem>> -> memref<128xi32, #tpu.memory_space<vmem>>
        %dma_start3A_110 = arith.constant 0 : i32
        %dma_start3A_111 = arith.constant 0 : i32
        %dma_start3A_112 = tpu.memref_slice %arg9[%dma_start3A_110, %dma_start3A_111] : memref<10112x128xf32, #tpu.memory_space<vmem_shared>> -> memref<10112x128xf32, #tpu.memory_space<vmem_shared>>
        tpu.enqueue_indirect_dma source(%dma_start3A_106 : memref<128x128xf32, #tpu.memory_space<vmem>>) target(%dma_start3A_112 : memref<10112x128xf32, #tpu.memory_space<vmem_shared>>) offsets(%dma_start3A_109 : memref<128xi32, #tpu.memory_space<vmem>>) semaphore(%run_scoped3A_102 : memref<!tpu.dma_semaphore, #tpu.memory_space<semaphore_mem>>) {add = true}
        %dma_wait3A_113 = arith.constant 0 : i32
        %dma_wait3A_114 = arith.constant 0 : i32
        %dma_wait3A_115 = tpu.memref_slice %arg8[%run_scoped3A_101, %dma_wait3A_113, %dma_wait3A_114] : memref<2x128x128xf32, #tpu.memory_space<vmem>> -> memref<1x128x128xf32, #tpu.memory_space<vmem>>
        %dma_wait3A_116 = tpu.memref_squeeze %dma_wait3A_115 : memref<1x128x128xf32, #tpu.memory_space<vmem>> -> memref<128x128xf32, #tpu.memory_space<vmem>>
        %dma_wait3A_117 = arith.constant 0 : i32
        %dma_wait3A_118 = tpu.memref_slice %arg7[%add3A_100, %dma_wait3A_117] : memref<40x128xi32, #tpu.memory_space<vmem>> -> memref<1x128xi32, #tpu.memory_space<vmem>>
        %dma_wait3A_119 = tpu.memref_squeeze %dma_wait3A_118 : memref<1x128xi32, #tpu.memory_space<vmem>> -> memref<128xi32, #tpu.memory_space<vmem>>
        %dma_wait3A_120 = arith.constant 0 : i32
        %dma_wait3A_121 = arith.constant 0 : i32
        %dma_wait3A_122 = tpu.memref_slice %arg9[%dma_wait3A_120, %dma_wait3A_121] : memref<10112x128xf32, #tpu.memory_space<vmem_shared>> -> memref<10112x128xf32, #tpu.memory_space<vmem_shared>>
        tpu.wait_indirect_dma semaphore(%run_scoped3A_102 : memref<!tpu.dma_semaphore, #tpu.memory_space<semaphore_mem>>) src(%dma_wait3A_116 : memref<128x128xf32, #tpu.memory_space<vmem>>) dst(%dma_wait3A_122 : memref<10112x128xf32, #tpu.memory_space<vmem_shared>>)
        tpu.yield
      }) : () -> ()
    }
    %scan3A_35 = arith.constant 20 : i32
    "tpu.region"() ({
      %run_scoped3A_47 = tpu.sem_alloc : memref<!tpu.dma_semaphore, #tpu.memory_space<semaphore_mem>>
      %dma_start3A = arith.constant 40 : i32
      %dma_start3A_48 = arith.constant 0 : i32
      %dma_start3A_49 = tpu.memref_slice %arg3[%add3A, %dma_start3A, %dma_start3A_48] : memref<32x80x128xi32, #tpu.memory_space<hbm>> -> memref<1x40x128xi32, #tpu.memory_space<hbm>>
      %dma_start3A_50 = tpu.memref_squeeze %dma_start3A_49 : memref<1x40x128xi32, #tpu.memory_space<hbm>> -> memref<40x128xi32, #tpu.memory_space<hbm>>
      %dma_start3A_51 = arith.constant 40 : i32
      %dma_start3A_52 = arith.constant 0 : i32
      %dma_start3A_53 = tpu.memref_slice %arg3[%add3A, %dma_start3A_51, %dma_start3A_52] : memref<32x80x128xi32, #tpu.memory_space<hbm>> -> memref<1x40x128xi32, #tpu.memory_space<hbm>>
      %dma_start3A_54 = tpu.memref_squeeze %dma_start3A_53 : memref<1x40x128xi32, #tpu.memory_space<hbm>> -> memref<40x128xi32, #tpu.memory_space<hbm>>
      tpu.enqueue_dma source(%dma_start3A_54 : memref<40x128xi32, #tpu.memory_space<hbm>>) target(%arg6 : memref<40x128xi32, #tpu.memory_space<vmem>>) target_semaphore(%run_scoped3A_47 : memref<!tpu.dma_semaphore, #tpu.memory_space<semaphore_mem>>)
      %dma_wait3A = arith.constant 40 : i32
      %dma_wait3A_55 = arith.constant 0 : i32
      %dma_wait3A_56 = tpu.memref_slice %arg3[%add3A, %dma_wait3A, %dma_wait3A_55] : memref<32x80x128xi32, #tpu.memory_space<hbm>> -> memref<1x40x128xi32, #tpu.memory_space<hbm>>
      %dma_wait3A_57 = tpu.memref_squeeze %dma_wait3A_56 : memref<1x40x128xi32, #tpu.memory_space<hbm>> -> memref<40x128xi32, #tpu.memory_space<hbm>>
      %dma_wait3A_58 = arith.constant 40 : i32
      %dma_wait3A_59 = arith.constant 0 : i32
      %dma_wait3A_60 = tpu.memref_slice %arg3[%add3A, %dma_wait3A_58, %dma_wait3A_59] : memref<32x80x128xi32, #tpu.memory_space<hbm>> -> memref<1x40x128xi32, #tpu.memory_space<hbm>>
      %dma_wait3A_61 = tpu.memref_squeeze %dma_wait3A_60 : memref<1x40x128xi32, #tpu.memory_space<hbm>> -> memref<40x128xi32, #tpu.memory_space<hbm>>
      tpu.wait_dma2 semaphore(%run_scoped3A_47 : memref<!tpu.dma_semaphore, #tpu.memory_space<semaphore_mem>>) src(%dma_wait3A_61 : memref<40x128xi32, #tpu.memory_space<hbm>>) dst(%arg6 : memref<40x128xi32, #tpu.memory_space<vmem>>)
      tpu.yield
    }) : () -> ()
    "tpu.region"() ({
      %run_scoped3A_47 = tpu.sem_alloc : memref<!tpu.dma_semaphore, #tpu.memory_space<semaphore_mem>>
      %dma_start3A = arith.constant 40 : i32
      %dma_start3A_48 = arith.constant 0 : i32
      %dma_start3A_49 = tpu.memref_slice %arg4[%add3A, %dma_start3A, %dma_start3A_48] : memref<32x80x128xi32, #tpu.memory_space<hbm>> -> memref<1x40x128xi32, #tpu.memory_space<hbm>>
      %dma_start3A_50 = tpu.memref_squeeze %dma_start3A_49 : memref<1x40x128xi32, #tpu.memory_space<hbm>> -> memref<40x128xi32, #tpu.memory_space<hbm>>
      %dma_start3A_51 = arith.constant 40 : i32
      %dma_start3A_52 = arith.constant 0 : i32
      %dma_start3A_53 = tpu.memref_slice %arg4[%add3A, %dma_start3A_51, %dma_start3A_52] : memref<32x80x128xi32, #tpu.memory_space<hbm>> -> memref<1x40x128xi32, #tpu.memory_space<hbm>>
      %dma_start3A_54 = tpu.memref_squeeze %dma_start3A_53 : memref<1x40x128xi32, #tpu.memory_space<hbm>> -> memref<40x128xi32, #tpu.memory_space<hbm>>
      tpu.enqueue_dma source(%dma_start3A_54 : memref<40x128xi32, #tpu.memory_space<hbm>>) target(%arg7 : memref<40x128xi32, #tpu.memory_space<vmem>>) target_semaphore(%run_scoped3A_47 : memref<!tpu.dma_semaphore, #tpu.memory_space<semaphore_mem>>)
      %dma_wait3A = arith.constant 40 : i32
      %dma_wait3A_55 = arith.constant 0 : i32
      %dma_wait3A_56 = tpu.memref_slice %arg4[%add3A, %dma_wait3A, %dma_wait3A_55] : memref<32x80x128xi32, #tpu.memory_space<hbm>> -> memref<1x40x128xi32, #tpu.memory_space<hbm>>
      %dma_wait3A_57 = tpu.memref_squeeze %dma_wait3A_56 : memref<1x40x128xi32, #tpu.memory_space<hbm>> -> memref<40x128xi32, #tpu.memory_space<hbm>>
      %dma_wait3A_58 = arith.constant 40 : i32
      %dma_wait3A_59 = arith.constant 0 : i32
      %dma_wait3A_60 = tpu.memref_slice %arg4[%add3A, %dma_wait3A_58, %dma_wait3A_59] : memref<32x80x128xi32, #tpu.memory_space<hbm>> -> memref<1x40x128xi32, #tpu.memory_space<hbm>>
      %dma_wait3A_61 = tpu.memref_squeeze %dma_wait3A_60 : memref<1x40x128xi32, #tpu.memory_space<hbm>> -> memref<40x128xi32, #tpu.memory_space<hbm>>
      tpu.wait_dma2 semaphore(%run_scoped3A_47 : memref<!tpu.dma_semaphore, #tpu.memory_space<semaphore_mem>>) src(%dma_wait3A_61 : memref<40x128xi32, #tpu.memory_space<hbm>>) dst(%arg7 : memref<40x128xi32, #tpu.memory_space<vmem>>)
      tpu.yield
    }) : () -> ()
    %scan3A_36 = arith.constant 0 : i32
    %scan3A_37 = arith.constant 0 : i32
    %scan3A_38 = arith.constant 20 : i32
    %scan3A_39 = arith.addi %scan3A_37, %scan3A_38 : i32
    %scan3A_40 = arith.constant 1 : i32
    scf.for %scan3A_47 = %scan3A_37 to %scan3A_39 step %scan3A_40  : i32 {
      %mul3A_48 = arith.constant 2 : i32
      %mul3A_49 = arith.muli %scan3A_47, %mul3A_48 : i32
      %add3A_50 = arith.constant 0 : i32
      %add3A_51 = arith.addi %mul3A_49, %add3A_50 : i32
      %dma_start3A = arith.constant 0 : i32
      %dma_start3A_52 = arith.constant 0 : i32
      %dma_start3A_53 = arith.constant 0 : i32
      %dma_start3A_54 = tpu.memref_slice %arg8[%dma_start3A, %dma_start3A_52, %dma_start3A_53] : memref<2x128x128xf32, #tpu.memory_space<vmem>> -> memref<1x128x128xf32, #tpu.memory_space<vmem>>
      %dma_start3A_55 = tpu.memref_squeeze %dma_start3A_54 : memref<1x128x128xf32, #tpu.memory_space<vmem>> -> memref<128x128xf32, #tpu.memory_space<vmem>>
      %dma_start3A_56 = arith.constant 0 : i32
      %dma_start3A_57 = tpu.memref_slice %arg6[%add3A_51, %dma_start3A_56] : memref<40x128xi32, #tpu.memory_space<vmem>> -> memref<1x128xi32, #tpu.memory_space<vmem>>
      %dma_start3A_58 = tpu.memref_squeeze %dma_start3A_57 : memref<1x128xi32, #tpu.memory_space<vmem>> -> memref<128xi32, #tpu.memory_space<vmem>>
      %dma_start3A_59 = arith.constant 0 : i32
      %dma_start3A_60 = arith.constant 0 : i32
      %dma_start3A_61 = tpu.memref_slice %arg2[%dma_start3A_59, %dma_start3A_60] : memref<10112x128xf32, #tpu.memory_space<hbm>> -> memref<10112x128xf32, #tpu.memory_space<hbm>>
      tpu.enqueue_indirect_dma source(%dma_start3A_61 : memref<10112x128xf32, #tpu.memory_space<hbm>>) target(%dma_start3A_55 : memref<128x128xf32, #tpu.memory_space<vmem>>) offsets(%dma_start3A_58 : memref<128xi32, #tpu.memory_space<vmem>>) semaphore(%arg10 : memref<!tpu.dma_semaphore, #tpu.memory_space<semaphore_mem>>)
      %add3A_62 = arith.constant 1 : i32
      %add3A_63 = arith.addi %mul3A_49, %add3A_62 : i32
      %dma_start3A_64 = arith.constant 1 : i32
      %dma_start3A_65 = arith.constant 0 : i32
      %dma_start3A_66 = arith.constant 0 : i32
      %dma_start3A_67 = tpu.memref_slice %arg8[%dma_start3A_64, %dma_start3A_65, %dma_start3A_66] : memref<2x128x128xf32, #tpu.memory_space<vmem>> -> memref<1x128x128xf32, #tpu.memory_space<vmem>>
      %dma_start3A_68 = tpu.memref_squeeze %dma_start3A_67 : memref<1x128x128xf32, #tpu.memory_space<vmem>> -> memref<128x128xf32, #tpu.memory_space<vmem>>
      %dma_start3A_69 = arith.constant 0 : i32
      %dma_start3A_70 = tpu.memref_slice %arg6[%add3A_63, %dma_start3A_69] : memref<40x128xi32, #tpu.memory_space<vmem>> -> memref<1x128xi32, #tpu.memory_space<vmem>>
      %dma_start3A_71 = tpu.memref_squeeze %dma_start3A_70 : memref<1x128xi32, #tpu.memory_space<vmem>> -> memref<128xi32, #tpu.memory_space<vmem>>
      %dma_start3A_72 = arith.constant 0 : i32
      %dma_start3A_73 = arith.constant 0 : i32
      %dma_start3A_74 = tpu.memref_slice %arg2[%dma_start3A_72, %dma_start3A_73] : memref<10112x128xf32, #tpu.memory_space<hbm>> -> memref<10112x128xf32, #tpu.memory_space<hbm>>
      tpu.enqueue_indirect_dma source(%dma_start3A_74 : memref<10112x128xf32, #tpu.memory_space<hbm>>) target(%dma_start3A_68 : memref<128x128xf32, #tpu.memory_space<vmem>>) offsets(%dma_start3A_71 : memref<128xi32, #tpu.memory_space<vmem>>) semaphore(%arg11 : memref<!tpu.dma_semaphore, #tpu.memory_space<semaphore_mem>>)
      %dma_wait3A = arith.constant 0 : i32
      %dma_wait3A_75 = arith.constant 0 : i32
      %dma_wait3A_76 = arith.constant 0 : i32
      %dma_wait3A_77 = tpu.memref_slice %arg8[%dma_wait3A, %dma_wait3A_75, %dma_wait3A_76] : memref<2x128x128xf32, #tpu.memory_space<vmem>> -> memref<1x128x128xf32, #tpu.memory_space<vmem>>
      %dma_wait3A_78 = tpu.memref_squeeze %dma_wait3A_77 : memref<1x128x128xf32, #tpu.memory_space<vmem>> -> memref<128x128xf32, #tpu.memory_space<vmem>>
      %dma_wait3A_79 = arith.constant 0 : i32
      %dma_wait3A_80 = tpu.memref_slice %arg6[%add3A_51, %dma_wait3A_79] : memref<40x128xi32, #tpu.memory_space<vmem>> -> memref<1x128xi32, #tpu.memory_space<vmem>>
      %dma_wait3A_81 = tpu.memref_squeeze %dma_wait3A_80 : memref<1x128xi32, #tpu.memory_space<vmem>> -> memref<128xi32, #tpu.memory_space<vmem>>
      %dma_wait3A_82 = arith.constant 0 : i32
      %dma_wait3A_83 = arith.constant 0 : i32
      %dma_wait3A_84 = tpu.memref_slice %arg2[%dma_wait3A_82, %dma_wait3A_83] : memref<10112x128xf32, #tpu.memory_space<hbm>> -> memref<10112x128xf32, #tpu.memory_space<hbm>>
      tpu.wait_indirect_dma semaphore(%arg10 : memref<!tpu.dma_semaphore, #tpu.memory_space<semaphore_mem>>) src(%dma_wait3A_84 : memref<10112x128xf32, #tpu.memory_space<hbm>>) dst(%dma_wait3A_78 : memref<128x128xf32, #tpu.memory_space<vmem>>)
      %add3A_85 = arith.constant 0 : i32
      %add3A_86 = arith.addi %mul3A_49, %add3A_85 : i32
      %run_scoped3A_87 = arith.constant 0 : i32
      "tpu.region"() ({
        %run_scoped3A_102 = tpu.sem_alloc : memref<!tpu.dma_semaphore, #tpu.memory_space<semaphore_mem>>
        %dma_start3A_103 = arith.constant 0 : i32
        %dma_start3A_104 = arith.constant 0 : i32
        %dma_start3A_105 = tpu.memref_slice %arg8[%run_scoped3A_87, %dma_start3A_103, %dma_start3A_104] : memref<2x128x128xf32, #tpu.memory_space<vmem>> -> memref<1x128x128xf32, #tpu.memory_space<vmem>>
        %dma_start3A_106 = tpu.memref_squeeze %dma_start3A_105 : memref<1x128x128xf32, #tpu.memory_space<vmem>> -> memref<128x128xf32, #tpu.memory_space<vmem>>
        %dma_start3A_107 = arith.constant 0 : i32
        %dma_start3A_108 = tpu.memref_slice %arg7[%add3A_86, %dma_start3A_107] : memref<40x128xi32, #tpu.memory_space<vmem>> -> memref<1x128xi32, #tpu.memory_space<vmem>>
        %dma_start3A_109 = tpu.memref_squeeze %dma_start3A_108 : memref<1x128xi32, #tpu.memory_space<vmem>> -> memref<128xi32, #tpu.memory_space<vmem>>
        %dma_start3A_110 = arith.constant 0 : i32
        %dma_start3A_111 = arith.constant 0 : i32
        %dma_start3A_112 = tpu.memref_slice %arg9[%dma_start3A_110, %dma_start3A_111] : memref<10112x128xf32, #tpu.memory_space<vmem_shared>> -> memref<10112x128xf32, #tpu.memory_space<vmem_shared>>
        tpu.enqueue_indirect_dma source(%dma_start3A_106 : memref<128x128xf32, #tpu.memory_space<vmem>>) target(%dma_start3A_112 : memref<10112x128xf32, #tpu.memory_space<vmem_shared>>) offsets(%dma_start3A_109 : memref<128xi32, #tpu.memory_space<vmem>>) semaphore(%run_scoped3A_102 : memref<!tpu.dma_semaphore, #tpu.memory_space<semaphore_mem>>) {add = true}
        %dma_wait3A_113 = arith.constant 0 : i32
        %dma_wait3A_114 = arith.constant 0 : i32
        %dma_wait3A_115 = tpu.memref_slice %arg8[%run_scoped3A_87, %dma_wait3A_113, %dma_wait3A_114] : memref<2x128x128xf32, #tpu.memory_space<vmem>> -> memref<1x128x128xf32, #tpu.memory_space<vmem>>
        %dma_wait3A_116 = tpu.memref_squeeze %dma_wait3A_115 : memref<1x128x128xf32, #tpu.memory_space<vmem>> -> memref<128x128xf32, #tpu.memory_space<vmem>>
        %dma_wait3A_117 = arith.constant 0 : i32
        %dma_wait3A_118 = tpu.memref_slice %arg7[%add3A_86, %dma_wait3A_117] : memref<40x128xi32, #tpu.memory_space<vmem>> -> memref<1x128xi32, #tpu.memory_space<vmem>>
        %dma_wait3A_119 = tpu.memref_squeeze %dma_wait3A_118 : memref<1x128xi32, #tpu.memory_space<vmem>> -> memref<128xi32, #tpu.memory_space<vmem>>
        %dma_wait3A_120 = arith.constant 0 : i32
        %dma_wait3A_121 = arith.constant 0 : i32
        %dma_wait3A_122 = tpu.memref_slice %arg9[%dma_wait3A_120, %dma_wait3A_121] : memref<10112x128xf32, #tpu.memory_space<vmem_shared>> -> memref<10112x128xf32, #tpu.memory_space<vmem_shared>>
        tpu.wait_indirect_dma semaphore(%run_scoped3A_102 : memref<!tpu.dma_semaphore, #tpu.memory_space<semaphore_mem>>) src(%dma_wait3A_116 : memref<128x128xf32, #tpu.memory_space<vmem>>) dst(%dma_wait3A_122 : memref<10112x128xf32, #tpu.memory_space<vmem_shared>>)
        tpu.yield
      }) : () -> ()
      %dma_wait3A_88 = arith.constant 1 : i32
      %dma_wait3A_89 = arith.constant 0 : i32
      %dma_wait3A_90 = arith.constant 0 : i32
      %dma_wait3A_91 = tpu.memref_slice %arg8[%dma_wait3A_88, %dma_wait3A_89, %dma_wait3A_90] : memref<2x128x128xf32, #tpu.memory_space<vmem>> -> memref<1x128x128xf32, #tpu.memory_space<vmem>>
      %dma_wait3A_92 = tpu.memref_squeeze %dma_wait3A_91 : memref<1x128x128xf32, #tpu.memory_space<vmem>> -> memref<128x128xf32, #tpu.memory_space<vmem>>
      %dma_wait3A_93 = arith.constant 0 : i32
      %dma_wait3A_94 = tpu.memref_slice %arg6[%add3A_63, %dma_wait3A_93] : memref<40x128xi32, #tpu.memory_space<vmem>> -> memref<1x128xi32, #tpu.memory_space<vmem>>
      %dma_wait3A_95 = tpu.memref_squeeze %dma_wait3A_94 : memref<1x128xi32, #tpu.memory_space<vmem>> -> memref<128xi32, #tpu.memory_space<vmem>>
      %dma_wait3A_96 = arith.constant 0 : i32
      %dma_wait3A_97 = arith.constant 0 : i32
      %dma_wait3A_98 = tpu.memref_slice %arg2[%dma_wait3A_96, %dma_wait3A_97] : memref<10112x128xf32, #tpu.memory_space<hbm>> -> memref<10112x128xf32, #tpu.memory_space<hbm>>
      tpu.wait_indirect_dma semaphore(%arg11 : memref<!tpu.dma_semaphore, #tpu.memory_space<semaphore_mem>>) src(%dma_wait3A_98 : memref<10112x128xf32, #tpu.memory_space<hbm>>) dst(%dma_wait3A_92 : memref<128x128xf32, #tpu.memory_space<vmem>>)
      %add3A_99 = arith.constant 1 : i32
      %add3A_100 = arith.addi %mul3A_49, %add3A_99 : i32
      %run_scoped3A_101 = arith.constant 1 : i32
      "tpu.region"() ({
        %run_scoped3A_102 = tpu.sem_alloc : memref<!tpu.dma_semaphore, #tpu.memory_space<semaphore_mem>>
        %dma_start3A_103 = arith.constant 0 : i32
        %dma_start3A_104 = arith.constant 0 : i32
        %dma_start3A_105 = tpu.memref_slice %arg8[%run_scoped3A_101, %dma_start3A_103, %dma_start3A_104] : memref<2x128x128xf32, #tpu.memory_space<vmem>> -> memref<1x128x128xf32, #tpu.memory_space<vmem>>
        %dma_start3A_106 = tpu.memref_squeeze %dma_start3A_105 : memref<1x128x128xf32, #tpu.memory_space<vmem>> -> memref<128x128xf32, #tpu.memory_space<vmem>>
        %dma_start3A_107 = arith.constant 0 : i32
        %dma_start3A_108 = tpu.memref_slice %arg7[%add3A_100, %dma_start3A_107] : memref<40x128xi32, #tpu.memory_space<vmem>> -> memref<1x128xi32, #tpu.memory_space<vmem>>
        %dma_start3A_109 = tpu.memref_squeeze %dma_start3A_108 : memref<1x128xi32, #tpu.memory_space<vmem>> -> memref<128xi32, #tpu.memory_space<vmem>>
        %dma_start3A_110 = arith.constant 0 : i32
        %dma_start3A_111 = arith.constant 0 : i32
        %dma_start3A_112 = tpu.memref_slice %arg9[%dma_start3A_110, %dma_start3A_111] : memref<10112x128xf32, #tpu.memory_space<vmem_shared>> -> memref<10112x128xf32, #tpu.memory_space<vmem_shared>>
        tpu.enqueue_indirect_dma source(%dma_start3A_106 : memref<128x128xf32, #tpu.memory_space<vmem>>) target(%dma_start3A_112 : memref<10112x128xf32, #tpu.memory_space<vmem_shared>>) offsets(%dma_start3A_109 : memref<128xi32, #tpu.memory_space<vmem>>) semaphore(%run_scoped3A_102 : memref<!tpu.dma_semaphore, #tpu.memory_space<semaphore_mem>>) {add = true}
        %dma_wait3A_113 = arith.constant 0 : i32
        %dma_wait3A_114 = arith.constant 0 : i32
        %dma_wait3A_115 = tpu.memref_slice %arg8[%run_scoped3A_101, %dma_wait3A_113, %dma_wait3A_114] : memref<2x128x128xf32, #tpu.memory_space<vmem>> -> memref<1x128x128xf32, #tpu.memory_space<vmem>>
        %dma_wait3A_116 = tpu.memref_squeeze %dma_wait3A_115 : memref<1x128x128xf32, #tpu.memory_space<vmem>> -> memref<128x128xf32, #tpu.memory_space<vmem>>
        %dma_wait3A_117 = arith.constant 0 : i32
        %dma_wait3A_118 = tpu.memref_slice %arg7[%add3A_100, %dma_wait3A_117] : memref<40x128xi32, #tpu.memory_space<vmem>> -> memref<1x128xi32, #tpu.memory_space<vmem>>
        %dma_wait3A_119 = tpu.memref_squeeze %dma_wait3A_118 : memref<1x128xi32, #tpu.memory_space<vmem>> -> memref<128xi32, #tpu.memory_space<vmem>>
        %dma_wait3A_120 = arith.constant 0 : i32
        %dma_wait3A_121 = arith.constant 0 : i32
        %dma_wait3A_122 = tpu.memref_slice %arg9[%dma_wait3A_120, %dma_wait3A_121] : memref<10112x128xf32, #tpu.memory_space<vmem_shared>> -> memref<10112x128xf32, #tpu.memory_space<vmem_shared>>
        tpu.wait_indirect_dma semaphore(%run_scoped3A_102 : memref<!tpu.dma_semaphore, #tpu.memory_space<semaphore_mem>>) src(%dma_wait3A_116 : memref<128x128xf32, #tpu.memory_space<vmem>>) dst(%dma_wait3A_122 : memref<10112x128xf32, #tpu.memory_space<vmem_shared>>)
        tpu.yield
      }) : () -> ()
    }
    %scan3A_41 = arith.constant 20 : i32
    %barrier3A_42 = arith.constant 0 : index
    tpu.barrier barrier_id(%barrier3A_42)
    %mul3A_43 = arith.constant 632 : i32
    %mul3A_44 = arith.muli %arg1, %mul3A_43 : i32
    %mul3A_45 = arith.constant 632 : i32
    %mul3A_46 = arith.muli %arg1, %mul3A_45 : i32
    "tpu.region"() ({
      %run_scoped3A_47 = tpu.sem_alloc : memref<!tpu.dma_semaphore, #tpu.memory_space<semaphore_mem>>
      %dma_start3A = arith.constant 0 : i32
      %dma_start3A_48 = tpu.memref_slice %arg5[%arg0, %mul3A_46, %dma_start3A] : memref<2x10112x128xf32, #tpu.memory_space<hbm>> -> memref<1x632x128xf32, #tpu.memory_space<hbm>>
      %dma_start3A_49 = tpu.memref_squeeze %dma_start3A_48 : memref<1x632x128xf32, #tpu.memory_space<hbm>> -> memref<632x128xf32, #tpu.memory_space<hbm>>
      %dma_start3A_50 = arith.constant 0 : i32
      %dma_start3A_51 = tpu.memref_slice %arg9[%mul3A_44, %dma_start3A_50] : memref<10112x128xf32, #tpu.memory_space<vmem_shared>> -> memref<632x128xf32, #tpu.memory_space<vmem_shared>>
      tpu.enqueue_dma source(%dma_start3A_51 : memref<632x128xf32, #tpu.memory_space<vmem_shared>>) target(%dma_start3A_49 : memref<632x128xf32, #tpu.memory_space<hbm>>) target_semaphore(%run_scoped3A_47 : memref<!tpu.dma_semaphore, #tpu.memory_space<semaphore_mem>>)
      %dma_wait3A = arith.constant 0 : i32
      %dma_wait3A_52 = tpu.memref_slice %arg5[%arg0, %mul3A_46, %dma_wait3A] : memref<2x10112x128xf32, #tpu.memory_space<hbm>> -> memref<1x632x128xf32, #tpu.memory_space<hbm>>
      %dma_wait3A_53 = tpu.memref_squeeze %dma_wait3A_52 : memref<1x632x128xf32, #tpu.memory_space<hbm>> -> memref<632x128xf32, #tpu.memory_space<hbm>>
      %dma_wait3A_54 = arith.constant 0 : i32
      %dma_wait3A_55 = tpu.memref_slice %arg9[%mul3A_44, %dma_wait3A_54] : memref<10112x128xf32, #tpu.memory_space<vmem_shared>> -> memref<632x128xf32, #tpu.memory_space<vmem_shared>>
      tpu.wait_dma2 semaphore(%run_scoped3A_47 : memref<!tpu.dma_semaphore, #tpu.memory_space<semaphore_mem>>) src(%dma_wait3A_55 : memref<632x128xf32, #tpu.memory_space<vmem_shared>>) dst(%dma_wait3A_53 : memref<632x128xf32, #tpu.memory_space<hbm>>)
      tpu.yield
    }) : () -> ()
    return
  }
}

#map = affine_map<(d0, d1) -> (0, 0)>
#map1 = affine_map<(d0, d1) -> (0, 0, 0)>
module attributes {stable_mosaic.version = 14 : i64} {
  func.func @_sc_agg_body(%arg0: i32, %arg1: i32, %arg2: memref<10112x128xf32, #tpu.memory_space<hbm>>, %arg3: memref<32x80x128xi32, #tpu.memory_space<hbm>>, %arg4: memref<32x80x128xi32, #tpu.memory_space<hbm>>, %arg5: memref<2x10112x128xf32, #tpu.memory_space<hbm>>, %arg6: memref<40x128xi32, #tpu.memory_space<vmem>>, %arg7: memref<40x128xi32, #tpu.memory_space<vmem>>, %arg8: memref<2x128x128xf32, #tpu.memory_space<vmem>>, %arg9: memref<10112x128xf32, #tpu.memory_space<vmem_shared>>, %arg10: memref<!tpu.dma_semaphore, #tpu.memory_space<semaphore_mem>>, %arg11: memref<!tpu.dma_semaphore, #tpu.memory_space<semaphore_mem>>) attributes {dimension_semantics = [#tpu.dimension_semantics<core_parallel>, #tpu.dimension_semantics<subcore_parallel>], iteration_bounds = array<i64: 2, 16>, scalar_prefetch = 0 : i64, scratch_operands = 6 : i64, tpu.core_type = #tpu.core_type<sc_vector_subcore>, window_params = [{transform_indices = #map}, {transform_indices = #map1}, {transform_indices = #map1}, {transform_indices = #map1}]} {
    %mul3A = arith.constant 16 : i32
    %mul3A_0 = arith.muli %arg0, %mul3A : i32
    %add3A = arith.addi %mul3A_0, %arg1 : i32
    %scan3A = arith.constant 0 : i32
    %scan3A_1 = arith.constant 0 : i32
    %scan3A_2 = arith.constant 128 : i32
    %scan3A_3 = arith.addi %scan3A_1, %scan3A_2 : i32
    %scan3A_4 = arith.constant 1 : i32
    scf.for %scan3A_47 = %scan3A_1 to %scan3A_3 step %scan3A_4  : i32 {
      %broadcast_in_dim3A = arith.constant 0.000000e+00 : f32
      %broadcast_in_dim3A_48 = vector.broadcast %broadcast_in_dim3A : f32 to vector<16xf32>
      %swap3A = arith.constant 0 : i32
      %swap3A_49 = arith.index_cast %swap3A : i32 to index
      %swap3A_50 = arith.index_cast %scan3A_47 : i32 to index
      %swap3A_51 = arith.constant 0 : index
      %swap3A_52 = tpu.vector_load %arg8[%swap3A_49, %swap3A_50, %swap3A_51] {strides = array<i32>} : memref<2x128x128xf32, #tpu.memory_space<vmem>>, vector<1x1x16xf32>,
      %swap3A_53 = vector.shape_cast %swap3A_52 : vector<1x1x16xf32> to vector<16xf32>
      %swap3A_54 = vector.shape_cast %broadcast_in_dim3A_48 : vector<16xf32> to vector<1x1x16xf32>
      tpu.vector_store %arg8[%swap3A_49, %swap3A_50, %swap3A_51], %swap3A_54 {strides = array<i32>} : memref<2x128x128xf32, #tpu.memory_space<vmem>>, vector<1x1x16xf32>,
      %broadcast_in_dim3A_55 = arith.constant 0.000000e+00 : f32
      %broadcast_in_dim3A_56 = vector.broadcast %broadcast_in_dim3A_55 : f32 to vector<16xf32>
      %swap3A_57 = arith.constant 0 : i32
      %swap3A_58 = arith.index_cast %swap3A_57 : i32 to index
      %swap3A_59 = arith.index_cast %scan3A_47 : i32 to index
      %swap3A_60 = arith.constant 16 : index
      %swap3A_61 = tpu.vector_load %arg8[%swap3A_58, %swap3A_59, %swap3A_60] {strides = array<i32>} : memref<2x128x128xf32, #tpu.memory_space<vmem>>, vector<1x1x16xf32>,
      %swap3A_62 = vector.shape_cast %swap3A_61 : vector<1x1x16xf32> to vector<16xf32>
      %swap3A_63 = vector.shape_cast %broadcast_in_dim3A_56 : vector<16xf32> to vector<1x1x16xf32>
      tpu.vector_store %arg8[%swap3A_58, %swap3A_59, %swap3A_60], %swap3A_63 {strides = array<i32>} : memref<2x128x128xf32, #tpu.memory_space<vmem>>, vector<1x1x16xf32>,
      %broadcast_in_dim3A_64 = arith.constant 0.000000e+00 : f32
      %broadcast_in_dim3A_65 = vector.broadcast %broadcast_in_dim3A_64 : f32 to vector<16xf32>
      %swap3A_66 = arith.constant 0 : i32
      %swap3A_67 = arith.index_cast %swap3A_66 : i32 to index
      %swap3A_68 = arith.index_cast %scan3A_47 : i32 to index
      %swap3A_69 = arith.constant 32 : index
      %swap3A_70 = tpu.vector_load %arg8[%swap3A_67, %swap3A_68, %swap3A_69] {strides = array<i32>} : memref<2x128x128xf32, #tpu.memory_space<vmem>>, vector<1x1x16xf32>,
      %swap3A_71 = vector.shape_cast %swap3A_70 : vector<1x1x16xf32> to vector<16xf32>
      %swap3A_72 = vector.shape_cast %broadcast_in_dim3A_65 : vector<16xf32> to vector<1x1x16xf32>
      tpu.vector_store %arg8[%swap3A_67, %swap3A_68, %swap3A_69], %swap3A_72 {strides = array<i32>} : memref<2x128x128xf32, #tpu.memory_space<vmem>>, vector<1x1x16xf32>,
      %broadcast_in_dim3A_73 = arith.constant 0.000000e+00 : f32
      %broadcast_in_dim3A_74 = vector.broadcast %broadcast_in_dim3A_73 : f32 to vector<16xf32>
      %swap3A_75 = arith.constant 0 : i32
      %swap3A_76 = arith.index_cast %swap3A_75 : i32 to index
      %swap3A_77 = arith.index_cast %scan3A_47 : i32 to index
      %swap3A_78 = arith.constant 48 : index
      %swap3A_79 = tpu.vector_load %arg8[%swap3A_76, %swap3A_77, %swap3A_78] {strides = array<i32>} : memref<2x128x128xf32, #tpu.memory_space<vmem>>, vector<1x1x16xf32>,
      %swap3A_80 = vector.shape_cast %swap3A_79 : vector<1x1x16xf32> to vector<16xf32>
      %swap3A_81 = vector.shape_cast %broadcast_in_dim3A_74 : vector<16xf32> to vector<1x1x16xf32>
      tpu.vector_store %arg8[%swap3A_76, %swap3A_77, %swap3A_78], %swap3A_81 {strides = array<i32>} : memref<2x128x128xf32, #tpu.memory_space<vmem>>, vector<1x1x16xf32>,
      %broadcast_in_dim3A_82 = arith.constant 0.000000e+00 : f32
      %broadcast_in_dim3A_83 = vector.broadcast %broadcast_in_dim3A_82 : f32 to vector<16xf32>
      %swap3A_84 = arith.constant 0 : i32
      %swap3A_85 = arith.index_cast %swap3A_84 : i32 to index
      %swap3A_86 = arith.index_cast %scan3A_47 : i32 to index
      %swap3A_87 = arith.constant 64 : index
      %swap3A_88 = tpu.vector_load %arg8[%swap3A_85, %swap3A_86, %swap3A_87] {strides = array<i32>} : memref<2x128x128xf32, #tpu.memory_space<vmem>>, vector<1x1x16xf32>,
      %swap3A_89 = vector.shape_cast %swap3A_88 : vector<1x1x16xf32> to vector<16xf32>
      %swap3A_90 = vector.shape_cast %broadcast_in_dim3A_83 : vector<16xf32> to vector<1x1x16xf32>
      tpu.vector_store %arg8[%swap3A_85, %swap3A_86, %swap3A_87], %swap3A_90 {strides = array<i32>} : memref<2x128x128xf32, #tpu.memory_space<vmem>>, vector<1x1x16xf32>,
      %broadcast_in_dim3A_91 = arith.constant 0.000000e+00 : f32
      %broadcast_in_dim3A_92 = vector.broadcast %broadcast_in_dim3A_91 : f32 to vector<16xf32>
      %swap3A_93 = arith.constant 0 : i32
      %swap3A_94 = arith.index_cast %swap3A_93 : i32 to index
      %swap3A_95 = arith.index_cast %scan3A_47 : i32 to index
      %swap3A_96 = arith.constant 80 : index
      %swap3A_97 = tpu.vector_load %arg8[%swap3A_94, %swap3A_95, %swap3A_96] {strides = array<i32>} : memref<2x128x128xf32, #tpu.memory_space<vmem>>, vector<1x1x16xf32>,
      %swap3A_98 = vector.shape_cast %swap3A_97 : vector<1x1x16xf32> to vector<16xf32>
      %swap3A_99 = vector.shape_cast %broadcast_in_dim3A_92 : vector<16xf32> to vector<1x1x16xf32>
      tpu.vector_store %arg8[%swap3A_94, %swap3A_95, %swap3A_96], %swap3A_99 {strides = array<i32>} : memref<2x128x128xf32, #tpu.memory_space<vmem>>, vector<1x1x16xf32>,
      %broadcast_in_dim3A_100 = arith.constant 0.000000e+00 : f32
      %broadcast_in_dim3A_101 = vector.broadcast %broadcast_in_dim3A_100 : f32 to vector<16xf32>
      %swap3A_102 = arith.constant 0 : i32
      %swap3A_103 = arith.index_cast %swap3A_102 : i32 to index
      %swap3A_104 = arith.index_cast %scan3A_47 : i32 to index
      %swap3A_105 = arith.constant 96 : index
      %swap3A_106 = tpu.vector_load %arg8[%swap3A_103, %swap3A_104, %swap3A_105] {strides = array<i32>} : memref<2x128x128xf32, #tpu.memory_space<vmem>>, vector<1x1x16xf32>,
      %swap3A_107 = vector.shape_cast %swap3A_106 : vector<1x1x16xf32> to vector<16xf32>
      %swap3A_108 = vector.shape_cast %broadcast_in_dim3A_101 : vector<16xf32> to vector<1x1x16xf32>
      tpu.vector_store %arg8[%swap3A_103, %swap3A_104, %swap3A_105], %swap3A_108 {strides = array<i32>} : memref<2x128x128xf32, #tpu.memory_space<vmem>>, vector<1x1x16xf32>,
      %broadcast_in_dim3A_109 = arith.constant 0.000000e+00 : f32
      %broadcast_in_dim3A_110 = vector.broadcast %broadcast_in_dim3A_109 : f32 to vector<16xf32>
      %swap3A_111 = arith.constant 0 : i32
      %swap3A_112 = arith.index_cast %swap3A_111 : i32 to index
      %swap3A_113 = arith.index_cast %scan3A_47 : i32 to index
      %swap3A_114 = arith.constant 112 : index
      %swap3A_115 = tpu.vector_load %arg8[%swap3A_112, %swap3A_113, %swap3A_114] {strides = array<i32>} : memref<2x128x128xf32, #tpu.memory_space<vmem>>, vector<1x1x16xf32>,
      %swap3A_116 = vector.shape_cast %swap3A_115 : vector<1x1x16xf32> to vector<16xf32>
      %swap3A_117 = vector.shape_cast %broadcast_in_dim3A_110 : vector<16xf32> to vector<1x1x16xf32>
      tpu.vector_store %arg8[%swap3A_112, %swap3A_113, %swap3A_114], %swap3A_117 {strides = array<i32>} : memref<2x128x128xf32, #tpu.memory_space<vmem>>, vector<1x1x16xf32>,
    }
    %scan3A_5 = arith.constant 128 : i32
    %mul3A_6 = arith.constant 632 : i32
    %mul3A_7 = arith.muli %arg1, %mul3A_6 : i32
    %add3A_8 = arith.constant 0 : i32
    %add3A_9 = arith.addi %mul3A_7, %add3A_8 : i32
    %run_scoped3A = arith.constant 0 : i32
    "tpu.region"() ({
      %run_scoped3A_47 = tpu.sem_alloc : memref<!tpu.dma_semaphore, #tpu.memory_space<semaphore_mem>>
      %dma_start3A = arith.constant 0 : i32
      %dma_start3A_48 = arith.constant 0 : i32
      %dma_start3A_49 = tpu.memref_slice %arg8[%run_scoped3A, %dma_start3A, %dma_start3A_48] : memref<2x128x128xf32, #tpu.memory_space<vmem>> -> memref<1x128x128xf32, #tpu.memory_space<vmem>>
      %dma_start3A_50 = tpu.memref_squeeze %dma_start3A_49 : memref<1x128x128xf32, #tpu.memory_space<vmem>> -> memref<128x128xf32, #tpu.memory_space<vmem>>
      %dma_start3A_51 = arith.constant 0 : i32
      %dma_start3A_52 = tpu.memref_slice %arg9[%add3A_9, %dma_start3A_51] : memref<10112x128xf32, #tpu.memory_space<vmem_shared>> -> memref<128x128xf32, #tpu.memory_space<vmem_shared>>
      %dma_start3A_53 = arith.constant 0 : i32
      %dma_start3A_54 = tpu.memref_slice %arg9[%add3A_9, %dma_start3A_53] : memref<10112x128xf32, #tpu.memory_space<vmem_shared>> -> memref<128x128xf32, #tpu.memory_space<vmem_shared>>
      %dma_start3A_55 = arith.constant 0 : i32
      %dma_start3A_56 = arith.constant 0 : i32
      %dma_start3A_57 = tpu.memref_slice %arg8[%run_scoped3A, %dma_start3A_55, %dma_start3A_56] : memref<2x128x128xf32, #tpu.memory_space<vmem>> -> memref<1x128x128xf32, #tpu.memory_space<vmem>>
      %dma_start3A_58 = tpu.memref_squeeze %dma_start3A_57 : memref<1x128x128xf32, #tpu.memory_space<vmem>> -> memref<128x128xf32, #tpu.memory_space<vmem>>
      tpu.enqueue_dma source(%dma_start3A_58 : memref<128x128xf32, #tpu.memory_space<vmem>>) target(%dma_start3A_54 : memref<128x128xf32, #tpu.memory_space<vmem_shared>>) target_semaphore(%run_scoped3A_47 : memref<!tpu.dma_semaphore, #tpu.memory_space<semaphore_mem>>)
      %dma_wait3A = arith.constant 0 : i32
      %dma_wait3A_59 = arith.constant 0 : i32
      %dma_wait3A_60 = tpu.memref_slice %arg8[%run_scoped3A, %dma_wait3A, %dma_wait3A_59] : memref<2x128x128xf32, #tpu.memory_space<vmem>> -> memref<1x128x128xf32, #tpu.memory_space<vmem>>
      %dma_wait3A_61 = tpu.memref_squeeze %dma_wait3A_60 : memref<1x128x128xf32, #tpu.memory_space<vmem>> -> memref<128x128xf32, #tpu.memory_space<vmem>>
      %dma_wait3A_62 = arith.constant 0 : i32
      %dma_wait3A_63 = tpu.memref_slice %arg9[%add3A_9, %dma_wait3A_62] : memref<10112x128xf32, #tpu.memory_space<vmem_shared>> -> memref<128x128xf32, #tpu.memory_space<vmem_shared>>
      %dma_wait3A_64 = arith.constant 0 : i32
      %dma_wait3A_65 = tpu.memref_slice %arg9[%add3A_9, %dma_wait3A_64] : memref<10112x128xf32, #tpu.memory_space<vmem_shared>> -> memref<128x128xf32, #tpu.memory_space<vmem_shared>>
      %dma_wait3A_66 = arith.constant 0 : i32
      %dma_wait3A_67 = arith.constant 0 : i32
      %dma_wait3A_68 = tpu.memref_slice %arg8[%run_scoped3A, %dma_wait3A_66, %dma_wait3A_67] : memref<2x128x128xf32, #tpu.memory_space<vmem>> -> memref<1x128x128xf32, #tpu.memory_space<vmem>>
      %dma_wait3A_69 = tpu.memref_squeeze %dma_wait3A_68 : memref<1x128x128xf32, #tpu.memory_space<vmem>> -> memref<128x128xf32, #tpu.memory_space<vmem>>
      tpu.wait_dma2 semaphore(%run_scoped3A_47 : memref<!tpu.dma_semaphore, #tpu.memory_space<semaphore_mem>>) src(%dma_wait3A_69 : memref<128x128xf32, #tpu.memory_space<vmem>>) dst(%dma_wait3A_65 : memref<128x128xf32, #tpu.memory_space<vmem_shared>>)
      tpu.yield
    }) : () -> ()
    %mul3A_10 = arith.constant 632 : i32
    %mul3A_11 = arith.muli %arg1, %mul3A_10 : i32
    %add3A_12 = arith.constant 128 : i32
    %add3A_13 = arith.addi %mul3A_11, %add3A_12 : i32
    %run_scoped3A_14 = arith.constant 0 : i32
    "tpu.region"() ({
      %run_scoped3A_47 = tpu.sem_alloc : memref<!tpu.dma_semaphore, #tpu.memory_space<semaphore_mem>>
      %dma_start3A = arith.constant 0 : i32
      %dma_start3A_48 = arith.constant 0 : i32
      %dma_start3A_49 = tpu.memref_slice %arg8[%run_scoped3A_14, %dma_start3A, %dma_start3A_48] : memref<2x128x128xf32, #tpu.memory_space<vmem>> -> memref<1x128x128xf32, #tpu.memory_space<vmem>>
      %dma_start3A_50 = tpu.memref_squeeze %dma_start3A_49 : memref<1x128x128xf32, #tpu.memory_space<vmem>> -> memref<128x128xf32, #tpu.memory_space<vmem>>
      %dma_start3A_51 = arith.constant 0 : i32
      %dma_start3A_52 = tpu.memref_slice %arg9[%add3A_13, %dma_start3A_51] : memref<10112x128xf32, #tpu.memory_space<vmem_shared>> -> memref<128x128xf32, #tpu.memory_space<vmem_shared>>
      %dma_start3A_53 = arith.constant 0 : i32
      %dma_start3A_54 = tpu.memref_slice %arg9[%add3A_13, %dma_start3A_53] : memref<10112x128xf32, #tpu.memory_space<vmem_shared>> -> memref<128x128xf32, #tpu.memory_space<vmem_shared>>
      %dma_start3A_55 = arith.constant 0 : i32
      %dma_start3A_56 = arith.constant 0 : i32
      %dma_start3A_57 = tpu.memref_slice %arg8[%run_scoped3A_14, %dma_start3A_55, %dma_start3A_56] : memref<2x128x128xf32, #tpu.memory_space<vmem>> -> memref<1x128x128xf32, #tpu.memory_space<vmem>>
      %dma_start3A_58 = tpu.memref_squeeze %dma_start3A_57 : memref<1x128x128xf32, #tpu.memory_space<vmem>> -> memref<128x128xf32, #tpu.memory_space<vmem>>
      tpu.enqueue_dma source(%dma_start3A_58 : memref<128x128xf32, #tpu.memory_space<vmem>>) target(%dma_start3A_54 : memref<128x128xf32, #tpu.memory_space<vmem_shared>>) target_semaphore(%run_scoped3A_47 : memref<!tpu.dma_semaphore, #tpu.memory_space<semaphore_mem>>)
      %dma_wait3A = arith.constant 0 : i32
      %dma_wait3A_59 = arith.constant 0 : i32
      %dma_wait3A_60 = tpu.memref_slice %arg8[%run_scoped3A_14, %dma_wait3A, %dma_wait3A_59] : memref<2x128x128xf32, #tpu.memory_space<vmem>> -> memref<1x128x128xf32, #tpu.memory_space<vmem>>
      %dma_wait3A_61 = tpu.memref_squeeze %dma_wait3A_60 : memref<1x128x128xf32, #tpu.memory_space<vmem>> -> memref<128x128xf32, #tpu.memory_space<vmem>>
      %dma_wait3A_62 = arith.constant 0 : i32
      %dma_wait3A_63 = tpu.memref_slice %arg9[%add3A_13, %dma_wait3A_62] : memref<10112x128xf32, #tpu.memory_space<vmem_shared>> -> memref<128x128xf32, #tpu.memory_space<vmem_shared>>
      %dma_wait3A_64 = arith.constant 0 : i32
      %dma_wait3A_65 = tpu.memref_slice %arg9[%add3A_13, %dma_wait3A_64] : memref<10112x128xf32, #tpu.memory_space<vmem_shared>> -> memref<128x128xf32, #tpu.memory_space<vmem_shared>>
      %dma_wait3A_66 = arith.constant 0 : i32
      %dma_wait3A_67 = arith.constant 0 : i32
      %dma_wait3A_68 = tpu.memref_slice %arg8[%run_scoped3A_14, %dma_wait3A_66, %dma_wait3A_67] : memref<2x128x128xf32, #tpu.memory_space<vmem>> -> memref<1x128x128xf32, #tpu.memory_space<vmem>>
      %dma_wait3A_69 = tpu.memref_squeeze %dma_wait3A_68 : memref<1x128x128xf32, #tpu.memory_space<vmem>> -> memref<128x128xf32, #tpu.memory_space<vmem>>
      tpu.wait_dma2 semaphore(%run_scoped3A_47 : memref<!tpu.dma_semaphore, #tpu.memory_space<semaphore_mem>>) src(%dma_wait3A_69 : memref<128x128xf32, #tpu.memory_space<vmem>>) dst(%dma_wait3A_65 : memref<128x128xf32, #tpu.memory_space<vmem_shared>>)
      tpu.yield
    }) : () -> ()
    %mul3A_15 = arith.constant 632 : i32
    %mul3A_16 = arith.muli %arg1, %mul3A_15 : i32
    %add3A_17 = arith.constant 256 : i32
    %add3A_18 = arith.addi %mul3A_16, %add3A_17 : i32
    %run_scoped3A_19 = arith.constant 0 : i32
    "tpu.region"() ({
      %run_scoped3A_47 = tpu.sem_alloc : memref<!tpu.dma_semaphore, #tpu.memory_space<semaphore_mem>>
      %dma_start3A = arith.constant 0 : i32
      %dma_start3A_48 = arith.constant 0 : i32
      %dma_start3A_49 = tpu.memref_slice %arg8[%run_scoped3A_19, %dma_start3A, %dma_start3A_48] : memref<2x128x128xf32, #tpu.memory_space<vmem>> -> memref<1x128x128xf32, #tpu.memory_space<vmem>>
      %dma_start3A_50 = tpu.memref_squeeze %dma_start3A_49 : memref<1x128x128xf32, #tpu.memory_space<vmem>> -> memref<128x128xf32, #tpu.memory_space<vmem>>
      %dma_start3A_51 = arith.constant 0 : i32
      %dma_start3A_52 = tpu.memref_slice %arg9[%add3A_18, %dma_start3A_51] : memref<10112x128xf32, #tpu.memory_space<vmem_shared>> -> memref<128x128xf32, #tpu.memory_space<vmem_shared>>
      %dma_start3A_53 = arith.constant 0 : i32
      %dma_start3A_54 = tpu.memref_slice %arg9[%add3A_18, %dma_start3A_53] : memref<10112x128xf32, #tpu.memory_space<vmem_shared>> -> memref<128x128xf32, #tpu.memory_space<vmem_shared>>
      %dma_start3A_55 = arith.constant 0 : i32
      %dma_start3A_56 = arith.constant 0 : i32
      %dma_start3A_57 = tpu.memref_slice %arg8[%run_scoped3A_19, %dma_start3A_55, %dma_start3A_56] : memref<2x128x128xf32, #tpu.memory_space<vmem>> -> memref<1x128x128xf32, #tpu.memory_space<vmem>>
      %dma_start3A_58 = tpu.memref_squeeze %dma_start3A_57 : memref<1x128x128xf32, #tpu.memory_space<vmem>> -> memref<128x128xf32, #tpu.memory_space<vmem>>
      tpu.enqueue_dma source(%dma_start3A_58 : memref<128x128xf32, #tpu.memory_space<vmem>>) target(%dma_start3A_54 : memref<128x128xf32, #tpu.memory_space<vmem_shared>>) target_semaphore(%run_scoped3A_47 : memref<!tpu.dma_semaphore, #tpu.memory_space<semaphore_mem>>)
      %dma_wait3A = arith.constant 0 : i32
      %dma_wait3A_59 = arith.constant 0 : i32
      %dma_wait3A_60 = tpu.memref_slice %arg8[%run_scoped3A_19, %dma_wait3A, %dma_wait3A_59] : memref<2x128x128xf32, #tpu.memory_space<vmem>> -> memref<1x128x128xf32, #tpu.memory_space<vmem>>
      %dma_wait3A_61 = tpu.memref_squeeze %dma_wait3A_60 : memref<1x128x128xf32, #tpu.memory_space<vmem>> -> memref<128x128xf32, #tpu.memory_space<vmem>>
      %dma_wait3A_62 = arith.constant 0 : i32
      %dma_wait3A_63 = tpu.memref_slice %arg9[%add3A_18, %dma_wait3A_62] : memref<10112x128xf32, #tpu.memory_space<vmem_shared>> -> memref<128x128xf32, #tpu.memory_space<vmem_shared>>
      %dma_wait3A_64 = arith.constant 0 : i32
      %dma_wait3A_65 = tpu.memref_slice %arg9[%add3A_18, %dma_wait3A_64] : memref<10112x128xf32, #tpu.memory_space<vmem_shared>> -> memref<128x128xf32, #tpu.memory_space<vmem_shared>>
      %dma_wait3A_66 = arith.constant 0 : i32
      %dma_wait3A_67 = arith.constant 0 : i32
      %dma_wait3A_68 = tpu.memref_slice %arg8[%run_scoped3A_19, %dma_wait3A_66, %dma_wait3A_67] : memref<2x128x128xf32, #tpu.memory_space<vmem>> -> memref<1x128x128xf32, #tpu.memory_space<vmem>>
      %dma_wait3A_69 = tpu.memref_squeeze %dma_wait3A_68 : memref<1x128x128xf32, #tpu.memory_space<vmem>> -> memref<128x128xf32, #tpu.memory_space<vmem>>
      tpu.wait_dma2 semaphore(%run_scoped3A_47 : memref<!tpu.dma_semaphore, #tpu.memory_space<semaphore_mem>>) src(%dma_wait3A_69 : memref<128x128xf32, #tpu.memory_space<vmem>>) dst(%dma_wait3A_65 : memref<128x128xf32, #tpu.memory_space<vmem_shared>>)
      tpu.yield
    }) : () -> ()
    %mul3A_20 = arith.constant 632 : i32
    %mul3A_21 = arith.muli %arg1, %mul3A_20 : i32
    %add3A_22 = arith.constant 384 : i32
    %add3A_23 = arith.addi %mul3A_21, %add3A_22 : i32
    %run_scoped3A_24 = arith.constant 0 : i32
    "tpu.region"() ({
      %run_scoped3A_47 = tpu.sem_alloc : memref<!tpu.dma_semaphore, #tpu.memory_space<semaphore_mem>>
      %dma_start3A = arith.constant 0 : i32
      %dma_start3A_48 = arith.constant 0 : i32
      %dma_start3A_49 = tpu.memref_slice %arg8[%run_scoped3A_24, %dma_start3A, %dma_start3A_48] : memref<2x128x128xf32, #tpu.memory_space<vmem>> -> memref<1x128x128xf32, #tpu.memory_space<vmem>>
      %dma_start3A_50 = tpu.memref_squeeze %dma_start3A_49 : memref<1x128x128xf32, #tpu.memory_space<vmem>> -> memref<128x128xf32, #tpu.memory_space<vmem>>
      %dma_start3A_51 = arith.constant 0 : i32
      %dma_start3A_52 = tpu.memref_slice %arg9[%add3A_23, %dma_start3A_51] : memref<10112x128xf32, #tpu.memory_space<vmem_shared>> -> memref<128x128xf32, #tpu.memory_space<vmem_shared>>
      %dma_start3A_53 = arith.constant 0 : i32
      %dma_start3A_54 = tpu.memref_slice %arg9[%add3A_23, %dma_start3A_53] : memref<10112x128xf32, #tpu.memory_space<vmem_shared>> -> memref<128x128xf32, #tpu.memory_space<vmem_shared>>
      %dma_start3A_55 = arith.constant 0 : i32
      %dma_start3A_56 = arith.constant 0 : i32
      %dma_start3A_57 = tpu.memref_slice %arg8[%run_scoped3A_24, %dma_start3A_55, %dma_start3A_56] : memref<2x128x128xf32, #tpu.memory_space<vmem>> -> memref<1x128x128xf32, #tpu.memory_space<vmem>>
      %dma_start3A_58 = tpu.memref_squeeze %dma_start3A_57 : memref<1x128x128xf32, #tpu.memory_space<vmem>> -> memref<128x128xf32, #tpu.memory_space<vmem>>
      tpu.enqueue_dma source(%dma_start3A_58 : memref<128x128xf32, #tpu.memory_space<vmem>>) target(%dma_start3A_54 : memref<128x128xf32, #tpu.memory_space<vmem_shared>>) target_semaphore(%run_scoped3A_47 : memref<!tpu.dma_semaphore, #tpu.memory_space<semaphore_mem>>)
      %dma_wait3A = arith.constant 0 : i32
      %dma_wait3A_59 = arith.constant 0 : i32
      %dma_wait3A_60 = tpu.memref_slice %arg8[%run_scoped3A_24, %dma_wait3A, %dma_wait3A_59] : memref<2x128x128xf32, #tpu.memory_space<vmem>> -> memref<1x128x128xf32, #tpu.memory_space<vmem>>
      %dma_wait3A_61 = tpu.memref_squeeze %dma_wait3A_60 : memref<1x128x128xf32, #tpu.memory_space<vmem>> -> memref<128x128xf32, #tpu.memory_space<vmem>>
      %dma_wait3A_62 = arith.constant 0 : i32
      %dma_wait3A_63 = tpu.memref_slice %arg9[%add3A_23, %dma_wait3A_62] : memref<10112x128xf32, #tpu.memory_space<vmem_shared>> -> memref<128x128xf32, #tpu.memory_space<vmem_shared>>
      %dma_wait3A_64 = arith.constant 0 : i32
      %dma_wait3A_65 = tpu.memref_slice %arg9[%add3A_23, %dma_wait3A_64] : memref<10112x128xf32, #tpu.memory_space<vmem_shared>> -> memref<128x128xf32, #tpu.memory_space<vmem_shared>>
      %dma_wait3A_66 = arith.constant 0 : i32
      %dma_wait3A_67 = arith.constant 0 : i32
      %dma_wait3A_68 = tpu.memref_slice %arg8[%run_scoped3A_24, %dma_wait3A_66, %dma_wait3A_67] : memref<2x128x128xf32, #tpu.memory_space<vmem>> -> memref<1x128x128xf32, #tpu.memory_space<vmem>>
      %dma_wait3A_69 = tpu.memref_squeeze %dma_wait3A_68 : memref<1x128x128xf32, #tpu.memory_space<vmem>> -> memref<128x128xf32, #tpu.memory_space<vmem>>
      tpu.wait_dma2 semaphore(%run_scoped3A_47 : memref<!tpu.dma_semaphore, #tpu.memory_space<semaphore_mem>>) src(%dma_wait3A_69 : memref<128x128xf32, #tpu.memory_space<vmem>>) dst(%dma_wait3A_65 : memref<128x128xf32, #tpu.memory_space<vmem_shared>>)
      tpu.yield
    }) : () -> ()
    %mul3A_25 = arith.constant 632 : i32
    %mul3A_26 = arith.muli %arg1, %mul3A_25 : i32
    %add3A_27 = arith.constant 512 : i32
    %add3A_28 = arith.addi %mul3A_26, %add3A_27 : i32
    %run_scoped3A_29 = arith.constant 0 : i32
    "tpu.region"() ({
      %run_scoped3A_47 = tpu.sem_alloc : memref<!tpu.dma_semaphore, #tpu.memory_space<semaphore_mem>>
      %dma_start3A = arith.constant 0 : i32
      %dma_start3A_48 = arith.constant 0 : i32
      %dma_start3A_49 = tpu.memref_slice %arg8[%run_scoped3A_29, %dma_start3A, %dma_start3A_48] : memref<2x128x128xf32, #tpu.memory_space<vmem>> -> memref<1x128x128xf32, #tpu.memory_space<vmem>>
      %dma_start3A_50 = tpu.memref_squeeze %dma_start3A_49 : memref<1x128x128xf32, #tpu.memory_space<vmem>> -> memref<128x128xf32, #tpu.memory_space<vmem>>
      %dma_start3A_51 = arith.constant 0 : i32
      %dma_start3A_52 = arith.constant 0 : i32
      %dma_start3A_53 = tpu.memref_slice %dma_start3A_50[%dma_start3A_51, %dma_start3A_52] : memref<128x128xf32, #tpu.memory_space<vmem>> -> memref<120x128xf32, #tpu.memory_space<vmem>>
      %dma_start3A_54 = arith.constant 0 : i32
      %dma_start3A_55 = tpu.memref_slice %arg9[%add3A_28, %dma_start3A_54] : memref<10112x128xf32, #tpu.memory_space<vmem_shared>> -> memref<120x128xf32, #tpu.memory_space<vmem_shared>>
      %dma_start3A_56 = arith.constant 0 : i32
      %dma_start3A_57 = tpu.memref_slice %arg9[%add3A_28, %dma_start3A_56] : memref<10112x128xf32, #tpu.memory_space<vmem_shared>> -> memref<120x128xf32, #tpu.memory_space<vmem_shared>>
      %dma_start3A_58 = arith.constant 0 : i32
      %dma_start3A_59 = arith.constant 0 : i32
      %dma_start3A_60 = tpu.memref_slice %arg8[%run_scoped3A_29, %dma_start3A_58, %dma_start3A_59] : memref<2x128x128xf32, #tpu.memory_space<vmem>> -> memref<1x128x128xf32, #tpu.memory_space<vmem>>
      %dma_start3A_61 = tpu.memref_squeeze %dma_start3A_60 : memref<1x128x128xf32, #tpu.memory_space<vmem>> -> memref<128x128xf32, #tpu.memory_space<vmem>>
      %dma_start3A_62 = arith.constant 0 : i32
      %dma_start3A_63 = arith.constant 0 : i32
      %dma_start3A_64 = tpu.memref_slice %dma_start3A_61[%dma_start3A_62, %dma_start3A_63] : memref<128x128xf32, #tpu.memory_space<vmem>> -> memref<120x128xf32, #tpu.memory_space<vmem>>
      tpu.enqueue_dma source(%dma_start3A_64 : memref<120x128xf32, #tpu.memory_space<vmem>>) target(%dma_start3A_57 : memref<120x128xf32, #tpu.memory_space<vmem_shared>>) target_semaphore(%run_scoped3A_47 : memref<!tpu.dma_semaphore, #tpu.memory_space<semaphore_mem>>)
      %dma_wait3A = arith.constant 0 : i32
      %dma_wait3A_65 = arith.constant 0 : i32
      %dma_wait3A_66 = tpu.memref_slice %arg8[%run_scoped3A_29, %dma_wait3A, %dma_wait3A_65] : memref<2x128x128xf32, #tpu.memory_space<vmem>> -> memref<1x128x128xf32, #tpu.memory_space<vmem>>
      %dma_wait3A_67 = tpu.memref_squeeze %dma_wait3A_66 : memref<1x128x128xf32, #tpu.memory_space<vmem>> -> memref<128x128xf32, #tpu.memory_space<vmem>>
      %dma_wait3A_68 = arith.constant 0 : i32
      %dma_wait3A_69 = arith.constant 0 : i32
      %dma_wait3A_70 = tpu.memref_slice %dma_wait3A_67[%dma_wait3A_68, %dma_wait3A_69] : memref<128x128xf32, #tpu.memory_space<vmem>> -> memref<120x128xf32, #tpu.memory_space<vmem>>
      %dma_wait3A_71 = arith.constant 0 : i32
      %dma_wait3A_72 = tpu.memref_slice %arg9[%add3A_28, %dma_wait3A_71] : memref<10112x128xf32, #tpu.memory_space<vmem_shared>> -> memref<120x128xf32, #tpu.memory_space<vmem_shared>>
      %dma_wait3A_73 = arith.constant 0 : i32
      %dma_wait3A_74 = tpu.memref_slice %arg9[%add3A_28, %dma_wait3A_73] : memref<10112x128xf32, #tpu.memory_space<vmem_shared>> -> memref<120x128xf32, #tpu.memory_space<vmem_shared>>
      %dma_wait3A_75 = arith.constant 0 : i32
      %dma_wait3A_76 = arith.constant 0 : i32
      %dma_wait3A_77 = tpu.memref_slice %arg8[%run_scoped3A_29, %dma_wait3A_75, %dma_wait3A_76] : memref<2x128x128xf32, #tpu.memory_space<vmem>> -> memref<1x128x128xf32, #tpu.memory_space<vmem>>
      %dma_wait3A_78 = tpu.memref_squeeze %dma_wait3A_77 : memref<1x128x128xf32, #tpu.memory_space<vmem>> -> memref<128x128xf32, #tpu.memory_space<vmem>>
      %dma_wait3A_79 = arith.constant 0 : i32
      %dma_wait3A_80 = arith.constant 0 : i32
      %dma_wait3A_81 = tpu.memref_slice %dma_wait3A_78[%dma_wait3A_79, %dma_wait3A_80] : memref<128x128xf32, #tpu.memory_space<vmem>> -> memref<120x128xf32, #tpu.memory_space<vmem>>
      tpu.wait_dma2 semaphore(%run_scoped3A_47 : memref<!tpu.dma_semaphore, #tpu.memory_space<semaphore_mem>>) src(%dma_wait3A_81 : memref<120x128xf32, #tpu.memory_space<vmem>>) dst(%dma_wait3A_74 : memref<120x128xf32, #tpu.memory_space<vmem_shared>>)
      tpu.yield
    }) : () -> ()
    %barrier3A = arith.constant 0 : index
    tpu.barrier barrier_id(%barrier3A)
    "tpu.region"() ({
      %run_scoped3A_47 = tpu.sem_alloc : memref<!tpu.dma_semaphore, #tpu.memory_space<semaphore_mem>>
      %dma_start3A = arith.constant 0 : i32
      %dma_start3A_48 = arith.constant 0 : i32
      %dma_start3A_49 = tpu.memref_slice %arg3[%add3A, %dma_start3A, %dma_start3A_48] : memref<32x80x128xi32, #tpu.memory_space<hbm>> -> memref<1x40x128xi32, #tpu.memory_space<hbm>>
      %dma_start3A_50 = tpu.memref_squeeze %dma_start3A_49 : memref<1x40x128xi32, #tpu.memory_space<hbm>> -> memref<40x128xi32, #tpu.memory_space<hbm>>
      %dma_start3A_51 = arith.constant 0 : i32
      %dma_start3A_52 = arith.constant 0 : i32
      %dma_start3A_53 = tpu.memref_slice %arg3[%add3A, %dma_start3A_51, %dma_start3A_52] : memref<32x80x128xi32, #tpu.memory_space<hbm>> -> memref<1x40x128xi32, #tpu.memory_space<hbm>>
      %dma_start3A_54 = tpu.memref_squeeze %dma_start3A_53 : memref<1x40x128xi32, #tpu.memory_space<hbm>> -> memref<40x128xi32, #tpu.memory_space<hbm>>
      tpu.enqueue_dma source(%dma_start3A_54 : memref<40x128xi32, #tpu.memory_space<hbm>>) target(%arg6 : memref<40x128xi32, #tpu.memory_space<vmem>>) target_semaphore(%run_scoped3A_47 : memref<!tpu.dma_semaphore, #tpu.memory_space<semaphore_mem>>)
      %dma_wait3A = arith.constant 0 : i32
      %dma_wait3A_55 = arith.constant 0 : i32
      %dma_wait3A_56 = tpu.memref_slice %arg3[%add3A, %dma_wait3A, %dma_wait3A_55] : memref<32x80x128xi32, #tpu.memory_space<hbm>> -> memref<1x40x128xi32, #tpu.memory_space<hbm>>
      %dma_wait3A_57 = tpu.memref_squeeze %dma_wait3A_56 : memref<1x40x128xi32, #tpu.memory_space<hbm>> -> memref<40x128xi32, #tpu.memory_space<hbm>>
      %dma_wait3A_58 = arith.constant 0 : i32
      %dma_wait3A_59 = arith.constant 0 : i32
      %dma_wait3A_60 = tpu.memref_slice %arg3[%add3A, %dma_wait3A_58, %dma_wait3A_59] : memref<32x80x128xi32, #tpu.memory_space<hbm>> -> memref<1x40x128xi32, #tpu.memory_space<hbm>>
      %dma_wait3A_61 = tpu.memref_squeeze %dma_wait3A_60 : memref<1x40x128xi32, #tpu.memory_space<hbm>> -> memref<40x128xi32, #tpu.memory_space<hbm>>
      tpu.wait_dma2 semaphore(%run_scoped3A_47 : memref<!tpu.dma_semaphore, #tpu.memory_space<semaphore_mem>>) src(%dma_wait3A_61 : memref<40x128xi32, #tpu.memory_space<hbm>>) dst(%arg6 : memref<40x128xi32, #tpu.memory_space<vmem>>)
      tpu.yield
    }) : () -> ()
    "tpu.region"() ({
      %run_scoped3A_47 = tpu.sem_alloc : memref<!tpu.dma_semaphore, #tpu.memory_space<semaphore_mem>>
      %dma_start3A = arith.constant 0 : i32
      %dma_start3A_48 = arith.constant 0 : i32
      %dma_start3A_49 = tpu.memref_slice %arg4[%add3A, %dma_start3A, %dma_start3A_48] : memref<32x80x128xi32, #tpu.memory_space<hbm>> -> memref<1x40x128xi32, #tpu.memory_space<hbm>>
      %dma_start3A_50 = tpu.memref_squeeze %dma_start3A_49 : memref<1x40x128xi32, #tpu.memory_space<hbm>> -> memref<40x128xi32, #tpu.memory_space<hbm>>
      %dma_start3A_51 = arith.constant 0 : i32
      %dma_start3A_52 = arith.constant 0 : i32
      %dma_start3A_53 = tpu.memref_slice %arg4[%add3A, %dma_start3A_51, %dma_start3A_52] : memref<32x80x128xi32, #tpu.memory_space<hbm>> -> memref<1x40x128xi32, #tpu.memory_space<hbm>>
      %dma_start3A_54 = tpu.memref_squeeze %dma_start3A_53 : memref<1x40x128xi32, #tpu.memory_space<hbm>> -> memref<40x128xi32, #tpu.memory_space<hbm>>
      tpu.enqueue_dma source(%dma_start3A_54 : memref<40x128xi32, #tpu.memory_space<hbm>>) target(%arg7 : memref<40x128xi32, #tpu.memory_space<vmem>>) target_semaphore(%run_scoped3A_47 : memref<!tpu.dma_semaphore, #tpu.memory_space<semaphore_mem>>)
      %dma_wait3A = arith.constant 0 : i32
      %dma_wait3A_55 = arith.constant 0 : i32
      %dma_wait3A_56 = tpu.memref_slice %arg4[%add3A, %dma_wait3A, %dma_wait3A_55] : memref<32x80x128xi32, #tpu.memory_space<hbm>> -> memref<1x40x128xi32, #tpu.memory_space<hbm>>
      %dma_wait3A_57 = tpu.memref_squeeze %dma_wait3A_56 : memref<1x40x128xi32, #tpu.memory_space<hbm>> -> memref<40x128xi32, #tpu.memory_space<hbm>>
      %dma_wait3A_58 = arith.constant 0 : i32
      %dma_wait3A_59 = arith.constant 0 : i32
      %dma_wait3A_60 = tpu.memref_slice %arg4[%add3A, %dma_wait3A_58, %dma_wait3A_59] : memref<32x80x128xi32, #tpu.memory_space<hbm>> -> memref<1x40x128xi32, #tpu.memory_space<hbm>>
      %dma_wait3A_61 = tpu.memref_squeeze %dma_wait3A_60 : memref<1x40x128xi32, #tpu.memory_space<hbm>> -> memref<40x128xi32, #tpu.memory_space<hbm>>
      tpu.wait_dma2 semaphore(%run_scoped3A_47 : memref<!tpu.dma_semaphore, #tpu.memory_space<semaphore_mem>>) src(%dma_wait3A_61 : memref<40x128xi32, #tpu.memory_space<hbm>>) dst(%arg7 : memref<40x128xi32, #tpu.memory_space<vmem>>)
      tpu.yield
    }) : () -> ()
    %scan3A_30 = arith.constant 0 : i32
    %scan3A_31 = arith.constant 0 : i32
    %scan3A_32 = arith.constant 20 : i32
    %scan3A_33 = arith.addi %scan3A_31, %scan3A_32 : i32
    %scan3A_34 = arith.constant 1 : i32
    scf.for %scan3A_47 = %scan3A_31 to %scan3A_33 step %scan3A_34  : i32 {
      %mul3A_48 = arith.constant 2 : i32
      %mul3A_49 = arith.muli %scan3A_47, %mul3A_48 : i32
      %add3A_50 = arith.constant 0 : i32
      %add3A_51 = arith.addi %mul3A_49, %add3A_50 : i32
      %dma_start3A = arith.constant 0 : i32
      %dma_start3A_52 = arith.constant 0 : i32
      %dma_start3A_53 = arith.constant 0 : i32
      %dma_start3A_54 = tpu.memref_slice %arg8[%dma_start3A, %dma_start3A_52, %dma_start3A_53] : memref<2x128x128xf32, #tpu.memory_space<vmem>> -> memref<1x128x128xf32, #tpu.memory_space<vmem>>
      %dma_start3A_55 = tpu.memref_squeeze %dma_start3A_54 : memref<1x128x128xf32, #tpu.memory_space<vmem>> -> memref<128x128xf32, #tpu.memory_space<vmem>>
      %dma_start3A_56 = arith.constant 0 : i32
      %dma_start3A_57 = tpu.memref_slice %arg6[%add3A_51, %dma_start3A_56] : memref<40x128xi32, #tpu.memory_space<vmem>> -> memref<1x128xi32, #tpu.memory_space<vmem>>
      %dma_start3A_58 = tpu.memref_squeeze %dma_start3A_57 : memref<1x128xi32, #tpu.memory_space<vmem>> -> memref<128xi32, #tpu.memory_space<vmem>>
      %dma_start3A_59 = arith.constant 0 : i32
      %dma_start3A_60 = arith.constant 0 : i32
      %dma_start3A_61 = tpu.memref_slice %arg2[%dma_start3A_59, %dma_start3A_60] : memref<10112x128xf32, #tpu.memory_space<hbm>> -> memref<10112x128xf32, #tpu.memory_space<hbm>>
      tpu.enqueue_indirect_dma source(%dma_start3A_61 : memref<10112x128xf32, #tpu.memory_space<hbm>>) target(%dma_start3A_55 : memref<128x128xf32, #tpu.memory_space<vmem>>) offsets(%dma_start3A_58 : memref<128xi32, #tpu.memory_space<vmem>>) semaphore(%arg10 : memref<!tpu.dma_semaphore, #tpu.memory_space<semaphore_mem>>)
      %add3A_62 = arith.constant 1 : i32
      %add3A_63 = arith.addi %mul3A_49, %add3A_62 : i32
      %dma_start3A_64 = arith.constant 1 : i32
      %dma_start3A_65 = arith.constant 0 : i32
      %dma_start3A_66 = arith.constant 0 : i32
      %dma_start3A_67 = tpu.memref_slice %arg8[%dma_start3A_64, %dma_start3A_65, %dma_start3A_66] : memref<2x128x128xf32, #tpu.memory_space<vmem>> -> memref<1x128x128xf32, #tpu.memory_space<vmem>>
      %dma_start3A_68 = tpu.memref_squeeze %dma_start3A_67 : memref<1x128x128xf32, #tpu.memory_space<vmem>> -> memref<128x128xf32, #tpu.memory_space<vmem>>
      %dma_start3A_69 = arith.constant 0 : i32
      %dma_start3A_70 = tpu.memref_slice %arg6[%add3A_63, %dma_start3A_69] : memref<40x128xi32, #tpu.memory_space<vmem>> -> memref<1x128xi32, #tpu.memory_space<vmem>>
      %dma_start3A_71 = tpu.memref_squeeze %dma_start3A_70 : memref<1x128xi32, #tpu.memory_space<vmem>> -> memref<128xi32, #tpu.memory_space<vmem>>
      %dma_start3A_72 = arith.constant 0 : i32
      %dma_start3A_73 = arith.constant 0 : i32
      %dma_start3A_74 = tpu.memref_slice %arg2[%dma_start3A_72, %dma_start3A_73] : memref<10112x128xf32, #tpu.memory_space<hbm>> -> memref<10112x128xf32, #tpu.memory_space<hbm>>
      tpu.enqueue_indirect_dma source(%dma_start3A_74 : memref<10112x128xf32, #tpu.memory_space<hbm>>) target(%dma_start3A_68 : memref<128x128xf32, #tpu.memory_space<vmem>>) offsets(%dma_start3A_71 : memref<128xi32, #tpu.memory_space<vmem>>) semaphore(%arg11 : memref<!tpu.dma_semaphore, #tpu.memory_space<semaphore_mem>>)
      %dma_wait3A = arith.constant 0 : i32
      %dma_wait3A_75 = arith.constant 0 : i32
      %dma_wait3A_76 = arith.constant 0 : i32
      %dma_wait3A_77 = tpu.memref_slice %arg8[%dma_wait3A, %dma_wait3A_75, %dma_wait3A_76] : memref<2x128x128xf32, #tpu.memory_space<vmem>> -> memref<1x128x128xf32, #tpu.memory_space<vmem>>
      %dma_wait3A_78 = tpu.memref_squeeze %dma_wait3A_77 : memref<1x128x128xf32, #tpu.memory_space<vmem>> -> memref<128x128xf32, #tpu.memory_space<vmem>>
      %dma_wait3A_79 = arith.constant 0 : i32
      %dma_wait3A_80 = tpu.memref_slice %arg6[%add3A_51, %dma_wait3A_79] : memref<40x128xi32, #tpu.memory_space<vmem>> -> memref<1x128xi32, #tpu.memory_space<vmem>>
      %dma_wait3A_81 = tpu.memref_squeeze %dma_wait3A_80 : memref<1x128xi32, #tpu.memory_space<vmem>> -> memref<128xi32, #tpu.memory_space<vmem>>
      %dma_wait3A_82 = arith.constant 0 : i32
      %dma_wait3A_83 = arith.constant 0 : i32
      %dma_wait3A_84 = tpu.memref_slice %arg2[%dma_wait3A_82, %dma_wait3A_83] : memref<10112x128xf32, #tpu.memory_space<hbm>> -> memref<10112x128xf32, #tpu.memory_space<hbm>>
      tpu.wait_indirect_dma semaphore(%arg10 : memref<!tpu.dma_semaphore, #tpu.memory_space<semaphore_mem>>) src(%dma_wait3A_84 : memref<10112x128xf32, #tpu.memory_space<hbm>>) dst(%dma_wait3A_78 : memref<128x128xf32, #tpu.memory_space<vmem>>)
      %add3A_85 = arith.constant 0 : i32
      %add3A_86 = arith.addi %mul3A_49, %add3A_85 : i32
      %run_scoped3A_87 = arith.constant 0 : i32
      "tpu.region"() ({
        %run_scoped3A_102 = tpu.sem_alloc : memref<!tpu.dma_semaphore, #tpu.memory_space<semaphore_mem>>
        %dma_start3A_103 = arith.constant 0 : i32
        %dma_start3A_104 = arith.constant 0 : i32
        %dma_start3A_105 = tpu.memref_slice %arg8[%run_scoped3A_87, %dma_start3A_103, %dma_start3A_104] : memref<2x128x128xf32, #tpu.memory_space<vmem>> -> memref<1x128x128xf32, #tpu.memory_space<vmem>>
        %dma_start3A_106 = tpu.memref_squeeze %dma_start3A_105 : memref<1x128x128xf32, #tpu.memory_space<vmem>> -> memref<128x128xf32, #tpu.memory_space<vmem>>
        %dma_start3A_107 = arith.constant 0 : i32
        %dma_start3A_108 = tpu.memref_slice %arg7[%add3A_86, %dma_start3A_107] : memref<40x128xi32, #tpu.memory_space<vmem>> -> memref<1x128xi32, #tpu.memory_space<vmem>>
        %dma_start3A_109 = tpu.memref_squeeze %dma_start3A_108 : memref<1x128xi32, #tpu.memory_space<vmem>> -> memref<128xi32, #tpu.memory_space<vmem>>
        %dma_start3A_110 = arith.constant 0 : i32
        %dma_start3A_111 = arith.constant 0 : i32
        %dma_start3A_112 = tpu.memref_slice %arg9[%dma_start3A_110, %dma_start3A_111] : memref<10112x128xf32, #tpu.memory_space<vmem_shared>> -> memref<10112x128xf32, #tpu.memory_space<vmem_shared>>
        tpu.enqueue_indirect_dma source(%dma_start3A_106 : memref<128x128xf32, #tpu.memory_space<vmem>>) target(%dma_start3A_112 : memref<10112x128xf32, #tpu.memory_space<vmem_shared>>) offsets(%dma_start3A_109 : memref<128xi32, #tpu.memory_space<vmem>>) semaphore(%run_scoped3A_102 : memref<!tpu.dma_semaphore, #tpu.memory_space<semaphore_mem>>) {add = true}
        %dma_wait3A_113 = arith.constant 0 : i32
        %dma_wait3A_114 = arith.constant 0 : i32
        %dma_wait3A_115 = tpu.memref_slice %arg8[%run_scoped3A_87, %dma_wait3A_113, %dma_wait3A_114] : memref<2x128x128xf32, #tpu.memory_space<vmem>> -> memref<1x128x128xf32, #tpu.memory_space<vmem>>
        %dma_wait3A_116 = tpu.memref_squeeze %dma_wait3A_115 : memref<1x128x128xf32, #tpu.memory_space<vmem>> -> memref<128x128xf32, #tpu.memory_space<vmem>>
        %dma_wait3A_117 = arith.constant 0 : i32
        %dma_wait3A_118 = tpu.memref_slice %arg7[%add3A_86, %dma_wait3A_117] : memref<40x128xi32, #tpu.memory_space<vmem>> -> memref<1x128xi32, #tpu.memory_space<vmem>>
        %dma_wait3A_119 = tpu.memref_squeeze %dma_wait3A_118 : memref<1x128xi32, #tpu.memory_space<vmem>> -> memref<128xi32, #tpu.memory_space<vmem>>
        %dma_wait3A_120 = arith.constant 0 : i32
        %dma_wait3A_121 = arith.constant 0 : i32
        %dma_wait3A_122 = tpu.memref_slice %arg9[%dma_wait3A_120, %dma_wait3A_121] : memref<10112x128xf32, #tpu.memory_space<vmem_shared>> -> memref<10112x128xf32, #tpu.memory_space<vmem_shared>>
        tpu.wait_indirect_dma semaphore(%run_scoped3A_102 : memref<!tpu.dma_semaphore, #tpu.memory_space<semaphore_mem>>) src(%dma_wait3A_116 : memref<128x128xf32, #tpu.memory_space<vmem>>) dst(%dma_wait3A_122 : memref<10112x128xf32, #tpu.memory_space<vmem_shared>>)
        tpu.yield
      }) : () -> ()
      %dma_wait3A_88 = arith.constant 1 : i32
      %dma_wait3A_89 = arith.constant 0 : i32
      %dma_wait3A_90 = arith.constant 0 : i32
      %dma_wait3A_91 = tpu.memref_slice %arg8[%dma_wait3A_88, %dma_wait3A_89, %dma_wait3A_90] : memref<2x128x128xf32, #tpu.memory_space<vmem>> -> memref<1x128x128xf32, #tpu.memory_space<vmem>>
      %dma_wait3A_92 = tpu.memref_squeeze %dma_wait3A_91 : memref<1x128x128xf32, #tpu.memory_space<vmem>> -> memref<128x128xf32, #tpu.memory_space<vmem>>
      %dma_wait3A_93 = arith.constant 0 : i32
      %dma_wait3A_94 = tpu.memref_slice %arg6[%add3A_63, %dma_wait3A_93] : memref<40x128xi32, #tpu.memory_space<vmem>> -> memref<1x128xi32, #tpu.memory_space<vmem>>
      %dma_wait3A_95 = tpu.memref_squeeze %dma_wait3A_94 : memref<1x128xi32, #tpu.memory_space<vmem>> -> memref<128xi32, #tpu.memory_space<vmem>>
      %dma_wait3A_96 = arith.constant 0 : i32
      %dma_wait3A_97 = arith.constant 0 : i32
      %dma_wait3A_98 = tpu.memref_slice %arg2[%dma_wait3A_96, %dma_wait3A_97] : memref<10112x128xf32, #tpu.memory_space<hbm>> -> memref<10112x128xf32, #tpu.memory_space<hbm>>
      tpu.wait_indirect_dma semaphore(%arg11 : memref<!tpu.dma_semaphore, #tpu.memory_space<semaphore_mem>>) src(%dma_wait3A_98 : memref<10112x128xf32, #tpu.memory_space<hbm>>) dst(%dma_wait3A_92 : memref<128x128xf32, #tpu.memory_space<vmem>>)
      %add3A_99 = arith.constant 1 : i32
      %add3A_100 = arith.addi %mul3A_49, %add3A_99 : i32
      %run_scoped3A_101 = arith.constant 1 : i32
      "tpu.region"() ({
        %run_scoped3A_102 = tpu.sem_alloc : memref<!tpu.dma_semaphore, #tpu.memory_space<semaphore_mem>>
        %dma_start3A_103 = arith.constant 0 : i32
        %dma_start3A_104 = arith.constant 0 : i32
        %dma_start3A_105 = tpu.memref_slice %arg8[%run_scoped3A_101, %dma_start3A_103, %dma_start3A_104] : memref<2x128x128xf32, #tpu.memory_space<vmem>> -> memref<1x128x128xf32, #tpu.memory_space<vmem>>
        %dma_start3A_106 = tpu.memref_squeeze %dma_start3A_105 : memref<1x128x128xf32, #tpu.memory_space<vmem>> -> memref<128x128xf32, #tpu.memory_space<vmem>>
        %dma_start3A_107 = arith.constant 0 : i32
        %dma_start3A_108 = tpu.memref_slice %arg7[%add3A_100, %dma_start3A_107] : memref<40x128xi32, #tpu.memory_space<vmem>> -> memref<1x128xi32, #tpu.memory_space<vmem>>
        %dma_start3A_109 = tpu.memref_squeeze %dma_start3A_108 : memref<1x128xi32, #tpu.memory_space<vmem>> -> memref<128xi32, #tpu.memory_space<vmem>>
        %dma_start3A_110 = arith.constant 0 : i32
        %dma_start3A_111 = arith.constant 0 : i32
        %dma_start3A_112 = tpu.memref_slice %arg9[%dma_start3A_110, %dma_start3A_111] : memref<10112x128xf32, #tpu.memory_space<vmem_shared>> -> memref<10112x128xf32, #tpu.memory_space<vmem_shared>>
        tpu.enqueue_indirect_dma source(%dma_start3A_106 : memref<128x128xf32, #tpu.memory_space<vmem>>) target(%dma_start3A_112 : memref<10112x128xf32, #tpu.memory_space<vmem_shared>>) offsets(%dma_start3A_109 : memref<128xi32, #tpu.memory_space<vmem>>) semaphore(%run_scoped3A_102 : memref<!tpu.dma_semaphore, #tpu.memory_space<semaphore_mem>>) {add = true}
        %dma_wait3A_113 = arith.constant 0 : i32
        %dma_wait3A_114 = arith.constant 0 : i32
        %dma_wait3A_115 = tpu.memref_slice %arg8[%run_scoped3A_101, %dma_wait3A_113, %dma_wait3A_114] : memref<2x128x128xf32, #tpu.memory_space<vmem>> -> memref<1x128x128xf32, #tpu.memory_space<vmem>>
        %dma_wait3A_116 = tpu.memref_squeeze %dma_wait3A_115 : memref<1x128x128xf32, #tpu.memory_space<vmem>> -> memref<128x128xf32, #tpu.memory_space<vmem>>
        %dma_wait3A_117 = arith.constant 0 : i32
        %dma_wait3A_118 = tpu.memref_slice %arg7[%add3A_100, %dma_wait3A_117] : memref<40x128xi32, #tpu.memory_space<vmem>> -> memref<1x128xi32, #tpu.memory_space<vmem>>
        %dma_wait3A_119 = tpu.memref_squeeze %dma_wait3A_118 : memref<1x128xi32, #tpu.memory_space<vmem>> -> memref<128xi32, #tpu.memory_space<vmem>>
        %dma_wait3A_120 = arith.constant 0 : i32
        %dma_wait3A_121 = arith.constant 0 : i32
        %dma_wait3A_122 = tpu.memref_slice %arg9[%dma_wait3A_120, %dma_wait3A_121] : memref<10112x128xf32, #tpu.memory_space<vmem_shared>> -> memref<10112x128xf32, #tpu.memory_space<vmem_shared>>
        tpu.wait_indirect_dma semaphore(%run_scoped3A_102 : memref<!tpu.dma_semaphore, #tpu.memory_space<semaphore_mem>>) src(%dma_wait3A_116 : memref<128x128xf32, #tpu.memory_space<vmem>>) dst(%dma_wait3A_122 : memref<10112x128xf32, #tpu.memory_space<vmem_shared>>)
        tpu.yield
      }) : () -> ()
    }
    %scan3A_35 = arith.constant 20 : i32
    "tpu.region"() ({
      %run_scoped3A_47 = tpu.sem_alloc : memref<!tpu.dma_semaphore, #tpu.memory_space<semaphore_mem>>
      %dma_start3A = arith.constant 40 : i32
      %dma_start3A_48 = arith.constant 0 : i32
      %dma_start3A_49 = tpu.memref_slice %arg3[%add3A, %dma_start3A, %dma_start3A_48] : memref<32x80x128xi32, #tpu.memory_space<hbm>> -> memref<1x40x128xi32, #tpu.memory_space<hbm>>
      %dma_start3A_50 = tpu.memref_squeeze %dma_start3A_49 : memref<1x40x128xi32, #tpu.memory_space<hbm>> -> memref<40x128xi32, #tpu.memory_space<hbm>>
      %dma_start3A_51 = arith.constant 40 : i32
      %dma_start3A_52 = arith.constant 0 : i32
      %dma_start3A_53 = tpu.memref_slice %arg3[%add3A, %dma_start3A_51, %dma_start3A_52] : memref<32x80x128xi32, #tpu.memory_space<hbm>> -> memref<1x40x128xi32, #tpu.memory_space<hbm>>
      %dma_start3A_54 = tpu.memref_squeeze %dma_start3A_53 : memref<1x40x128xi32, #tpu.memory_space<hbm>> -> memref<40x128xi32, #tpu.memory_space<hbm>>
      tpu.enqueue_dma source(%dma_start3A_54 : memref<40x128xi32, #tpu.memory_space<hbm>>) target(%arg6 : memref<40x128xi32, #tpu.memory_space<vmem>>) target_semaphore(%run_scoped3A_47 : memref<!tpu.dma_semaphore, #tpu.memory_space<semaphore_mem>>)
      %dma_wait3A = arith.constant 40 : i32
      %dma_wait3A_55 = arith.constant 0 : i32
      %dma_wait3A_56 = tpu.memref_slice %arg3[%add3A, %dma_wait3A, %dma_wait3A_55] : memref<32x80x128xi32, #tpu.memory_space<hbm>> -> memref<1x40x128xi32, #tpu.memory_space<hbm>>
      %dma_wait3A_57 = tpu.memref_squeeze %dma_wait3A_56 : memref<1x40x128xi32, #tpu.memory_space<hbm>> -> memref<40x128xi32, #tpu.memory_space<hbm>>
      %dma_wait3A_58 = arith.constant 40 : i32
      %dma_wait3A_59 = arith.constant 0 : i32
      %dma_wait3A_60 = tpu.memref_slice %arg3[%add3A, %dma_wait3A_58, %dma_wait3A_59] : memref<32x80x128xi32, #tpu.memory_space<hbm>> -> memref<1x40x128xi32, #tpu.memory_space<hbm>>
      %dma_wait3A_61 = tpu.memref_squeeze %dma_wait3A_60 : memref<1x40x128xi32, #tpu.memory_space<hbm>> -> memref<40x128xi32, #tpu.memory_space<hbm>>
      tpu.wait_dma2 semaphore(%run_scoped3A_47 : memref<!tpu.dma_semaphore, #tpu.memory_space<semaphore_mem>>) src(%dma_wait3A_61 : memref<40x128xi32, #tpu.memory_space<hbm>>) dst(%arg6 : memref<40x128xi32, #tpu.memory_space<vmem>>)
      tpu.yield
    }) : () -> ()
    "tpu.region"() ({
      %run_scoped3A_47 = tpu.sem_alloc : memref<!tpu.dma_semaphore, #tpu.memory_space<semaphore_mem>>
      %dma_start3A = arith.constant 40 : i32
      %dma_start3A_48 = arith.constant 0 : i32
      %dma_start3A_49 = tpu.memref_slice %arg4[%add3A, %dma_start3A, %dma_start3A_48] : memref<32x80x128xi32, #tpu.memory_space<hbm>> -> memref<1x40x128xi32, #tpu.memory_space<hbm>>
      %dma_start3A_50 = tpu.memref_squeeze %dma_start3A_49 : memref<1x40x128xi32, #tpu.memory_space<hbm>> -> memref<40x128xi32, #tpu.memory_space<hbm>>
      %dma_start3A_51 = arith.constant 40 : i32
      %dma_start3A_52 = arith.constant 0 : i32
      %dma_start3A_53 = tpu.memref_slice %arg4[%add3A, %dma_start3A_51, %dma_start3A_52] : memref<32x80x128xi32, #tpu.memory_space<hbm>> -> memref<1x40x128xi32, #tpu.memory_space<hbm>>
      %dma_start3A_54 = tpu.memref_squeeze %dma_start3A_53 : memref<1x40x128xi32, #tpu.memory_space<hbm>> -> memref<40x128xi32, #tpu.memory_space<hbm>>
      tpu.enqueue_dma source(%dma_start3A_54 : memref<40x128xi32, #tpu.memory_space<hbm>>) target(%arg7 : memref<40x128xi32, #tpu.memory_space<vmem>>) target_semaphore(%run_scoped3A_47 : memref<!tpu.dma_semaphore, #tpu.memory_space<semaphore_mem>>)
      %dma_wait3A = arith.constant 40 : i32
      %dma_wait3A_55 = arith.constant 0 : i32
      %dma_wait3A_56 = tpu.memref_slice %arg4[%add3A, %dma_wait3A, %dma_wait3A_55] : memref<32x80x128xi32, #tpu.memory_space<hbm>> -> memref<1x40x128xi32, #tpu.memory_space<hbm>>
      %dma_wait3A_57 = tpu.memref_squeeze %dma_wait3A_56 : memref<1x40x128xi32, #tpu.memory_space<hbm>> -> memref<40x128xi32, #tpu.memory_space<hbm>>
      %dma_wait3A_58 = arith.constant 40 : i32
      %dma_wait3A_59 = arith.constant 0 : i32
      %dma_wait3A_60 = tpu.memref_slice %arg4[%add3A, %dma_wait3A_58, %dma_wait3A_59] : memref<32x80x128xi32, #tpu.memory_space<hbm>> -> memref<1x40x128xi32, #tpu.memory_space<hbm>>
      %dma_wait3A_61 = tpu.memref_squeeze %dma_wait3A_60 : memref<1x40x128xi32, #tpu.memory_space<hbm>> -> memref<40x128xi32, #tpu.memory_space<hbm>>
      tpu.wait_dma2 semaphore(%run_scoped3A_47 : memref<!tpu.dma_semaphore, #tpu.memory_space<semaphore_mem>>) src(%dma_wait3A_61 : memref<40x128xi32, #tpu.memory_space<hbm>>) dst(%arg7 : memref<40x128xi32, #tpu.memory_space<vmem>>)
      tpu.yield
    }) : () -> ()
    %scan3A_36 = arith.constant 0 : i32
    %scan3A_37 = arith.constant 0 : i32
    %scan3A_38 = arith.constant 20 : i32
    %scan3A_39 = arith.addi %scan3A_37, %scan3A_38 : i32
    %scan3A_40 = arith.constant 1 : i32
    scf.for %scan3A_47 = %scan3A_37 to %scan3A_39 step %scan3A_40  : i32 {
      %mul3A_48 = arith.constant 2 : i32
      %mul3A_49 = arith.muli %scan3A_47, %mul3A_48 : i32
      %add3A_50 = arith.constant 0 : i32
      %add3A_51 = arith.addi %mul3A_49, %add3A_50 : i32
      %dma_start3A = arith.constant 0 : i32
      %dma_start3A_52 = arith.constant 0 : i32
      %dma_start3A_53 = arith.constant 0 : i32
      %dma_start3A_54 = tpu.memref_slice %arg8[%dma_start3A, %dma_start3A_52, %dma_start3A_53] : memref<2x128x128xf32, #tpu.memory_space<vmem>> -> memref<1x128x128xf32, #tpu.memory_space<vmem>>
      %dma_start3A_55 = tpu.memref_squeeze %dma_start3A_54 : memref<1x128x128xf32, #tpu.memory_space<vmem>> -> memref<128x128xf32, #tpu.memory_space<vmem>>
      %dma_start3A_56 = arith.constant 0 : i32
      %dma_start3A_57 = tpu.memref_slice %arg6[%add3A_51, %dma_start3A_56] : memref<40x128xi32, #tpu.memory_space<vmem>> -> memref<1x128xi32, #tpu.memory_space<vmem>>
      %dma_start3A_58 = tpu.memref_squeeze %dma_start3A_57 : memref<1x128xi32, #tpu.memory_space<vmem>> -> memref<128xi32, #tpu.memory_space<vmem>>
      %dma_start3A_59 = arith.constant 0 : i32
      %dma_start3A_60 = arith.constant 0 : i32
      %dma_start3A_61 = tpu.memref_slice %arg2[%dma_start3A_59, %dma_start3A_60] : memref<10112x128xf32, #tpu.memory_space<hbm>> -> memref<10112x128xf32, #tpu.memory_space<hbm>>
      tpu.enqueue_indirect_dma source(%dma_start3A_61 : memref<10112x128xf32, #tpu.memory_space<hbm>>) target(%dma_start3A_55 : memref<128x128xf32, #tpu.memory_space<vmem>>) offsets(%dma_start3A_58 : memref<128xi32, #tpu.memory_space<vmem>>) semaphore(%arg10 : memref<!tpu.dma_semaphore, #tpu.memory_space<semaphore_mem>>)
      %add3A_62 = arith.constant 1 : i32
      %add3A_63 = arith.addi %mul3A_49, %add3A_62 : i32
      %dma_start3A_64 = arith.constant 1 : i32
      %dma_start3A_65 = arith.constant 0 : i32
      %dma_start3A_66 = arith.constant 0 : i32
      %dma_start3A_67 = tpu.memref_slice %arg8[%dma_start3A_64, %dma_start3A_65, %dma_start3A_66] : memref<2x128x128xf32, #tpu.memory_space<vmem>> -> memref<1x128x128xf32, #tpu.memory_space<vmem>>
      %dma_start3A_68 = tpu.memref_squeeze %dma_start3A_67 : memref<1x128x128xf32, #tpu.memory_space<vmem>> -> memref<128x128xf32, #tpu.memory_space<vmem>>
      %dma_start3A_69 = arith.constant 0 : i32
      %dma_start3A_70 = tpu.memref_slice %arg6[%add3A_63, %dma_start3A_69] : memref<40x128xi32, #tpu.memory_space<vmem>> -> memref<1x128xi32, #tpu.memory_space<vmem>>
      %dma_start3A_71 = tpu.memref_squeeze %dma_start3A_70 : memref<1x128xi32, #tpu.memory_space<vmem>> -> memref<128xi32, #tpu.memory_space<vmem>>
      %dma_start3A_72 = arith.constant 0 : i32
      %dma_start3A_73 = arith.constant 0 : i32
      %dma_start3A_74 = tpu.memref_slice %arg2[%dma_start3A_72, %dma_start3A_73] : memref<10112x128xf32, #tpu.memory_space<hbm>> -> memref<10112x128xf32, #tpu.memory_space<hbm>>
      tpu.enqueue_indirect_dma source(%dma_start3A_74 : memref<10112x128xf32, #tpu.memory_space<hbm>>) target(%dma_start3A_68 : memref<128x128xf32, #tpu.memory_space<vmem>>) offsets(%dma_start3A_71 : memref<128xi32, #tpu.memory_space<vmem>>) semaphore(%arg11 : memref<!tpu.dma_semaphore, #tpu.memory_space<semaphore_mem>>)
      %dma_wait3A = arith.constant 0 : i32
      %dma_wait3A_75 = arith.constant 0 : i32
      %dma_wait3A_76 = arith.constant 0 : i32
      %dma_wait3A_77 = tpu.memref_slice %arg8[%dma_wait3A, %dma_wait3A_75, %dma_wait3A_76] : memref<2x128x128xf32, #tpu.memory_space<vmem>> -> memref<1x128x128xf32, #tpu.memory_space<vmem>>
      %dma_wait3A_78 = tpu.memref_squeeze %dma_wait3A_77 : memref<1x128x128xf32, #tpu.memory_space<vmem>> -> memref<128x128xf32, #tpu.memory_space<vmem>>
      %dma_wait3A_79 = arith.constant 0 : i32
      %dma_wait3A_80 = tpu.memref_slice %arg6[%add3A_51, %dma_wait3A_79] : memref<40x128xi32, #tpu.memory_space<vmem>> -> memref<1x128xi32, #tpu.memory_space<vmem>>
      %dma_wait3A_81 = tpu.memref_squeeze %dma_wait3A_80 : memref<1x128xi32, #tpu.memory_space<vmem>> -> memref<128xi32, #tpu.memory_space<vmem>>
      %dma_wait3A_82 = arith.constant 0 : i32
      %dma_wait3A_83 = arith.constant 0 : i32
      %dma_wait3A_84 = tpu.memref_slice %arg2[%dma_wait3A_82, %dma_wait3A_83] : memref<10112x128xf32, #tpu.memory_space<hbm>> -> memref<10112x128xf32, #tpu.memory_space<hbm>>
      tpu.wait_indirect_dma semaphore(%arg10 : memref<!tpu.dma_semaphore, #tpu.memory_space<semaphore_mem>>) src(%dma_wait3A_84 : memref<10112x128xf32, #tpu.memory_space<hbm>>) dst(%dma_wait3A_78 : memref<128x128xf32, #tpu.memory_space<vmem>>)
      %add3A_85 = arith.constant 0 : i32
      %add3A_86 = arith.addi %mul3A_49, %add3A_85 : i32
      %run_scoped3A_87 = arith.constant 0 : i32
      "tpu.region"() ({
        %run_scoped3A_102 = tpu.sem_alloc : memref<!tpu.dma_semaphore, #tpu.memory_space<semaphore_mem>>
        %dma_start3A_103 = arith.constant 0 : i32
        %dma_start3A_104 = arith.constant 0 : i32
        %dma_start3A_105 = tpu.memref_slice %arg8[%run_scoped3A_87, %dma_start3A_103, %dma_start3A_104] : memref<2x128x128xf32, #tpu.memory_space<vmem>> -> memref<1x128x128xf32, #tpu.memory_space<vmem>>
        %dma_start3A_106 = tpu.memref_squeeze %dma_start3A_105 : memref<1x128x128xf32, #tpu.memory_space<vmem>> -> memref<128x128xf32, #tpu.memory_space<vmem>>
        %dma_start3A_107 = arith.constant 0 : i32
        %dma_start3A_108 = tpu.memref_slice %arg7[%add3A_86, %dma_start3A_107] : memref<40x128xi32, #tpu.memory_space<vmem>> -> memref<1x128xi32, #tpu.memory_space<vmem>>
        %dma_start3A_109 = tpu.memref_squeeze %dma_start3A_108 : memref<1x128xi32, #tpu.memory_space<vmem>> -> memref<128xi32, #tpu.memory_space<vmem>>
        %dma_start3A_110 = arith.constant 0 : i32
        %dma_start3A_111 = arith.constant 0 : i32
        %dma_start3A_112 = tpu.memref_slice %arg9[%dma_start3A_110, %dma_start3A_111] : memref<10112x128xf32, #tpu.memory_space<vmem_shared>> -> memref<10112x128xf32, #tpu.memory_space<vmem_shared>>
        tpu.enqueue_indirect_dma source(%dma_start3A_106 : memref<128x128xf32, #tpu.memory_space<vmem>>) target(%dma_start3A_112 : memref<10112x128xf32, #tpu.memory_space<vmem_shared>>) offsets(%dma_start3A_109 : memref<128xi32, #tpu.memory_space<vmem>>) semaphore(%run_scoped3A_102 : memref<!tpu.dma_semaphore, #tpu.memory_space<semaphore_mem>>) {add = true}
        %dma_wait3A_113 = arith.constant 0 : i32
        %dma_wait3A_114 = arith.constant 0 : i32
        %dma_wait3A_115 = tpu.memref_slice %arg8[%run_scoped3A_87, %dma_wait3A_113, %dma_wait3A_114] : memref<2x128x128xf32, #tpu.memory_space<vmem>> -> memref<1x128x128xf32, #tpu.memory_space<vmem>>
        %dma_wait3A_116 = tpu.memref_squeeze %dma_wait3A_115 : memref<1x128x128xf32, #tpu.memory_space<vmem>> -> memref<128x128xf32, #tpu.memory_space<vmem>>
        %dma_wait3A_117 = arith.constant 0 : i32
        %dma_wait3A_118 = tpu.memref_slice %arg7[%add3A_86, %dma_wait3A_117] : memref<40x128xi32, #tpu.memory_space<vmem>> -> memref<1x128xi32, #tpu.memory_space<vmem>>
        %dma_wait3A_119 = tpu.memref_squeeze %dma_wait3A_118 : memref<1x128xi32, #tpu.memory_space<vmem>> -> memref<128xi32, #tpu.memory_space<vmem>>
        %dma_wait3A_120 = arith.constant 0 : i32
        %dma_wait3A_121 = arith.constant 0 : i32
        %dma_wait3A_122 = tpu.memref_slice %arg9[%dma_wait3A_120, %dma_wait3A_121] : memref<10112x128xf32, #tpu.memory_space<vmem_shared>> -> memref<10112x128xf32, #tpu.memory_space<vmem_shared>>
        tpu.wait_indirect_dma semaphore(%run_scoped3A_102 : memref<!tpu.dma_semaphore, #tpu.memory_space<semaphore_mem>>) src(%dma_wait3A_116 : memref<128x128xf32, #tpu.memory_space<vmem>>) dst(%dma_wait3A_122 : memref<10112x128xf32, #tpu.memory_space<vmem_shared>>)
        tpu.yield
      }) : () -> ()
      %dma_wait3A_88 = arith.constant 1 : i32
      %dma_wait3A_89 = arith.constant 0 : i32
      %dma_wait3A_90 = arith.constant 0 : i32
      %dma_wait3A_91 = tpu.memref_slice %arg8[%dma_wait3A_88, %dma_wait3A_89, %dma_wait3A_90] : memref<2x128x128xf32, #tpu.memory_space<vmem>> -> memref<1x128x128xf32, #tpu.memory_space<vmem>>
      %dma_wait3A_92 = tpu.memref_squeeze %dma_wait3A_91 : memref<1x128x128xf32, #tpu.memory_space<vmem>> -> memref<128x128xf32, #tpu.memory_space<vmem>>
      %dma_wait3A_93 = arith.constant 0 : i32
      %dma_wait3A_94 = tpu.memref_slice %arg6[%add3A_63, %dma_wait3A_93] : memref<40x128xi32, #tpu.memory_space<vmem>> -> memref<1x128xi32, #tpu.memory_space<vmem>>
      %dma_wait3A_95 = tpu.memref_squeeze %dma_wait3A_94 : memref<1x128xi32, #tpu.memory_space<vmem>> -> memref<128xi32, #tpu.memory_space<vmem>>
      %dma_wait3A_96 = arith.constant 0 : i32
      %dma_wait3A_97 = arith.constant 0 : i32
      %dma_wait3A_98 = tpu.memref_slice %arg2[%dma_wait3A_96, %dma_wait3A_97] : memref<10112x128xf32, #tpu.memory_space<hbm>> -> memref<10112x128xf32, #tpu.memory_space<hbm>>
      tpu.wait_indirect_dma semaphore(%arg11 : memref<!tpu.dma_semaphore, #tpu.memory_space<semaphore_mem>>) src(%dma_wait3A_98 : memref<10112x128xf32, #tpu.memory_space<hbm>>) dst(%dma_wait3A_92 : memref<128x128xf32, #tpu.memory_space<vmem>>)
      %add3A_99 = arith.constant 1 : i32
      %add3A_100 = arith.addi %mul3A_49, %add3A_99 : i32
      %run_scoped3A_101 = arith.constant 1 : i32
      "tpu.region"() ({
        %run_scoped3A_102 = tpu.sem_alloc : memref<!tpu.dma_semaphore, #tpu.memory_space<semaphore_mem>>
        %dma_start3A_103 = arith.constant 0 : i32
        %dma_start3A_104 = arith.constant 0 : i32
        %dma_start3A_105 = tpu.memref_slice %arg8[%run_scoped3A_101, %dma_start3A_103, %dma_start3A_104] : memref<2x128x128xf32, #tpu.memory_space<vmem>> -> memref<1x128x128xf32, #tpu.memory_space<vmem>>
        %dma_start3A_106 = tpu.memref_squeeze %dma_start3A_105 : memref<1x128x128xf32, #tpu.memory_space<vmem>> -> memref<128x128xf32, #tpu.memory_space<vmem>>
        %dma_start3A_107 = arith.constant 0 : i32
        %dma_start3A_108 = tpu.memref_slice %arg7[%add3A_100, %dma_start3A_107] : memref<40x128xi32, #tpu.memory_space<vmem>> -> memref<1x128xi32, #tpu.memory_space<vmem>>
        %dma_start3A_109 = tpu.memref_squeeze %dma_start3A_108 : memref<1x128xi32, #tpu.memory_space<vmem>> -> memref<128xi32, #tpu.memory_space<vmem>>
        %dma_start3A_110 = arith.constant 0 : i32
        %dma_start3A_111 = arith.constant 0 : i32
        %dma_start3A_112 = tpu.memref_slice %arg9[%dma_start3A_110, %dma_start3A_111] : memref<10112x128xf32, #tpu.memory_space<vmem_shared>> -> memref<10112x128xf32, #tpu.memory_space<vmem_shared>>
        tpu.enqueue_indirect_dma source(%dma_start3A_106 : memref<128x128xf32, #tpu.memory_space<vmem>>) target(%dma_start3A_112 : memref<10112x128xf32, #tpu.memory_space<vmem_shared>>) offsets(%dma_start3A_109 : memref<128xi32, #tpu.memory_space<vmem>>) semaphore(%run_scoped3A_102 : memref<!tpu.dma_semaphore, #tpu.memory_space<semaphore_mem>>) {add = true}
        %dma_wait3A_113 = arith.constant 0 : i32
        %dma_wait3A_114 = arith.constant 0 : i32
        %dma_wait3A_115 = tpu.memref_slice %arg8[%run_scoped3A_101, %dma_wait3A_113, %dma_wait3A_114] : memref<2x128x128xf32, #tpu.memory_space<vmem>> -> memref<1x128x128xf32, #tpu.memory_space<vmem>>
        %dma_wait3A_116 = tpu.memref_squeeze %dma_wait3A_115 : memref<1x128x128xf32, #tpu.memory_space<vmem>> -> memref<128x128xf32, #tpu.memory_space<vmem>>
        %dma_wait3A_117 = arith.constant 0 : i32
        %dma_wait3A_118 = tpu.memref_slice %arg7[%add3A_100, %dma_wait3A_117] : memref<40x128xi32, #tpu.memory_space<vmem>> -> memref<1x128xi32, #tpu.memory_space<vmem>>
        %dma_wait3A_119 = tpu.memref_squeeze %dma_wait3A_118 : memref<1x128xi32, #tpu.memory_space<vmem>> -> memref<128xi32, #tpu.memory_space<vmem>>
        %dma_wait3A_120 = arith.constant 0 : i32
        %dma_wait3A_121 = arith.constant 0 : i32
        %dma_wait3A_122 = tpu.memref_slice %arg9[%dma_wait3A_120, %dma_wait3A_121] : memref<10112x128xf32, #tpu.memory_space<vmem_shared>> -> memref<10112x128xf32, #tpu.memory_space<vmem_shared>>
        tpu.wait_indirect_dma semaphore(%run_scoped3A_102 : memref<!tpu.dma_semaphore, #tpu.memory_space<semaphore_mem>>) src(%dma_wait3A_116 : memref<128x128xf32, #tpu.memory_space<vmem>>) dst(%dma_wait3A_122 : memref<10112x128xf32, #tpu.memory_space<vmem_shared>>)
        tpu.yield
      }) : () -> ()
    }
    %scan3A_41 = arith.constant 20 : i32
    %barrier3A_42 = arith.constant 0 : index
    tpu.barrier barrier_id(%barrier3A_42)
    %mul3A_43 = arith.constant 632 : i32
    %mul3A_44 = arith.muli %arg1, %mul3A_43 : i32
    %mul3A_45 = arith.constant 632 : i32
    %mul3A_46 = arith.muli %arg1, %mul3A_45 : i32
    "tpu.region"() ({
      %run_scoped3A_47 = tpu.sem_alloc : memref<!tpu.dma_semaphore, #tpu.memory_space<semaphore_mem>>
      %dma_start3A = arith.constant 0 : i32
      %dma_start3A_48 = tpu.memref_slice %arg5[%arg0, %mul3A_46, %dma_start3A] : memref<2x10112x128xf32, #tpu.memory_space<hbm>> -> memref<1x632x128xf32, #tpu.memory_space<hbm>>
      %dma_start3A_49 = tpu.memref_squeeze %dma_start3A_48 : memref<1x632x128xf32, #tpu.memory_space<hbm>> -> memref<632x128xf32, #tpu.memory_space<hbm>>
      %dma_start3A_50 = arith.constant 0 : i32
      %dma_start3A_51 = tpu.memref_slice %arg9[%mul3A_44, %dma_start3A_50] : memref<10112x128xf32, #tpu.memory_space<vmem_shared>> -> memref<632x128xf32, #tpu.memory_space<vmem_shared>>
      tpu.enqueue_dma source(%dma_start3A_51 : memref<632x128xf32, #tpu.memory_space<vmem_shared>>) target(%dma_start3A_49 : memref<632x128xf32, #tpu.memory_space<hbm>>) target_semaphore(%run_scoped3A_47 : memref<!tpu.dma_semaphore, #tpu.memory_space<semaphore_mem>>)
      %dma_wait3A = arith.constant 0 : i32
      %dma_wait3A_52 = tpu.memref_slice %arg5[%arg0, %mul3A_46, %dma_wait3A] : memref<2x10112x128xf32, #tpu.memory_space<hbm>> -> memref<1x632x128xf32, #tpu.memory_space<hbm>>
      %dma_wait3A_53 = tpu.memref_squeeze %dma_wait3A_52 : memref<1x632x128xf32, #tpu.memory_space<hbm>> -> memref<632x128xf32, #tpu.memory_space<hbm>>
      %dma_wait3A_54 = arith.constant 0 : i32
      %dma_wait3A_55 = tpu.memref_slice %arg9[%mul3A_44, %dma_wait3A_54] : memref<10112x128xf32, #tpu.memory_space<vmem_shared>> -> memref<632x128xf32, #tpu.memory_space<vmem_shared>>
      tpu.wait_dma2 semaphore(%run_scoped3A_47 : memref<!tpu.dma_semaphore, #tpu.memory_space<semaphore_mem>>) src(%dma_wait3A_55 : memref<632x128xf32, #tpu.memory_space<vmem_shared>>) dst(%dma_wait3A_53 : memref<632x128xf32, #tpu.memory_space<hbm>>)
      tpu.yield
    }) : () -> ()
    return
  }
}

#map = affine_map<(d0, d1) -> (0, 0)>
#map1 = affine_map<(d0, d1) -> (0, 0, 0)>
module attributes {stable_mosaic.version = 14 : i64} {
  func.func @_sc_agg_body(%arg0: i32, %arg1: i32, %arg2: memref<10112x128xf32, #tpu.memory_space<hbm>>, %arg3: memref<32x80x128xi32, #tpu.memory_space<hbm>>, %arg4: memref<32x80x128xi32, #tpu.memory_space<hbm>>, %arg5: memref<2x10112x128xf32, #tpu.memory_space<hbm>>, %arg6: memref<40x128xi32, #tpu.memory_space<vmem>>, %arg7: memref<40x128xi32, #tpu.memory_space<vmem>>, %arg8: memref<2x128x128xf32, #tpu.memory_space<vmem>>, %arg9: memref<10112x128xf32, #tpu.memory_space<vmem_shared>>, %arg10: memref<!tpu.dma_semaphore, #tpu.memory_space<semaphore_mem>>, %arg11: memref<!tpu.dma_semaphore, #tpu.memory_space<semaphore_mem>>) attributes {dimension_semantics = [#tpu.dimension_semantics<core_parallel>, #tpu.dimension_semantics<subcore_parallel>], iteration_bounds = array<i64: 2, 16>, scalar_prefetch = 0 : i64, scratch_operands = 6 : i64, tpu.core_type = #tpu.core_type<sc_vector_subcore>, window_params = [{transform_indices = #map}, {transform_indices = #map1}, {transform_indices = #map1}, {transform_indices = #map1}]} {
    %mul3A = arith.constant 16 : i32
    %mul3A_0 = arith.muli %arg0, %mul3A : i32
    %add3A = arith.addi %mul3A_0, %arg1 : i32
    %scan3A = arith.constant 0 : i32
    %scan3A_1 = arith.constant 0 : i32
    %scan3A_2 = arith.constant 128 : i32
    %scan3A_3 = arith.addi %scan3A_1, %scan3A_2 : i32
    %scan3A_4 = arith.constant 1 : i32
    scf.for %scan3A_47 = %scan3A_1 to %scan3A_3 step %scan3A_4  : i32 {
      %broadcast_in_dim3A = arith.constant 0.000000e+00 : f32
      %broadcast_in_dim3A_48 = vector.broadcast %broadcast_in_dim3A : f32 to vector<16xf32>
      %swap3A = arith.constant 0 : i32
      %swap3A_49 = arith.index_cast %swap3A : i32 to index
      %swap3A_50 = arith.index_cast %scan3A_47 : i32 to index
      %swap3A_51 = arith.constant 0 : index
      %swap3A_52 = tpu.vector_load %arg8[%swap3A_49, %swap3A_50, %swap3A_51] {strides = array<i32>} : memref<2x128x128xf32, #tpu.memory_space<vmem>>, vector<1x1x16xf32>,
      %swap3A_53 = vector.shape_cast %swap3A_52 : vector<1x1x16xf32> to vector<16xf32>
      %swap3A_54 = vector.shape_cast %broadcast_in_dim3A_48 : vector<16xf32> to vector<1x1x16xf32>
      tpu.vector_store %arg8[%swap3A_49, %swap3A_50, %swap3A_51], %swap3A_54 {strides = array<i32>} : memref<2x128x128xf32, #tpu.memory_space<vmem>>, vector<1x1x16xf32>,
      %broadcast_in_dim3A_55 = arith.constant 0.000000e+00 : f32
      %broadcast_in_dim3A_56 = vector.broadcast %broadcast_in_dim3A_55 : f32 to vector<16xf32>
      %swap3A_57 = arith.constant 0 : i32
      %swap3A_58 = arith.index_cast %swap3A_57 : i32 to index
      %swap3A_59 = arith.index_cast %scan3A_47 : i32 to index
      %swap3A_60 = arith.constant 16 : index
      %swap3A_61 = tpu.vector_load %arg8[%swap3A_58, %swap3A_59, %swap3A_60] {strides = array<i32>} : memref<2x128x128xf32, #tpu.memory_space<vmem>>, vector<1x1x16xf32>,
      %swap3A_62 = vector.shape_cast %swap3A_61 : vector<1x1x16xf32> to vector<16xf32>
      %swap3A_63 = vector.shape_cast %broadcast_in_dim3A_56 : vector<16xf32> to vector<1x1x16xf32>
      tpu.vector_store %arg8[%swap3A_58, %swap3A_59, %swap3A_60], %swap3A_63 {strides = array<i32>} : memref<2x128x128xf32, #tpu.memory_space<vmem>>, vector<1x1x16xf32>,
      %broadcast_in_dim3A_64 = arith.constant 0.000000e+00 : f32
      %broadcast_in_dim3A_65 = vector.broadcast %broadcast_in_dim3A_64 : f32 to vector<16xf32>
      %swap3A_66 = arith.constant 0 : i32
      %swap3A_67 = arith.index_cast %swap3A_66 : i32 to index
      %swap3A_68 = arith.index_cast %scan3A_47 : i32 to index
      %swap3A_69 = arith.constant 32 : index
      %swap3A_70 = tpu.vector_load %arg8[%swap3A_67, %swap3A_68, %swap3A_69] {strides = array<i32>} : memref<2x128x128xf32, #tpu.memory_space<vmem>>, vector<1x1x16xf32>,
      %swap3A_71 = vector.shape_cast %swap3A_70 : vector<1x1x16xf32> to vector<16xf32>
      %swap3A_72 = vector.shape_cast %broadcast_in_dim3A_65 : vector<16xf32> to vector<1x1x16xf32>
      tpu.vector_store %arg8[%swap3A_67, %swap3A_68, %swap3A_69], %swap3A_72 {strides = array<i32>} : memref<2x128x128xf32, #tpu.memory_space<vmem>>, vector<1x1x16xf32>,
      %broadcast_in_dim3A_73 = arith.constant 0.000000e+00 : f32
      %broadcast_in_dim3A_74 = vector.broadcast %broadcast_in_dim3A_73 : f32 to vector<16xf32>
      %swap3A_75 = arith.constant 0 : i32
      %swap3A_76 = arith.index_cast %swap3A_75 : i32 to index
      %swap3A_77 = arith.index_cast %scan3A_47 : i32 to index
      %swap3A_78 = arith.constant 48 : index
      %swap3A_79 = tpu.vector_load %arg8[%swap3A_76, %swap3A_77, %swap3A_78] {strides = array<i32>} : memref<2x128x128xf32, #tpu.memory_space<vmem>>, vector<1x1x16xf32>,
      %swap3A_80 = vector.shape_cast %swap3A_79 : vector<1x1x16xf32> to vector<16xf32>
      %swap3A_81 = vector.shape_cast %broadcast_in_dim3A_74 : vector<16xf32> to vector<1x1x16xf32>
      tpu.vector_store %arg8[%swap3A_76, %swap3A_77, %swap3A_78], %swap3A_81 {strides = array<i32>} : memref<2x128x128xf32, #tpu.memory_space<vmem>>, vector<1x1x16xf32>,
      %broadcast_in_dim3A_82 = arith.constant 0.000000e+00 : f32
      %broadcast_in_dim3A_83 = vector.broadcast %broadcast_in_dim3A_82 : f32 to vector<16xf32>
      %swap3A_84 = arith.constant 0 : i32
      %swap3A_85 = arith.index_cast %swap3A_84 : i32 to index
      %swap3A_86 = arith.index_cast %scan3A_47 : i32 to index
      %swap3A_87 = arith.constant 64 : index
      %swap3A_88 = tpu.vector_load %arg8[%swap3A_85, %swap3A_86, %swap3A_87] {strides = array<i32>} : memref<2x128x128xf32, #tpu.memory_space<vmem>>, vector<1x1x16xf32>,
      %swap3A_89 = vector.shape_cast %swap3A_88 : vector<1x1x16xf32> to vector<16xf32>
      %swap3A_90 = vector.shape_cast %broadcast_in_dim3A_83 : vector<16xf32> to vector<1x1x16xf32>
      tpu.vector_store %arg8[%swap3A_85, %swap3A_86, %swap3A_87], %swap3A_90 {strides = array<i32>} : memref<2x128x128xf32, #tpu.memory_space<vmem>>, vector<1x1x16xf32>,
      %broadcast_in_dim3A_91 = arith.constant 0.000000e+00 : f32
      %broadcast_in_dim3A_92 = vector.broadcast %broadcast_in_dim3A_91 : f32 to vector<16xf32>
      %swap3A_93 = arith.constant 0 : i32
      %swap3A_94 = arith.index_cast %swap3A_93 : i32 to index
      %swap3A_95 = arith.index_cast %scan3A_47 : i32 to index
      %swap3A_96 = arith.constant 80 : index
      %swap3A_97 = tpu.vector_load %arg8[%swap3A_94, %swap3A_95, %swap3A_96] {strides = array<i32>} : memref<2x128x128xf32, #tpu.memory_space<vmem>>, vector<1x1x16xf32>,
      %swap3A_98 = vector.shape_cast %swap3A_97 : vector<1x1x16xf32> to vector<16xf32>
      %swap3A_99 = vector.shape_cast %broadcast_in_dim3A_92 : vector<16xf32> to vector<1x1x16xf32>
      tpu.vector_store %arg8[%swap3A_94, %swap3A_95, %swap3A_96], %swap3A_99 {strides = array<i32>} : memref<2x128x128xf32, #tpu.memory_space<vmem>>, vector<1x1x16xf32>,
      %broadcast_in_dim3A_100 = arith.constant 0.000000e+00 : f32
      %broadcast_in_dim3A_101 = vector.broadcast %broadcast_in_dim3A_100 : f32 to vector<16xf32>
      %swap3A_102 = arith.constant 0 : i32
      %swap3A_103 = arith.index_cast %swap3A_102 : i32 to index
      %swap3A_104 = arith.index_cast %scan3A_47 : i32 to index
      %swap3A_105 = arith.constant 96 : index
      %swap3A_106 = tpu.vector_load %arg8[%swap3A_103, %swap3A_104, %swap3A_105] {strides = array<i32>} : memref<2x128x128xf32, #tpu.memory_space<vmem>>, vector<1x1x16xf32>,
      %swap3A_107 = vector.shape_cast %swap3A_106 : vector<1x1x16xf32> to vector<16xf32>
      %swap3A_108 = vector.shape_cast %broadcast_in_dim3A_101 : vector<16xf32> to vector<1x1x16xf32>
      tpu.vector_store %arg8[%swap3A_103, %swap3A_104, %swap3A_105], %swap3A_108 {strides = array<i32>} : memref<2x128x128xf32, #tpu.memory_space<vmem>>, vector<1x1x16xf32>,
      %broadcast_in_dim3A_109 = arith.constant 0.000000e+00 : f32
      %broadcast_in_dim3A_110 = vector.broadcast %broadcast_in_dim3A_109 : f32 to vector<16xf32>
      %swap3A_111 = arith.constant 0 : i32
      %swap3A_112 = arith.index_cast %swap3A_111 : i32 to index
      %swap3A_113 = arith.index_cast %scan3A_47 : i32 to index
      %swap3A_114 = arith.constant 112 : index
      %swap3A_115 = tpu.vector_load %arg8[%swap3A_112, %swap3A_113, %swap3A_114] {strides = array<i32>} : memref<2x128x128xf32, #tpu.memory_space<vmem>>, vector<1x1x16xf32>,
      %swap3A_116 = vector.shape_cast %swap3A_115 : vector<1x1x16xf32> to vector<16xf32>
      %swap3A_117 = vector.shape_cast %broadcast_in_dim3A_110 : vector<16xf32> to vector<1x1x16xf32>
      tpu.vector_store %arg8[%swap3A_112, %swap3A_113, %swap3A_114], %swap3A_117 {strides = array<i32>} : memref<2x128x128xf32, #tpu.memory_space<vmem>>, vector<1x1x16xf32>,
    }
    %scan3A_5 = arith.constant 128 : i32
    %mul3A_6 = arith.constant 632 : i32
    %mul3A_7 = arith.muli %arg1, %mul3A_6 : i32
    %add3A_8 = arith.constant 0 : i32
    %add3A_9 = arith.addi %mul3A_7, %add3A_8 : i32
    %run_scoped3A = arith.constant 0 : i32
    "tpu.region"() ({
      %run_scoped3A_47 = tpu.sem_alloc : memref<!tpu.dma_semaphore, #tpu.memory_space<semaphore_mem>>
      %dma_start3A = arith.constant 0 : i32
      %dma_start3A_48 = arith.constant 0 : i32
      %dma_start3A_49 = tpu.memref_slice %arg8[%run_scoped3A, %dma_start3A, %dma_start3A_48] : memref<2x128x128xf32, #tpu.memory_space<vmem>> -> memref<1x128x128xf32, #tpu.memory_space<vmem>>
      %dma_start3A_50 = tpu.memref_squeeze %dma_start3A_49 : memref<1x128x128xf32, #tpu.memory_space<vmem>> -> memref<128x128xf32, #tpu.memory_space<vmem>>
      %dma_start3A_51 = arith.constant 0 : i32
      %dma_start3A_52 = tpu.memref_slice %arg9[%add3A_9, %dma_start3A_51] : memref<10112x128xf32, #tpu.memory_space<vmem_shared>> -> memref<128x128xf32, #tpu.memory_space<vmem_shared>>
      %dma_start3A_53 = arith.constant 0 : i32
      %dma_start3A_54 = tpu.memref_slice %arg9[%add3A_9, %dma_start3A_53] : memref<10112x128xf32, #tpu.memory_space<vmem_shared>> -> memref<128x128xf32, #tpu.memory_space<vmem_shared>>
      %dma_start3A_55 = arith.constant 0 : i32
      %dma_start3A_56 = arith.constant 0 : i32
      %dma_start3A_57 = tpu.memref_slice %arg8[%run_scoped3A, %dma_start3A_55, %dma_start3A_56] : memref<2x128x128xf32, #tpu.memory_space<vmem>> -> memref<1x128x128xf32, #tpu.memory_space<vmem>>
      %dma_start3A_58 = tpu.memref_squeeze %dma_start3A_57 : memref<1x128x128xf32, #tpu.memory_space<vmem>> -> memref<128x128xf32, #tpu.memory_space<vmem>>
      tpu.enqueue_dma source(%dma_start3A_58 : memref<128x128xf32, #tpu.memory_space<vmem>>) target(%dma_start3A_54 : memref<128x128xf32, #tpu.memory_space<vmem_shared>>) target_semaphore(%run_scoped3A_47 : memref<!tpu.dma_semaphore, #tpu.memory_space<semaphore_mem>>)
      %dma_wait3A = arith.constant 0 : i32
      %dma_wait3A_59 = arith.constant 0 : i32
      %dma_wait3A_60 = tpu.memref_slice %arg8[%run_scoped3A, %dma_wait3A, %dma_wait3A_59] : memref<2x128x128xf32, #tpu.memory_space<vmem>> -> memref<1x128x128xf32, #tpu.memory_space<vmem>>
      %dma_wait3A_61 = tpu.memref_squeeze %dma_wait3A_60 : memref<1x128x128xf32, #tpu.memory_space<vmem>> -> memref<128x128xf32, #tpu.memory_space<vmem>>
      %dma_wait3A_62 = arith.constant 0 : i32
      %dma_wait3A_63 = tpu.memref_slice %arg9[%add3A_9, %dma_wait3A_62] : memref<10112x128xf32, #tpu.memory_space<vmem_shared>> -> memref<128x128xf32, #tpu.memory_space<vmem_shared>>
      %dma_wait3A_64 = arith.constant 0 : i32
      %dma_wait3A_65 = tpu.memref_slice %arg9[%add3A_9, %dma_wait3A_64] : memref<10112x128xf32, #tpu.memory_space<vmem_shared>> -> memref<128x128xf32, #tpu.memory_space<vmem_shared>>
      %dma_wait3A_66 = arith.constant 0 : i32
      %dma_wait3A_67 = arith.constant 0 : i32
      %dma_wait3A_68 = tpu.memref_slice %arg8[%run_scoped3A, %dma_wait3A_66, %dma_wait3A_67] : memref<2x128x128xf32, #tpu.memory_space<vmem>> -> memref<1x128x128xf32, #tpu.memory_space<vmem>>
      %dma_wait3A_69 = tpu.memref_squeeze %dma_wait3A_68 : memref<1x128x128xf32, #tpu.memory_space<vmem>> -> memref<128x128xf32, #tpu.memory_space<vmem>>
      tpu.wait_dma2 semaphore(%run_scoped3A_47 : memref<!tpu.dma_semaphore, #tpu.memory_space<semaphore_mem>>) src(%dma_wait3A_69 : memref<128x128xf32, #tpu.memory_space<vmem>>) dst(%dma_wait3A_65 : memref<128x128xf32, #tpu.memory_space<vmem_shared>>)
      tpu.yield
    }) : () -> ()
    %mul3A_10 = arith.constant 632 : i32
    %mul3A_11 = arith.muli %arg1, %mul3A_10 : i32
    %add3A_12 = arith.constant 128 : i32
    %add3A_13 = arith.addi %mul3A_11, %add3A_12 : i32
    %run_scoped3A_14 = arith.constant 0 : i32
    "tpu.region"() ({
      %run_scoped3A_47 = tpu.sem_alloc : memref<!tpu.dma_semaphore, #tpu.memory_space<semaphore_mem>>
      %dma_start3A = arith.constant 0 : i32
      %dma_start3A_48 = arith.constant 0 : i32
      %dma_start3A_49 = tpu.memref_slice %arg8[%run_scoped3A_14, %dma_start3A, %dma_start3A_48] : memref<2x128x128xf32, #tpu.memory_space<vmem>> -> memref<1x128x128xf32, #tpu.memory_space<vmem>>
      %dma_start3A_50 = tpu.memref_squeeze %dma_start3A_49 : memref<1x128x128xf32, #tpu.memory_space<vmem>> -> memref<128x128xf32, #tpu.memory_space<vmem>>
      %dma_start3A_51 = arith.constant 0 : i32
      %dma_start3A_52 = tpu.memref_slice %arg9[%add3A_13, %dma_start3A_51] : memref<10112x128xf32, #tpu.memory_space<vmem_shared>> -> memref<128x128xf32, #tpu.memory_space<vmem_shared>>
      %dma_start3A_53 = arith.constant 0 : i32
      %dma_start3A_54 = tpu.memref_slice %arg9[%add3A_13, %dma_start3A_53] : memref<10112x128xf32, #tpu.memory_space<vmem_shared>> -> memref<128x128xf32, #tpu.memory_space<vmem_shared>>
      %dma_start3A_55 = arith.constant 0 : i32
      %dma_start3A_56 = arith.constant 0 : i32
      %dma_start3A_57 = tpu.memref_slice %arg8[%run_scoped3A_14, %dma_start3A_55, %dma_start3A_56] : memref<2x128x128xf32, #tpu.memory_space<vmem>> -> memref<1x128x128xf32, #tpu.memory_space<vmem>>
      %dma_start3A_58 = tpu.memref_squeeze %dma_start3A_57 : memref<1x128x128xf32, #tpu.memory_space<vmem>> -> memref<128x128xf32, #tpu.memory_space<vmem>>
      tpu.enqueue_dma source(%dma_start3A_58 : memref<128x128xf32, #tpu.memory_space<vmem>>) target(%dma_start3A_54 : memref<128x128xf32, #tpu.memory_space<vmem_shared>>) target_semaphore(%run_scoped3A_47 : memref<!tpu.dma_semaphore, #tpu.memory_space<semaphore_mem>>)
      %dma_wait3A = arith.constant 0 : i32
      %dma_wait3A_59 = arith.constant 0 : i32
      %dma_wait3A_60 = tpu.memref_slice %arg8[%run_scoped3A_14, %dma_wait3A, %dma_wait3A_59] : memref<2x128x128xf32, #tpu.memory_space<vmem>> -> memref<1x128x128xf32, #tpu.memory_space<vmem>>
      %dma_wait3A_61 = tpu.memref_squeeze %dma_wait3A_60 : memref<1x128x128xf32, #tpu.memory_space<vmem>> -> memref<128x128xf32, #tpu.memory_space<vmem>>
      %dma_wait3A_62 = arith.constant 0 : i32
      %dma_wait3A_63 = tpu.memref_slice %arg9[%add3A_13, %dma_wait3A_62] : memref<10112x128xf32, #tpu.memory_space<vmem_shared>> -> memref<128x128xf32, #tpu.memory_space<vmem_shared>>
      %dma_wait3A_64 = arith.constant 0 : i32
      %dma_wait3A_65 = tpu.memref_slice %arg9[%add3A_13, %dma_wait3A_64] : memref<10112x128xf32, #tpu.memory_space<vmem_shared>> -> memref<128x128xf32, #tpu.memory_space<vmem_shared>>
      %dma_wait3A_66 = arith.constant 0 : i32
      %dma_wait3A_67 = arith.constant 0 : i32
      %dma_wait3A_68 = tpu.memref_slice %arg8[%run_scoped3A_14, %dma_wait3A_66, %dma_wait3A_67] : memref<2x128x128xf32, #tpu.memory_space<vmem>> -> memref<1x128x128xf32, #tpu.memory_space<vmem>>
      %dma_wait3A_69 = tpu.memref_squeeze %dma_wait3A_68 : memref<1x128x128xf32, #tpu.memory_space<vmem>> -> memref<128x128xf32, #tpu.memory_space<vmem>>
      tpu.wait_dma2 semaphore(%run_scoped3A_47 : memref<!tpu.dma_semaphore, #tpu.memory_space<semaphore_mem>>) src(%dma_wait3A_69 : memref<128x128xf32, #tpu.memory_space<vmem>>) dst(%dma_wait3A_65 : memref<128x128xf32, #tpu.memory_space<vmem_shared>>)
      tpu.yield
    }) : () -> ()
    %mul3A_15 = arith.constant 632 : i32
    %mul3A_16 = arith.muli %arg1, %mul3A_15 : i32
    %add3A_17 = arith.constant 256 : i32
    %add3A_18 = arith.addi %mul3A_16, %add3A_17 : i32
    %run_scoped3A_19 = arith.constant 0 : i32
    "tpu.region"() ({
      %run_scoped3A_47 = tpu.sem_alloc : memref<!tpu.dma_semaphore, #tpu.memory_space<semaphore_mem>>
      %dma_start3A = arith.constant 0 : i32
      %dma_start3A_48 = arith.constant 0 : i32
      %dma_start3A_49 = tpu.memref_slice %arg8[%run_scoped3A_19, %dma_start3A, %dma_start3A_48] : memref<2x128x128xf32, #tpu.memory_space<vmem>> -> memref<1x128x128xf32, #tpu.memory_space<vmem>>
      %dma_start3A_50 = tpu.memref_squeeze %dma_start3A_49 : memref<1x128x128xf32, #tpu.memory_space<vmem>> -> memref<128x128xf32, #tpu.memory_space<vmem>>
      %dma_start3A_51 = arith.constant 0 : i32
      %dma_start3A_52 = tpu.memref_slice %arg9[%add3A_18, %dma_start3A_51] : memref<10112x128xf32, #tpu.memory_space<vmem_shared>> -> memref<128x128xf32, #tpu.memory_space<vmem_shared>>
      %dma_start3A_53 = arith.constant 0 : i32
      %dma_start3A_54 = tpu.memref_slice %arg9[%add3A_18, %dma_start3A_53] : memref<10112x128xf32, #tpu.memory_space<vmem_shared>> -> memref<128x128xf32, #tpu.memory_space<vmem_shared>>
      %dma_start3A_55 = arith.constant 0 : i32
      %dma_start3A_56 = arith.constant 0 : i32
      %dma_start3A_57 = tpu.memref_slice %arg8[%run_scoped3A_19, %dma_start3A_55, %dma_start3A_56] : memref<2x128x128xf32, #tpu.memory_space<vmem>> -> memref<1x128x128xf32, #tpu.memory_space<vmem>>
      %dma_start3A_58 = tpu.memref_squeeze %dma_start3A_57 : memref<1x128x128xf32, #tpu.memory_space<vmem>> -> memref<128x128xf32, #tpu.memory_space<vmem>>
      tpu.enqueue_dma source(%dma_start3A_58 : memref<128x128xf32, #tpu.memory_space<vmem>>) target(%dma_start3A_54 : memref<128x128xf32, #tpu.memory_space<vmem_shared>>) target_semaphore(%run_scoped3A_47 : memref<!tpu.dma_semaphore, #tpu.memory_space<semaphore_mem>>)
      %dma_wait3A = arith.constant 0 : i32
      %dma_wait3A_59 = arith.constant 0 : i32
      %dma_wait3A_60 = tpu.memref_slice %arg8[%run_scoped3A_19, %dma_wait3A, %dma_wait3A_59] : memref<2x128x128xf32, #tpu.memory_space<vmem>> -> memref<1x128x128xf32, #tpu.memory_space<vmem>>
      %dma_wait3A_61 = tpu.memref_squeeze %dma_wait3A_60 : memref<1x128x128xf32, #tpu.memory_space<vmem>> -> memref<128x128xf32, #tpu.memory_space<vmem>>
      %dma_wait3A_62 = arith.constant 0 : i32
      %dma_wait3A_63 = tpu.memref_slice %arg9[%add3A_18, %dma_wait3A_62] : memref<10112x128xf32, #tpu.memory_space<vmem_shared>> -> memref<128x128xf32, #tpu.memory_space<vmem_shared>>
      %dma_wait3A_64 = arith.constant 0 : i32
      %dma_wait3A_65 = tpu.memref_slice %arg9[%add3A_18, %dma_wait3A_64] : memref<10112x128xf32, #tpu.memory_space<vmem_shared>> -> memref<128x128xf32, #tpu.memory_space<vmem_shared>>
      %dma_wait3A_66 = arith.constant 0 : i32
      %dma_wait3A_67 = arith.constant 0 : i32
      %dma_wait3A_68 = tpu.memref_slice %arg8[%run_scoped3A_19, %dma_wait3A_66, %dma_wait3A_67] : memref<2x128x128xf32, #tpu.memory_space<vmem>> -> memref<1x128x128xf32, #tpu.memory_space<vmem>>
      %dma_wait3A_69 = tpu.memref_squeeze %dma_wait3A_68 : memref<1x128x128xf32, #tpu.memory_space<vmem>> -> memref<128x128xf32, #tpu.memory_space<vmem>>
      tpu.wait_dma2 semaphore(%run_scoped3A_47 : memref<!tpu.dma_semaphore, #tpu.memory_space<semaphore_mem>>) src(%dma_wait3A_69 : memref<128x128xf32, #tpu.memory_space<vmem>>) dst(%dma_wait3A_65 : memref<128x128xf32, #tpu.memory_space<vmem_shared>>)
      tpu.yield
    }) : () -> ()
    %mul3A_20 = arith.constant 632 : i32
    %mul3A_21 = arith.muli %arg1, %mul3A_20 : i32
    %add3A_22 = arith.constant 384 : i32
    %add3A_23 = arith.addi %mul3A_21, %add3A_22 : i32
    %run_scoped3A_24 = arith.constant 0 : i32
    "tpu.region"() ({
      %run_scoped3A_47 = tpu.sem_alloc : memref<!tpu.dma_semaphore, #tpu.memory_space<semaphore_mem>>
      %dma_start3A = arith.constant 0 : i32
      %dma_start3A_48 = arith.constant 0 : i32
      %dma_start3A_49 = tpu.memref_slice %arg8[%run_scoped3A_24, %dma_start3A, %dma_start3A_48] : memref<2x128x128xf32, #tpu.memory_space<vmem>> -> memref<1x128x128xf32, #tpu.memory_space<vmem>>
      %dma_start3A_50 = tpu.memref_squeeze %dma_start3A_49 : memref<1x128x128xf32, #tpu.memory_space<vmem>> -> memref<128x128xf32, #tpu.memory_space<vmem>>
      %dma_start3A_51 = arith.constant 0 : i32
      %dma_start3A_52 = tpu.memref_slice %arg9[%add3A_23, %dma_start3A_51] : memref<10112x128xf32, #tpu.memory_space<vmem_shared>> -> memref<128x128xf32, #tpu.memory_space<vmem_shared>>
      %dma_start3A_53 = arith.constant 0 : i32
      %dma_start3A_54 = tpu.memref_slice %arg9[%add3A_23, %dma_start3A_53] : memref<10112x128xf32, #tpu.memory_space<vmem_shared>> -> memref<128x128xf32, #tpu.memory_space<vmem_shared>>
      %dma_start3A_55 = arith.constant 0 : i32
      %dma_start3A_56 = arith.constant 0 : i32
      %dma_start3A_57 = tpu.memref_slice %arg8[%run_scoped3A_24, %dma_start3A_55, %dma_start3A_56] : memref<2x128x128xf32, #tpu.memory_space<vmem>> -> memref<1x128x128xf32, #tpu.memory_space<vmem>>
      %dma_start3A_58 = tpu.memref_squeeze %dma_start3A_57 : memref<1x128x128xf32, #tpu.memory_space<vmem>> -> memref<128x128xf32, #tpu.memory_space<vmem>>
      tpu.enqueue_dma source(%dma_start3A_58 : memref<128x128xf32, #tpu.memory_space<vmem>>) target(%dma_start3A_54 : memref<128x128xf32, #tpu.memory_space<vmem_shared>>) target_semaphore(%run_scoped3A_47 : memref<!tpu.dma_semaphore, #tpu.memory_space<semaphore_mem>>)
      %dma_wait3A = arith.constant 0 : i32
      %dma_wait3A_59 = arith.constant 0 : i32
      %dma_wait3A_60 = tpu.memref_slice %arg8[%run_scoped3A_24, %dma_wait3A, %dma_wait3A_59] : memref<2x128x128xf32, #tpu.memory_space<vmem>> -> memref<1x128x128xf32, #tpu.memory_space<vmem>>
      %dma_wait3A_61 = tpu.memref_squeeze %dma_wait3A_60 : memref<1x128x128xf32, #tpu.memory_space<vmem>> -> memref<128x128xf32, #tpu.memory_space<vmem>>
      %dma_wait3A_62 = arith.constant 0 : i32
      %dma_wait3A_63 = tpu.memref_slice %arg9[%add3A_23, %dma_wait3A_62] : memref<10112x128xf32, #tpu.memory_space<vmem_shared>> -> memref<128x128xf32, #tpu.memory_space<vmem_shared>>
      %dma_wait3A_64 = arith.constant 0 : i32
      %dma_wait3A_65 = tpu.memref_slice %arg9[%add3A_23, %dma_wait3A_64] : memref<10112x128xf32, #tpu.memory_space<vmem_shared>> -> memref<128x128xf32, #tpu.memory_space<vmem_shared>>
      %dma_wait3A_66 = arith.constant 0 : i32
      %dma_wait3A_67 = arith.constant 0 : i32
      %dma_wait3A_68 = tpu.memref_slice %arg8[%run_scoped3A_24, %dma_wait3A_66, %dma_wait3A_67] : memref<2x128x128xf32, #tpu.memory_space<vmem>> -> memref<1x128x128xf32, #tpu.memory_space<vmem>>
      %dma_wait3A_69 = tpu.memref_squeeze %dma_wait3A_68 : memref<1x128x128xf32, #tpu.memory_space<vmem>> -> memref<128x128xf32, #tpu.memory_space<vmem>>
      tpu.wait_dma2 semaphore(%run_scoped3A_47 : memref<!tpu.dma_semaphore, #tpu.memory_space<semaphore_mem>>) src(%dma_wait3A_69 : memref<128x128xf32, #tpu.memory_space<vmem>>) dst(%dma_wait3A_65 : memref<128x128xf32, #tpu.memory_space<vmem_shared>>)
      tpu.yield
    }) : () -> ()
    %mul3A_25 = arith.constant 632 : i32
    %mul3A_26 = arith.muli %arg1, %mul3A_25 : i32
    %add3A_27 = arith.constant 512 : i32
    %add3A_28 = arith.addi %mul3A_26, %add3A_27 : i32
    %run_scoped3A_29 = arith.constant 0 : i32
    "tpu.region"() ({
      %run_scoped3A_47 = tpu.sem_alloc : memref<!tpu.dma_semaphore, #tpu.memory_space<semaphore_mem>>
      %dma_start3A = arith.constant 0 : i32
      %dma_start3A_48 = arith.constant 0 : i32
      %dma_start3A_49 = tpu.memref_slice %arg8[%run_scoped3A_29, %dma_start3A, %dma_start3A_48] : memref<2x128x128xf32, #tpu.memory_space<vmem>> -> memref<1x128x128xf32, #tpu.memory_space<vmem>>
      %dma_start3A_50 = tpu.memref_squeeze %dma_start3A_49 : memref<1x128x128xf32, #tpu.memory_space<vmem>> -> memref<128x128xf32, #tpu.memory_space<vmem>>
      %dma_start3A_51 = arith.constant 0 : i32
      %dma_start3A_52 = arith.constant 0 : i32
      %dma_start3A_53 = tpu.memref_slice %dma_start3A_50[%dma_start3A_51, %dma_start3A_52] : memref<128x128xf32, #tpu.memory_space<vmem>> -> memref<120x128xf32, #tpu.memory_space<vmem>>
      %dma_start3A_54 = arith.constant 0 : i32
      %dma_start3A_55 = tpu.memref_slice %arg9[%add3A_28, %dma_start3A_54] : memref<10112x128xf32, #tpu.memory_space<vmem_shared>> -> memref<120x128xf32, #tpu.memory_space<vmem_shared>>
      %dma_start3A_56 = arith.constant 0 : i32
      %dma_start3A_57 = tpu.memref_slice %arg9[%add3A_28, %dma_start3A_56] : memref<10112x128xf32, #tpu.memory_space<vmem_shared>> -> memref<120x128xf32, #tpu.memory_space<vmem_shared>>
      %dma_start3A_58 = arith.constant 0 : i32
      %dma_start3A_59 = arith.constant 0 : i32
      %dma_start3A_60 = tpu.memref_slice %arg8[%run_scoped3A_29, %dma_start3A_58, %dma_start3A_59] : memref<2x128x128xf32, #tpu.memory_space<vmem>> -> memref<1x128x128xf32, #tpu.memory_space<vmem>>
      %dma_start3A_61 = tpu.memref_squeeze %dma_start3A_60 : memref<1x128x128xf32, #tpu.memory_space<vmem>> -> memref<128x128xf32, #tpu.memory_space<vmem>>
      %dma_start3A_62 = arith.constant 0 : i32
      %dma_start3A_63 = arith.constant 0 : i32
      %dma_start3A_64 = tpu.memref_slice %dma_start3A_61[%dma_start3A_62, %dma_start3A_63] : memref<128x128xf32, #tpu.memory_space<vmem>> -> memref<120x128xf32, #tpu.memory_space<vmem>>
      tpu.enqueue_dma source(%dma_start3A_64 : memref<120x128xf32, #tpu.memory_space<vmem>>) target(%dma_start3A_57 : memref<120x128xf32, #tpu.memory_space<vmem_shared>>) target_semaphore(%run_scoped3A_47 : memref<!tpu.dma_semaphore, #tpu.memory_space<semaphore_mem>>)
      %dma_wait3A = arith.constant 0 : i32
      %dma_wait3A_65 = arith.constant 0 : i32
      %dma_wait3A_66 = tpu.memref_slice %arg8[%run_scoped3A_29, %dma_wait3A, %dma_wait3A_65] : memref<2x128x128xf32, #tpu.memory_space<vmem>> -> memref<1x128x128xf32, #tpu.memory_space<vmem>>
      %dma_wait3A_67 = tpu.memref_squeeze %dma_wait3A_66 : memref<1x128x128xf32, #tpu.memory_space<vmem>> -> memref<128x128xf32, #tpu.memory_space<vmem>>
      %dma_wait3A_68 = arith.constant 0 : i32
      %dma_wait3A_69 = arith.constant 0 : i32
      %dma_wait3A_70 = tpu.memref_slice %dma_wait3A_67[%dma_wait3A_68, %dma_wait3A_69] : memref<128x128xf32, #tpu.memory_space<vmem>> -> memref<120x128xf32, #tpu.memory_space<vmem>>
      %dma_wait3A_71 = arith.constant 0 : i32
      %dma_wait3A_72 = tpu.memref_slice %arg9[%add3A_28, %dma_wait3A_71] : memref<10112x128xf32, #tpu.memory_space<vmem_shared>> -> memref<120x128xf32, #tpu.memory_space<vmem_shared>>
      %dma_wait3A_73 = arith.constant 0 : i32
      %dma_wait3A_74 = tpu.memref_slice %arg9[%add3A_28, %dma_wait3A_73] : memref<10112x128xf32, #tpu.memory_space<vmem_shared>> -> memref<120x128xf32, #tpu.memory_space<vmem_shared>>
      %dma_wait3A_75 = arith.constant 0 : i32
      %dma_wait3A_76 = arith.constant 0 : i32
      %dma_wait3A_77 = tpu.memref_slice %arg8[%run_scoped3A_29, %dma_wait3A_75, %dma_wait3A_76] : memref<2x128x128xf32, #tpu.memory_space<vmem>> -> memref<1x128x128xf32, #tpu.memory_space<vmem>>
      %dma_wait3A_78 = tpu.memref_squeeze %dma_wait3A_77 : memref<1x128x128xf32, #tpu.memory_space<vmem>> -> memref<128x128xf32, #tpu.memory_space<vmem>>
      %dma_wait3A_79 = arith.constant 0 : i32
      %dma_wait3A_80 = arith.constant 0 : i32
      %dma_wait3A_81 = tpu.memref_slice %dma_wait3A_78[%dma_wait3A_79, %dma_wait3A_80] : memref<128x128xf32, #tpu.memory_space<vmem>> -> memref<120x128xf32, #tpu.memory_space<vmem>>
      tpu.wait_dma2 semaphore(%run_scoped3A_47 : memref<!tpu.dma_semaphore, #tpu.memory_space<semaphore_mem>>) src(%dma_wait3A_81 : memref<120x128xf32, #tpu.memory_space<vmem>>) dst(%dma_wait3A_74 : memref<120x128xf32, #tpu.memory_space<vmem_shared>>)
      tpu.yield
    }) : () -> ()
    %barrier3A = arith.constant 0 : index
    tpu.barrier barrier_id(%barrier3A)
    "tpu.region"() ({
      %run_scoped3A_47 = tpu.sem_alloc : memref<!tpu.dma_semaphore, #tpu.memory_space<semaphore_mem>>
      %dma_start3A = arith.constant 0 : i32
      %dma_start3A_48 = arith.constant 0 : i32
      %dma_start3A_49 = tpu.memref_slice %arg3[%add3A, %dma_start3A, %dma_start3A_48] : memref<32x80x128xi32, #tpu.memory_space<hbm>> -> memref<1x40x128xi32, #tpu.memory_space<hbm>>
      %dma_start3A_50 = tpu.memref_squeeze %dma_start3A_49 : memref<1x40x128xi32, #tpu.memory_space<hbm>> -> memref<40x128xi32, #tpu.memory_space<hbm>>
      %dma_start3A_51 = arith.constant 0 : i32
      %dma_start3A_52 = arith.constant 0 : i32
      %dma_start3A_53 = tpu.memref_slice %arg3[%add3A, %dma_start3A_51, %dma_start3A_52] : memref<32x80x128xi32, #tpu.memory_space<hbm>> -> memref<1x40x128xi32, #tpu.memory_space<hbm>>
      %dma_start3A_54 = tpu.memref_squeeze %dma_start3A_53 : memref<1x40x128xi32, #tpu.memory_space<hbm>> -> memref<40x128xi32, #tpu.memory_space<hbm>>
      tpu.enqueue_dma source(%dma_start3A_54 : memref<40x128xi32, #tpu.memory_space<hbm>>) target(%arg6 : memref<40x128xi32, #tpu.memory_space<vmem>>) target_semaphore(%run_scoped3A_47 : memref<!tpu.dma_semaphore, #tpu.memory_space<semaphore_mem>>)
      %dma_wait3A = arith.constant 0 : i32
      %dma_wait3A_55 = arith.constant 0 : i32
      %dma_wait3A_56 = tpu.memref_slice %arg3[%add3A, %dma_wait3A, %dma_wait3A_55] : memref<32x80x128xi32, #tpu.memory_space<hbm>> -> memref<1x40x128xi32, #tpu.memory_space<hbm>>
      %dma_wait3A_57 = tpu.memref_squeeze %dma_wait3A_56 : memref<1x40x128xi32, #tpu.memory_space<hbm>> -> memref<40x128xi32, #tpu.memory_space<hbm>>
      %dma_wait3A_58 = arith.constant 0 : i32
      %dma_wait3A_59 = arith.constant 0 : i32
      %dma_wait3A_60 = tpu.memref_slice %arg3[%add3A, %dma_wait3A_58, %dma_wait3A_59] : memref<32x80x128xi32, #tpu.memory_space<hbm>> -> memref<1x40x128xi32, #tpu.memory_space<hbm>>
      %dma_wait3A_61 = tpu.memref_squeeze %dma_wait3A_60 : memref<1x40x128xi32, #tpu.memory_space<hbm>> -> memref<40x128xi32, #tpu.memory_space<hbm>>
      tpu.wait_dma2 semaphore(%run_scoped3A_47 : memref<!tpu.dma_semaphore, #tpu.memory_space<semaphore_mem>>) src(%dma_wait3A_61 : memref<40x128xi32, #tpu.memory_space<hbm>>) dst(%arg6 : memref<40x128xi32, #tpu.memory_space<vmem>>)
      tpu.yield
    }) : () -> ()
    "tpu.region"() ({
      %run_scoped3A_47 = tpu.sem_alloc : memref<!tpu.dma_semaphore, #tpu.memory_space<semaphore_mem>>
      %dma_start3A = arith.constant 0 : i32
      %dma_start3A_48 = arith.constant 0 : i32
      %dma_start3A_49 = tpu.memref_slice %arg4[%add3A, %dma_start3A, %dma_start3A_48] : memref<32x80x128xi32, #tpu.memory_space<hbm>> -> memref<1x40x128xi32, #tpu.memory_space<hbm>>
      %dma_start3A_50 = tpu.memref_squeeze %dma_start3A_49 : memref<1x40x128xi32, #tpu.memory_space<hbm>> -> memref<40x128xi32, #tpu.memory_space<hbm>>
      %dma_start3A_51 = arith.constant 0 : i32
      %dma_start3A_52 = arith.constant 0 : i32
      %dma_start3A_53 = tpu.memref_slice %arg4[%add3A, %dma_start3A_51, %dma_start3A_52] : memref<32x80x128xi32, #tpu.memory_space<hbm>> -> memref<1x40x128xi32, #tpu.memory_space<hbm>>
      %dma_start3A_54 = tpu.memref_squeeze %dma_start3A_53 : memref<1x40x128xi32, #tpu.memory_space<hbm>> -> memref<40x128xi32, #tpu.memory_space<hbm>>
      tpu.enqueue_dma source(%dma_start3A_54 : memref<40x128xi32, #tpu.memory_space<hbm>>) target(%arg7 : memref<40x128xi32, #tpu.memory_space<vmem>>) target_semaphore(%run_scoped3A_47 : memref<!tpu.dma_semaphore, #tpu.memory_space<semaphore_mem>>)
      %dma_wait3A = arith.constant 0 : i32
      %dma_wait3A_55 = arith.constant 0 : i32
      %dma_wait3A_56 = tpu.memref_slice %arg4[%add3A, %dma_wait3A, %dma_wait3A_55] : memref<32x80x128xi32, #tpu.memory_space<hbm>> -> memref<1x40x128xi32, #tpu.memory_space<hbm>>
      %dma_wait3A_57 = tpu.memref_squeeze %dma_wait3A_56 : memref<1x40x128xi32, #tpu.memory_space<hbm>> -> memref<40x128xi32, #tpu.memory_space<hbm>>
      %dma_wait3A_58 = arith.constant 0 : i32
      %dma_wait3A_59 = arith.constant 0 : i32
      %dma_wait3A_60 = tpu.memref_slice %arg4[%add3A, %dma_wait3A_58, %dma_wait3A_59] : memref<32x80x128xi32, #tpu.memory_space<hbm>> -> memref<1x40x128xi32, #tpu.memory_space<hbm>>
      %dma_wait3A_61 = tpu.memref_squeeze %dma_wait3A_60 : memref<1x40x128xi32, #tpu.memory_space<hbm>> -> memref<40x128xi32, #tpu.memory_space<hbm>>
      tpu.wait_dma2 semaphore(%run_scoped3A_47 : memref<!tpu.dma_semaphore, #tpu.memory_space<semaphore_mem>>) src(%dma_wait3A_61 : memref<40x128xi32, #tpu.memory_space<hbm>>) dst(%arg7 : memref<40x128xi32, #tpu.memory_space<vmem>>)
      tpu.yield
    }) : () -> ()
    %scan3A_30 = arith.constant 0 : i32
    %scan3A_31 = arith.constant 0 : i32
    %scan3A_32 = arith.constant 20 : i32
    %scan3A_33 = arith.addi %scan3A_31, %scan3A_32 : i32
    %scan3A_34 = arith.constant 1 : i32
    scf.for %scan3A_47 = %scan3A_31 to %scan3A_33 step %scan3A_34  : i32 {
      %mul3A_48 = arith.constant 2 : i32
      %mul3A_49 = arith.muli %scan3A_47, %mul3A_48 : i32
      %add3A_50 = arith.constant 0 : i32
      %add3A_51 = arith.addi %mul3A_49, %add3A_50 : i32
      %dma_start3A = arith.constant 0 : i32
      %dma_start3A_52 = arith.constant 0 : i32
      %dma_start3A_53 = arith.constant 0 : i32
      %dma_start3A_54 = tpu.memref_slice %arg8[%dma_start3A, %dma_start3A_52, %dma_start3A_53] : memref<2x128x128xf32, #tpu.memory_space<vmem>> -> memref<1x128x128xf32, #tpu.memory_space<vmem>>
      %dma_start3A_55 = tpu.memref_squeeze %dma_start3A_54 : memref<1x128x128xf32, #tpu.memory_space<vmem>> -> memref<128x128xf32, #tpu.memory_space<vmem>>
      %dma_start3A_56 = arith.constant 0 : i32
      %dma_start3A_57 = tpu.memref_slice %arg6[%add3A_51, %dma_start3A_56] : memref<40x128xi32, #tpu.memory_space<vmem>> -> memref<1x128xi32, #tpu.memory_space<vmem>>
      %dma_start3A_58 = tpu.memref_squeeze %dma_start3A_57 : memref<1x128xi32, #tpu.memory_space<vmem>> -> memref<128xi32, #tpu.memory_space<vmem>>
      %dma_start3A_59 = arith.constant 0 : i32
      %dma_start3A_60 = arith.constant 0 : i32
      %dma_start3A_61 = tpu.memref_slice %arg2[%dma_start3A_59, %dma_start3A_60] : memref<10112x128xf32, #tpu.memory_space<hbm>> -> memref<10112x128xf32, #tpu.memory_space<hbm>>
      tpu.enqueue_indirect_dma source(%dma_start3A_61 : memref<10112x128xf32, #tpu.memory_space<hbm>>) target(%dma_start3A_55 : memref<128x128xf32, #tpu.memory_space<vmem>>) offsets(%dma_start3A_58 : memref<128xi32, #tpu.memory_space<vmem>>) semaphore(%arg10 : memref<!tpu.dma_semaphore, #tpu.memory_space<semaphore_mem>>)
      %add3A_62 = arith.constant 1 : i32
      %add3A_63 = arith.addi %mul3A_49, %add3A_62 : i32
      %dma_start3A_64 = arith.constant 1 : i32
      %dma_start3A_65 = arith.constant 0 : i32
      %dma_start3A_66 = arith.constant 0 : i32
      %dma_start3A_67 = tpu.memref_slice %arg8[%dma_start3A_64, %dma_start3A_65, %dma_start3A_66] : memref<2x128x128xf32, #tpu.memory_space<vmem>> -> memref<1x128x128xf32, #tpu.memory_space<vmem>>
      %dma_start3A_68 = tpu.memref_squeeze %dma_start3A_67 : memref<1x128x128xf32, #tpu.memory_space<vmem>> -> memref<128x128xf32, #tpu.memory_space<vmem>>
      %dma_start3A_69 = arith.constant 0 : i32
      %dma_start3A_70 = tpu.memref_slice %arg6[%add3A_63, %dma_start3A_69] : memref<40x128xi32, #tpu.memory_space<vmem>> -> memref<1x128xi32, #tpu.memory_space<vmem>>
      %dma_start3A_71 = tpu.memref_squeeze %dma_start3A_70 : memref<1x128xi32, #tpu.memory_space<vmem>> -> memref<128xi32, #tpu.memory_space<vmem>>
      %dma_start3A_72 = arith.constant 0 : i32
      %dma_start3A_73 = arith.constant 0 : i32
      %dma_start3A_74 = tpu.memref_slice %arg2[%dma_start3A_72, %dma_start3A_73] : memref<10112x128xf32, #tpu.memory_space<hbm>> -> memref<10112x128xf32, #tpu.memory_space<hbm>>
      tpu.enqueue_indirect_dma source(%dma_start3A_74 : memref<10112x128xf32, #tpu.memory_space<hbm>>) target(%dma_start3A_68 : memref<128x128xf32, #tpu.memory_space<vmem>>) offsets(%dma_start3A_71 : memref<128xi32, #tpu.memory_space<vmem>>) semaphore(%arg11 : memref<!tpu.dma_semaphore, #tpu.memory_space<semaphore_mem>>)
      %dma_wait3A = arith.constant 0 : i32
      %dma_wait3A_75 = arith.constant 0 : i32
      %dma_wait3A_76 = arith.constant 0 : i32
      %dma_wait3A_77 = tpu.memref_slice %arg8[%dma_wait3A, %dma_wait3A_75, %dma_wait3A_76] : memref<2x128x128xf32, #tpu.memory_space<vmem>> -> memref<1x128x128xf32, #tpu.memory_space<vmem>>
      %dma_wait3A_78 = tpu.memref_squeeze %dma_wait3A_77 : memref<1x128x128xf32, #tpu.memory_space<vmem>> -> memref<128x128xf32, #tpu.memory_space<vmem>>
      %dma_wait3A_79 = arith.constant 0 : i32
      %dma_wait3A_80 = tpu.memref_slice %arg6[%add3A_51, %dma_wait3A_79] : memref<40x128xi32, #tpu.memory_space<vmem>> -> memref<1x128xi32, #tpu.memory_space<vmem>>
      %dma_wait3A_81 = tpu.memref_squeeze %dma_wait3A_80 : memref<1x128xi32, #tpu.memory_space<vmem>> -> memref<128xi32, #tpu.memory_space<vmem>>
      %dma_wait3A_82 = arith.constant 0 : i32
      %dma_wait3A_83 = arith.constant 0 : i32
      %dma_wait3A_84 = tpu.memref_slice %arg2[%dma_wait3A_82, %dma_wait3A_83] : memref<10112x128xf32, #tpu.memory_space<hbm>> -> memref<10112x128xf32, #tpu.memory_space<hbm>>
      tpu.wait_indirect_dma semaphore(%arg10 : memref<!tpu.dma_semaphore, #tpu.memory_space<semaphore_mem>>) src(%dma_wait3A_84 : memref<10112x128xf32, #tpu.memory_space<hbm>>) dst(%dma_wait3A_78 : memref<128x128xf32, #tpu.memory_space<vmem>>)
      %add3A_85 = arith.constant 0 : i32
      %add3A_86 = arith.addi %mul3A_49, %add3A_85 : i32
      %run_scoped3A_87 = arith.constant 0 : i32
      "tpu.region"() ({
        %run_scoped3A_102 = tpu.sem_alloc : memref<!tpu.dma_semaphore, #tpu.memory_space<semaphore_mem>>
        %dma_start3A_103 = arith.constant 0 : i32
        %dma_start3A_104 = arith.constant 0 : i32
        %dma_start3A_105 = tpu.memref_slice %arg8[%run_scoped3A_87, %dma_start3A_103, %dma_start3A_104] : memref<2x128x128xf32, #tpu.memory_space<vmem>> -> memref<1x128x128xf32, #tpu.memory_space<vmem>>
        %dma_start3A_106 = tpu.memref_squeeze %dma_start3A_105 : memref<1x128x128xf32, #tpu.memory_space<vmem>> -> memref<128x128xf32, #tpu.memory_space<vmem>>
        %dma_start3A_107 = arith.constant 0 : i32
        %dma_start3A_108 = tpu.memref_slice %arg7[%add3A_86, %dma_start3A_107] : memref<40x128xi32, #tpu.memory_space<vmem>> -> memref<1x128xi32, #tpu.memory_space<vmem>>
        %dma_start3A_109 = tpu.memref_squeeze %dma_start3A_108 : memref<1x128xi32, #tpu.memory_space<vmem>> -> memref<128xi32, #tpu.memory_space<vmem>>
        %dma_start3A_110 = arith.constant 0 : i32
        %dma_start3A_111 = arith.constant 0 : i32
        %dma_start3A_112 = tpu.memref_slice %arg9[%dma_start3A_110, %dma_start3A_111] : memref<10112x128xf32, #tpu.memory_space<vmem_shared>> -> memref<10112x128xf32, #tpu.memory_space<vmem_shared>>
        tpu.enqueue_indirect_dma source(%dma_start3A_106 : memref<128x128xf32, #tpu.memory_space<vmem>>) target(%dma_start3A_112 : memref<10112x128xf32, #tpu.memory_space<vmem_shared>>) offsets(%dma_start3A_109 : memref<128xi32, #tpu.memory_space<vmem>>) semaphore(%run_scoped3A_102 : memref<!tpu.dma_semaphore, #tpu.memory_space<semaphore_mem>>) {add = true}
        %dma_wait3A_113 = arith.constant 0 : i32
        %dma_wait3A_114 = arith.constant 0 : i32
        %dma_wait3A_115 = tpu.memref_slice %arg8[%run_scoped3A_87, %dma_wait3A_113, %dma_wait3A_114] : memref<2x128x128xf32, #tpu.memory_space<vmem>> -> memref<1x128x128xf32, #tpu.memory_space<vmem>>
        %dma_wait3A_116 = tpu.memref_squeeze %dma_wait3A_115 : memref<1x128x128xf32, #tpu.memory_space<vmem>> -> memref<128x128xf32, #tpu.memory_space<vmem>>
        %dma_wait3A_117 = arith.constant 0 : i32
        %dma_wait3A_118 = tpu.memref_slice %arg7[%add3A_86, %dma_wait3A_117] : memref<40x128xi32, #tpu.memory_space<vmem>> -> memref<1x128xi32, #tpu.memory_space<vmem>>
        %dma_wait3A_119 = tpu.memref_squeeze %dma_wait3A_118 : memref<1x128xi32, #tpu.memory_space<vmem>> -> memref<128xi32, #tpu.memory_space<vmem>>
        %dma_wait3A_120 = arith.constant 0 : i32
        %dma_wait3A_121 = arith.constant 0 : i32
        %dma_wait3A_122 = tpu.memref_slice %arg9[%dma_wait3A_120, %dma_wait3A_121] : memref<10112x128xf32, #tpu.memory_space<vmem_shared>> -> memref<10112x128xf32, #tpu.memory_space<vmem_shared>>
        tpu.wait_indirect_dma semaphore(%run_scoped3A_102 : memref<!tpu.dma_semaphore, #tpu.memory_space<semaphore_mem>>) src(%dma_wait3A_116 : memref<128x128xf32, #tpu.memory_space<vmem>>) dst(%dma_wait3A_122 : memref<10112x128xf32, #tpu.memory_space<vmem_shared>>)
        tpu.yield
      }) : () -> ()
      %dma_wait3A_88 = arith.constant 1 : i32
      %dma_wait3A_89 = arith.constant 0 : i32
      %dma_wait3A_90 = arith.constant 0 : i32
      %dma_wait3A_91 = tpu.memref_slice %arg8[%dma_wait3A_88, %dma_wait3A_89, %dma_wait3A_90] : memref<2x128x128xf32, #tpu.memory_space<vmem>> -> memref<1x128x128xf32, #tpu.memory_space<vmem>>
      %dma_wait3A_92 = tpu.memref_squeeze %dma_wait3A_91 : memref<1x128x128xf32, #tpu.memory_space<vmem>> -> memref<128x128xf32, #tpu.memory_space<vmem>>
      %dma_wait3A_93 = arith.constant 0 : i32
      %dma_wait3A_94 = tpu.memref_slice %arg6[%add3A_63, %dma_wait3A_93] : memref<40x128xi32, #tpu.memory_space<vmem>> -> memref<1x128xi32, #tpu.memory_space<vmem>>
      %dma_wait3A_95 = tpu.memref_squeeze %dma_wait3A_94 : memref<1x128xi32, #tpu.memory_space<vmem>> -> memref<128xi32, #tpu.memory_space<vmem>>
      %dma_wait3A_96 = arith.constant 0 : i32
      %dma_wait3A_97 = arith.constant 0 : i32
      %dma_wait3A_98 = tpu.memref_slice %arg2[%dma_wait3A_96, %dma_wait3A_97] : memref<10112x128xf32, #tpu.memory_space<hbm>> -> memref<10112x128xf32, #tpu.memory_space<hbm>>
      tpu.wait_indirect_dma semaphore(%arg11 : memref<!tpu.dma_semaphore, #tpu.memory_space<semaphore_mem>>) src(%dma_wait3A_98 : memref<10112x128xf32, #tpu.memory_space<hbm>>) dst(%dma_wait3A_92 : memref<128x128xf32, #tpu.memory_space<vmem>>)
      %add3A_99 = arith.constant 1 : i32
      %add3A_100 = arith.addi %mul3A_49, %add3A_99 : i32
      %run_scoped3A_101 = arith.constant 1 : i32
      "tpu.region"() ({
        %run_scoped3A_102 = tpu.sem_alloc : memref<!tpu.dma_semaphore, #tpu.memory_space<semaphore_mem>>
        %dma_start3A_103 = arith.constant 0 : i32
        %dma_start3A_104 = arith.constant 0 : i32
        %dma_start3A_105 = tpu.memref_slice %arg8[%run_scoped3A_101, %dma_start3A_103, %dma_start3A_104] : memref<2x128x128xf32, #tpu.memory_space<vmem>> -> memref<1x128x128xf32, #tpu.memory_space<vmem>>
        %dma_start3A_106 = tpu.memref_squeeze %dma_start3A_105 : memref<1x128x128xf32, #tpu.memory_space<vmem>> -> memref<128x128xf32, #tpu.memory_space<vmem>>
        %dma_start3A_107 = arith.constant 0 : i32
        %dma_start3A_108 = tpu.memref_slice %arg7[%add3A_100, %dma_start3A_107] : memref<40x128xi32, #tpu.memory_space<vmem>> -> memref<1x128xi32, #tpu.memory_space<vmem>>
        %dma_start3A_109 = tpu.memref_squeeze %dma_start3A_108 : memref<1x128xi32, #tpu.memory_space<vmem>> -> memref<128xi32, #tpu.memory_space<vmem>>
        %dma_start3A_110 = arith.constant 0 : i32
        %dma_start3A_111 = arith.constant 0 : i32
        %dma_start3A_112 = tpu.memref_slice %arg9[%dma_start3A_110, %dma_start3A_111] : memref<10112x128xf32, #tpu.memory_space<vmem_shared>> -> memref<10112x128xf32, #tpu.memory_space<vmem_shared>>
        tpu.enqueue_indirect_dma source(%dma_start3A_106 : memref<128x128xf32, #tpu.memory_space<vmem>>) target(%dma_start3A_112 : memref<10112x128xf32, #tpu.memory_space<vmem_shared>>) offsets(%dma_start3A_109 : memref<128xi32, #tpu.memory_space<vmem>>) semaphore(%run_scoped3A_102 : memref<!tpu.dma_semaphore, #tpu.memory_space<semaphore_mem>>) {add = true}
        %dma_wait3A_113 = arith.constant 0 : i32
        %dma_wait3A_114 = arith.constant 0 : i32
        %dma_wait3A_115 = tpu.memref_slice %arg8[%run_scoped3A_101, %dma_wait3A_113, %dma_wait3A_114] : memref<2x128x128xf32, #tpu.memory_space<vmem>> -> memref<1x128x128xf32, #tpu.memory_space<vmem>>
        %dma_wait3A_116 = tpu.memref_squeeze %dma_wait3A_115 : memref<1x128x128xf32, #tpu.memory_space<vmem>> -> memref<128x128xf32, #tpu.memory_space<vmem>>
        %dma_wait3A_117 = arith.constant 0 : i32
        %dma_wait3A_118 = tpu.memref_slice %arg7[%add3A_100, %dma_wait3A_117] : memref<40x128xi32, #tpu.memory_space<vmem>> -> memref<1x128xi32, #tpu.memory_space<vmem>>
        %dma_wait3A_119 = tpu.memref_squeeze %dma_wait3A_118 : memref<1x128xi32, #tpu.memory_space<vmem>> -> memref<128xi32, #tpu.memory_space<vmem>>
        %dma_wait3A_120 = arith.constant 0 : i32
        %dma_wait3A_121 = arith.constant 0 : i32
        %dma_wait3A_122 = tpu.memref_slice %arg9[%dma_wait3A_120, %dma_wait3A_121] : memref<10112x128xf32, #tpu.memory_space<vmem_shared>> -> memref<10112x128xf32, #tpu.memory_space<vmem_shared>>
        tpu.wait_indirect_dma semaphore(%run_scoped3A_102 : memref<!tpu.dma_semaphore, #tpu.memory_space<semaphore_mem>>) src(%dma_wait3A_116 : memref<128x128xf32, #tpu.memory_space<vmem>>) dst(%dma_wait3A_122 : memref<10112x128xf32, #tpu.memory_space<vmem_shared>>)
        tpu.yield
      }) : () -> ()
    }
    %scan3A_35 = arith.constant 20 : i32
    "tpu.region"() ({
      %run_scoped3A_47 = tpu.sem_alloc : memref<!tpu.dma_semaphore, #tpu.memory_space<semaphore_mem>>
      %dma_start3A = arith.constant 40 : i32
      %dma_start3A_48 = arith.constant 0 : i32
      %dma_start3A_49 = tpu.memref_slice %arg3[%add3A, %dma_start3A, %dma_start3A_48] : memref<32x80x128xi32, #tpu.memory_space<hbm>> -> memref<1x40x128xi32, #tpu.memory_space<hbm>>
      %dma_start3A_50 = tpu.memref_squeeze %dma_start3A_49 : memref<1x40x128xi32, #tpu.memory_space<hbm>> -> memref<40x128xi32, #tpu.memory_space<hbm>>
      %dma_start3A_51 = arith.constant 40 : i32
      %dma_start3A_52 = arith.constant 0 : i32
      %dma_start3A_53 = tpu.memref_slice %arg3[%add3A, %dma_start3A_51, %dma_start3A_52] : memref<32x80x128xi32, #tpu.memory_space<hbm>> -> memref<1x40x128xi32, #tpu.memory_space<hbm>>
      %dma_start3A_54 = tpu.memref_squeeze %dma_start3A_53 : memref<1x40x128xi32, #tpu.memory_space<hbm>> -> memref<40x128xi32, #tpu.memory_space<hbm>>
      tpu.enqueue_dma source(%dma_start3A_54 : memref<40x128xi32, #tpu.memory_space<hbm>>) target(%arg6 : memref<40x128xi32, #tpu.memory_space<vmem>>) target_semaphore(%run_scoped3A_47 : memref<!tpu.dma_semaphore, #tpu.memory_space<semaphore_mem>>)
      %dma_wait3A = arith.constant 40 : i32
      %dma_wait3A_55 = arith.constant 0 : i32
      %dma_wait3A_56 = tpu.memref_slice %arg3[%add3A, %dma_wait3A, %dma_wait3A_55] : memref<32x80x128xi32, #tpu.memory_space<hbm>> -> memref<1x40x128xi32, #tpu.memory_space<hbm>>
      %dma_wait3A_57 = tpu.memref_squeeze %dma_wait3A_56 : memref<1x40x128xi32, #tpu.memory_space<hbm>> -> memref<40x128xi32, #tpu.memory_space<hbm>>
      %dma_wait3A_58 = arith.constant 40 : i32
      %dma_wait3A_59 = arith.constant 0 : i32
      %dma_wait3A_60 = tpu.memref_slice %arg3[%add3A, %dma_wait3A_58, %dma_wait3A_59] : memref<32x80x128xi32, #tpu.memory_space<hbm>> -> memref<1x40x128xi32, #tpu.memory_space<hbm>>
      %dma_wait3A_61 = tpu.memref_squeeze %dma_wait3A_60 : memref<1x40x128xi32, #tpu.memory_space<hbm>> -> memref<40x128xi32, #tpu.memory_space<hbm>>
      tpu.wait_dma2 semaphore(%run_scoped3A_47 : memref<!tpu.dma_semaphore, #tpu.memory_space<semaphore_mem>>) src(%dma_wait3A_61 : memref<40x128xi32, #tpu.memory_space<hbm>>) dst(%arg6 : memref<40x128xi32, #tpu.memory_space<vmem>>)
      tpu.yield
    }) : () -> ()
    "tpu.region"() ({
      %run_scoped3A_47 = tpu.sem_alloc : memref<!tpu.dma_semaphore, #tpu.memory_space<semaphore_mem>>
      %dma_start3A = arith.constant 40 : i32
      %dma_start3A_48 = arith.constant 0 : i32
      %dma_start3A_49 = tpu.memref_slice %arg4[%add3A, %dma_start3A, %dma_start3A_48] : memref<32x80x128xi32, #tpu.memory_space<hbm>> -> memref<1x40x128xi32, #tpu.memory_space<hbm>>
      %dma_start3A_50 = tpu.memref_squeeze %dma_start3A_49 : memref<1x40x128xi32, #tpu.memory_space<hbm>> -> memref<40x128xi32, #tpu.memory_space<hbm>>
      %dma_start3A_51 = arith.constant 40 : i32
      %dma_start3A_52 = arith.constant 0 : i32
      %dma_start3A_53 = tpu.memref_slice %arg4[%add3A, %dma_start3A_51, %dma_start3A_52] : memref<32x80x128xi32, #tpu.memory_space<hbm>> -> memref<1x40x128xi32, #tpu.memory_space<hbm>>
      %dma_start3A_54 = tpu.memref_squeeze %dma_start3A_53 : memref<1x40x128xi32, #tpu.memory_space<hbm>> -> memref<40x128xi32, #tpu.memory_space<hbm>>
      tpu.enqueue_dma source(%dma_start3A_54 : memref<40x128xi32, #tpu.memory_space<hbm>>) target(%arg7 : memref<40x128xi32, #tpu.memory_space<vmem>>) target_semaphore(%run_scoped3A_47 : memref<!tpu.dma_semaphore, #tpu.memory_space<semaphore_mem>>)
      %dma_wait3A = arith.constant 40 : i32
      %dma_wait3A_55 = arith.constant 0 : i32
      %dma_wait3A_56 = tpu.memref_slice %arg4[%add3A, %dma_wait3A, %dma_wait3A_55] : memref<32x80x128xi32, #tpu.memory_space<hbm>> -> memref<1x40x128xi32, #tpu.memory_space<hbm>>
      %dma_wait3A_57 = tpu.memref_squeeze %dma_wait3A_56 : memref<1x40x128xi32, #tpu.memory_space<hbm>> -> memref<40x128xi32, #tpu.memory_space<hbm>>
      %dma_wait3A_58 = arith.constant 40 : i32
      %dma_wait3A_59 = arith.constant 0 : i32
      %dma_wait3A_60 = tpu.memref_slice %arg4[%add3A, %dma_wait3A_58, %dma_wait3A_59] : memref<32x80x128xi32, #tpu.memory_space<hbm>> -> memref<1x40x128xi32, #tpu.memory_space<hbm>>
      %dma_wait3A_61 = tpu.memref_squeeze %dma_wait3A_60 : memref<1x40x128xi32, #tpu.memory_space<hbm>> -> memref<40x128xi32, #tpu.memory_space<hbm>>
      tpu.wait_dma2 semaphore(%run_scoped3A_47 : memref<!tpu.dma_semaphore, #tpu.memory_space<semaphore_mem>>) src(%dma_wait3A_61 : memref<40x128xi32, #tpu.memory_space<hbm>>) dst(%arg7 : memref<40x128xi32, #tpu.memory_space<vmem>>)
      tpu.yield
    }) : () -> ()
    %scan3A_36 = arith.constant 0 : i32
    %scan3A_37 = arith.constant 0 : i32
    %scan3A_38 = arith.constant 20 : i32
    %scan3A_39 = arith.addi %scan3A_37, %scan3A_38 : i32
    %scan3A_40 = arith.constant 1 : i32
    scf.for %scan3A_47 = %scan3A_37 to %scan3A_39 step %scan3A_40  : i32 {
      %mul3A_48 = arith.constant 2 : i32
      %mul3A_49 = arith.muli %scan3A_47, %mul3A_48 : i32
      %add3A_50 = arith.constant 0 : i32
      %add3A_51 = arith.addi %mul3A_49, %add3A_50 : i32
      %dma_start3A = arith.constant 0 : i32
      %dma_start3A_52 = arith.constant 0 : i32
      %dma_start3A_53 = arith.constant 0 : i32
      %dma_start3A_54 = tpu.memref_slice %arg8[%dma_start3A, %dma_start3A_52, %dma_start3A_53] : memref<2x128x128xf32, #tpu.memory_space<vmem>> -> memref<1x128x128xf32, #tpu.memory_space<vmem>>
      %dma_start3A_55 = tpu.memref_squeeze %dma_start3A_54 : memref<1x128x128xf32, #tpu.memory_space<vmem>> -> memref<128x128xf32, #tpu.memory_space<vmem>>
      %dma_start3A_56 = arith.constant 0 : i32
      %dma_start3A_57 = tpu.memref_slice %arg6[%add3A_51, %dma_start3A_56] : memref<40x128xi32, #tpu.memory_space<vmem>> -> memref<1x128xi32, #tpu.memory_space<vmem>>
      %dma_start3A_58 = tpu.memref_squeeze %dma_start3A_57 : memref<1x128xi32, #tpu.memory_space<vmem>> -> memref<128xi32, #tpu.memory_space<vmem>>
      %dma_start3A_59 = arith.constant 0 : i32
      %dma_start3A_60 = arith.constant 0 : i32
      %dma_start3A_61 = tpu.memref_slice %arg2[%dma_start3A_59, %dma_start3A_60] : memref<10112x128xf32, #tpu.memory_space<hbm>> -> memref<10112x128xf32, #tpu.memory_space<hbm>>
      tpu.enqueue_indirect_dma source(%dma_start3A_61 : memref<10112x128xf32, #tpu.memory_space<hbm>>) target(%dma_start3A_55 : memref<128x128xf32, #tpu.memory_space<vmem>>) offsets(%dma_start3A_58 : memref<128xi32, #tpu.memory_space<vmem>>) semaphore(%arg10 : memref<!tpu.dma_semaphore, #tpu.memory_space<semaphore_mem>>)
      %add3A_62 = arith.constant 1 : i32
      %add3A_63 = arith.addi %mul3A_49, %add3A_62 : i32
      %dma_start3A_64 = arith.constant 1 : i32
      %dma_start3A_65 = arith.constant 0 : i32
      %dma_start3A_66 = arith.constant 0 : i32
      %dma_start3A_67 = tpu.memref_slice %arg8[%dma_start3A_64, %dma_start3A_65, %dma_start3A_66] : memref<2x128x128xf32, #tpu.memory_space<vmem>> -> memref<1x128x128xf32, #tpu.memory_space<vmem>>
      %dma_start3A_68 = tpu.memref_squeeze %dma_start3A_67 : memref<1x128x128xf32, #tpu.memory_space<vmem>> -> memref<128x128xf32, #tpu.memory_space<vmem>>
      %dma_start3A_69 = arith.constant 0 : i32
      %dma_start3A_70 = tpu.memref_slice %arg6[%add3A_63, %dma_start3A_69] : memref<40x128xi32, #tpu.memory_space<vmem>> -> memref<1x128xi32, #tpu.memory_space<vmem>>
      %dma_start3A_71 = tpu.memref_squeeze %dma_start3A_70 : memref<1x128xi32, #tpu.memory_space<vmem>> -> memref<128xi32, #tpu.memory_space<vmem>>
      %dma_start3A_72 = arith.constant 0 : i32
      %dma_start3A_73 = arith.constant 0 : i32
      %dma_start3A_74 = tpu.memref_slice %arg2[%dma_start3A_72, %dma_start3A_73] : memref<10112x128xf32, #tpu.memory_space<hbm>> -> memref<10112x128xf32, #tpu.memory_space<hbm>>
      tpu.enqueue_indirect_dma source(%dma_start3A_74 : memref<10112x128xf32, #tpu.memory_space<hbm>>) target(%dma_start3A_68 : memref<128x128xf32, #tpu.memory_space<vmem>>) offsets(%dma_start3A_71 : memref<128xi32, #tpu.memory_space<vmem>>) semaphore(%arg11 : memref<!tpu.dma_semaphore, #tpu.memory_space<semaphore_mem>>)
      %dma_wait3A = arith.constant 0 : i32
      %dma_wait3A_75 = arith.constant 0 : i32
      %dma_wait3A_76 = arith.constant 0 : i32
      %dma_wait3A_77 = tpu.memref_slice %arg8[%dma_wait3A, %dma_wait3A_75, %dma_wait3A_76] : memref<2x128x128xf32, #tpu.memory_space<vmem>> -> memref<1x128x128xf32, #tpu.memory_space<vmem>>
      %dma_wait3A_78 = tpu.memref_squeeze %dma_wait3A_77 : memref<1x128x128xf32, #tpu.memory_space<vmem>> -> memref<128x128xf32, #tpu.memory_space<vmem>>
      %dma_wait3A_79 = arith.constant 0 : i32
      %dma_wait3A_80 = tpu.memref_slice %arg6[%add3A_51, %dma_wait3A_79] : memref<40x128xi32, #tpu.memory_space<vmem>> -> memref<1x128xi32, #tpu.memory_space<vmem>>
      %dma_wait3A_81 = tpu.memref_squeeze %dma_wait3A_80 : memref<1x128xi32, #tpu.memory_space<vmem>> -> memref<128xi32, #tpu.memory_space<vmem>>
      %dma_wait3A_82 = arith.constant 0 : i32
      %dma_wait3A_83 = arith.constant 0 : i32
      %dma_wait3A_84 = tpu.memref_slice %arg2[%dma_wait3A_82, %dma_wait3A_83] : memref<10112x128xf32, #tpu.memory_space<hbm>> -> memref<10112x128xf32, #tpu.memory_space<hbm>>
      tpu.wait_indirect_dma semaphore(%arg10 : memref<!tpu.dma_semaphore, #tpu.memory_space<semaphore_mem>>) src(%dma_wait3A_84 : memref<10112x128xf32, #tpu.memory_space<hbm>>) dst(%dma_wait3A_78 : memref<128x128xf32, #tpu.memory_space<vmem>>)
      %add3A_85 = arith.constant 0 : i32
      %add3A_86 = arith.addi %mul3A_49, %add3A_85 : i32
      %run_scoped3A_87 = arith.constant 0 : i32
      "tpu.region"() ({
        %run_scoped3A_102 = tpu.sem_alloc : memref<!tpu.dma_semaphore, #tpu.memory_space<semaphore_mem>>
        %dma_start3A_103 = arith.constant 0 : i32
        %dma_start3A_104 = arith.constant 0 : i32
        %dma_start3A_105 = tpu.memref_slice %arg8[%run_scoped3A_87, %dma_start3A_103, %dma_start3A_104] : memref<2x128x128xf32, #tpu.memory_space<vmem>> -> memref<1x128x128xf32, #tpu.memory_space<vmem>>
        %dma_start3A_106 = tpu.memref_squeeze %dma_start3A_105 : memref<1x128x128xf32, #tpu.memory_space<vmem>> -> memref<128x128xf32, #tpu.memory_space<vmem>>
        %dma_start3A_107 = arith.constant 0 : i32
        %dma_start3A_108 = tpu.memref_slice %arg7[%add3A_86, %dma_start3A_107] : memref<40x128xi32, #tpu.memory_space<vmem>> -> memref<1x128xi32, #tpu.memory_space<vmem>>
        %dma_start3A_109 = tpu.memref_squeeze %dma_start3A_108 : memref<1x128xi32, #tpu.memory_space<vmem>> -> memref<128xi32, #tpu.memory_space<vmem>>
        %dma_start3A_110 = arith.constant 0 : i32
        %dma_start3A_111 = arith.constant 0 : i32
        %dma_start3A_112 = tpu.memref_slice %arg9[%dma_start3A_110, %dma_start3A_111] : memref<10112x128xf32, #tpu.memory_space<vmem_shared>> -> memref<10112x128xf32, #tpu.memory_space<vmem_shared>>
        tpu.enqueue_indirect_dma source(%dma_start3A_106 : memref<128x128xf32, #tpu.memory_space<vmem>>) target(%dma_start3A_112 : memref<10112x128xf32, #tpu.memory_space<vmem_shared>>) offsets(%dma_start3A_109 : memref<128xi32, #tpu.memory_space<vmem>>) semaphore(%run_scoped3A_102 : memref<!tpu.dma_semaphore, #tpu.memory_space<semaphore_mem>>) {add = true}
        %dma_wait3A_113 = arith.constant 0 : i32
        %dma_wait3A_114 = arith.constant 0 : i32
        %dma_wait3A_115 = tpu.memref_slice %arg8[%run_scoped3A_87, %dma_wait3A_113, %dma_wait3A_114] : memref<2x128x128xf32, #tpu.memory_space<vmem>> -> memref<1x128x128xf32, #tpu.memory_space<vmem>>
        %dma_wait3A_116 = tpu.memref_squeeze %dma_wait3A_115 : memref<1x128x128xf32, #tpu.memory_space<vmem>> -> memref<128x128xf32, #tpu.memory_space<vmem>>
        %dma_wait3A_117 = arith.constant 0 : i32
        %dma_wait3A_118 = tpu.memref_slice %arg7[%add3A_86, %dma_wait3A_117] : memref<40x128xi32, #tpu.memory_space<vmem>> -> memref<1x128xi32, #tpu.memory_space<vmem>>
        %dma_wait3A_119 = tpu.memref_squeeze %dma_wait3A_118 : memref<1x128xi32, #tpu.memory_space<vmem>> -> memref<128xi32, #tpu.memory_space<vmem>>
        %dma_wait3A_120 = arith.constant 0 : i32
        %dma_wait3A_121 = arith.constant 0 : i32
        %dma_wait3A_122 = tpu.memref_slice %arg9[%dma_wait3A_120, %dma_wait3A_121] : memref<10112x128xf32, #tpu.memory_space<vmem_shared>> -> memref<10112x128xf32, #tpu.memory_space<vmem_shared>>
        tpu.wait_indirect_dma semaphore(%run_scoped3A_102 : memref<!tpu.dma_semaphore, #tpu.memory_space<semaphore_mem>>) src(%dma_wait3A_116 : memref<128x128xf32, #tpu.memory_space<vmem>>) dst(%dma_wait3A_122 : memref<10112x128xf32, #tpu.memory_space<vmem_shared>>)
        tpu.yield
      }) : () -> ()
      %dma_wait3A_88 = arith.constant 1 : i32
      %dma_wait3A_89 = arith.constant 0 : i32
      %dma_wait3A_90 = arith.constant 0 : i32
      %dma_wait3A_91 = tpu.memref_slice %arg8[%dma_wait3A_88, %dma_wait3A_89, %dma_wait3A_90] : memref<2x128x128xf32, #tpu.memory_space<vmem>> -> memref<1x128x128xf32, #tpu.memory_space<vmem>>
      %dma_wait3A_92 = tpu.memref_squeeze %dma_wait3A_91 : memref<1x128x128xf32, #tpu.memory_space<vmem>> -> memref<128x128xf32, #tpu.memory_space<vmem>>
      %dma_wait3A_93 = arith.constant 0 : i32
      %dma_wait3A_94 = tpu.memref_slice %arg6[%add3A_63, %dma_wait3A_93] : memref<40x128xi32, #tpu.memory_space<vmem>> -> memref<1x128xi32, #tpu.memory_space<vmem>>
      %dma_wait3A_95 = tpu.memref_squeeze %dma_wait3A_94 : memref<1x128xi32, #tpu.memory_space<vmem>> -> memref<128xi32, #tpu.memory_space<vmem>>
      %dma_wait3A_96 = arith.constant 0 : i32
      %dma_wait3A_97 = arith.constant 0 : i32
      %dma_wait3A_98 = tpu.memref_slice %arg2[%dma_wait3A_96, %dma_wait3A_97] : memref<10112x128xf32, #tpu.memory_space<hbm>> -> memref<10112x128xf32, #tpu.memory_space<hbm>>
      tpu.wait_indirect_dma semaphore(%arg11 : memref<!tpu.dma_semaphore, #tpu.memory_space<semaphore_mem>>) src(%dma_wait3A_98 : memref<10112x128xf32, #tpu.memory_space<hbm>>) dst(%dma_wait3A_92 : memref<128x128xf32, #tpu.memory_space<vmem>>)
      %add3A_99 = arith.constant 1 : i32
      %add3A_100 = arith.addi %mul3A_49, %add3A_99 : i32
      %run_scoped3A_101 = arith.constant 1 : i32
      "tpu.region"() ({
        %run_scoped3A_102 = tpu.sem_alloc : memref<!tpu.dma_semaphore, #tpu.memory_space<semaphore_mem>>
        %dma_start3A_103 = arith.constant 0 : i32
        %dma_start3A_104 = arith.constant 0 : i32
        %dma_start3A_105 = tpu.memref_slice %arg8[%run_scoped3A_101, %dma_start3A_103, %dma_start3A_104] : memref<2x128x128xf32, #tpu.memory_space<vmem>> -> memref<1x128x128xf32, #tpu.memory_space<vmem>>
        %dma_start3A_106 = tpu.memref_squeeze %dma_start3A_105 : memref<1x128x128xf32, #tpu.memory_space<vmem>> -> memref<128x128xf32, #tpu.memory_space<vmem>>
        %dma_start3A_107 = arith.constant 0 : i32
        %dma_start3A_108 = tpu.memref_slice %arg7[%add3A_100, %dma_start3A_107] : memref<40x128xi32, #tpu.memory_space<vmem>> -> memref<1x128xi32, #tpu.memory_space<vmem>>
        %dma_start3A_109 = tpu.memref_squeeze %dma_start3A_108 : memref<1x128xi32, #tpu.memory_space<vmem>> -> memref<128xi32, #tpu.memory_space<vmem>>
        %dma_start3A_110 = arith.constant 0 : i32
        %dma_start3A_111 = arith.constant 0 : i32
        %dma_start3A_112 = tpu.memref_slice %arg9[%dma_start3A_110, %dma_start3A_111] : memref<10112x128xf32, #tpu.memory_space<vmem_shared>> -> memref<10112x128xf32, #tpu.memory_space<vmem_shared>>
        tpu.enqueue_indirect_dma source(%dma_start3A_106 : memref<128x128xf32, #tpu.memory_space<vmem>>) target(%dma_start3A_112 : memref<10112x128xf32, #tpu.memory_space<vmem_shared>>) offsets(%dma_start3A_109 : memref<128xi32, #tpu.memory_space<vmem>>) semaphore(%run_scoped3A_102 : memref<!tpu.dma_semaphore, #tpu.memory_space<semaphore_mem>>) {add = true}
        %dma_wait3A_113 = arith.constant 0 : i32
        %dma_wait3A_114 = arith.constant 0 : i32
        %dma_wait3A_115 = tpu.memref_slice %arg8[%run_scoped3A_101, %dma_wait3A_113, %dma_wait3A_114] : memref<2x128x128xf32, #tpu.memory_space<vmem>> -> memref<1x128x128xf32, #tpu.memory_space<vmem>>
        %dma_wait3A_116 = tpu.memref_squeeze %dma_wait3A_115 : memref<1x128x128xf32, #tpu.memory_space<vmem>> -> memref<128x128xf32, #tpu.memory_space<vmem>>
        %dma_wait3A_117 = arith.constant 0 : i32
        %dma_wait3A_118 = tpu.memref_slice %arg7[%add3A_100, %dma_wait3A_117] : memref<40x128xi32, #tpu.memory_space<vmem>> -> memref<1x128xi32, #tpu.memory_space<vmem>>
        %dma_wait3A_119 = tpu.memref_squeeze %dma_wait3A_118 : memref<1x128xi32, #tpu.memory_space<vmem>> -> memref<128xi32, #tpu.memory_space<vmem>>
        %dma_wait3A_120 = arith.constant 0 : i32
        %dma_wait3A_121 = arith.constant 0 : i32
        %dma_wait3A_122 = tpu.memref_slice %arg9[%dma_wait3A_120, %dma_wait3A_121] : memref<10112x128xf32, #tpu.memory_space<vmem_shared>> -> memref<10112x128xf32, #tpu.memory_space<vmem_shared>>
        tpu.wait_indirect_dma semaphore(%run_scoped3A_102 : memref<!tpu.dma_semaphore, #tpu.memory_space<semaphore_mem>>) src(%dma_wait3A_116 : memref<128x128xf32, #tpu.memory_space<vmem>>) dst(%dma_wait3A_122 : memref<10112x128xf32, #tpu.memory_space<vmem_shared>>)
        tpu.yield
      }) : () -> ()
    }
    %scan3A_41 = arith.constant 20 : i32
    %barrier3A_42 = arith.constant 0 : index
    tpu.barrier barrier_id(%barrier3A_42)
    %mul3A_43 = arith.constant 632 : i32
    %mul3A_44 = arith.muli %arg1, %mul3A_43 : i32
    %mul3A_45 = arith.constant 632 : i32
    %mul3A_46 = arith.muli %arg1, %mul3A_45 : i32
    "tpu.region"() ({
      %run_scoped3A_47 = tpu.sem_alloc : memref<!tpu.dma_semaphore, #tpu.memory_space<semaphore_mem>>
      %dma_start3A = arith.constant 0 : i32
      %dma_start3A_48 = tpu.memref_slice %arg5[%arg0, %mul3A_46, %dma_start3A] : memref<2x10112x128xf32, #tpu.memory_space<hbm>> -> memref<1x632x128xf32, #tpu.memory_space<hbm>>
      %dma_start3A_49 = tpu.memref_squeeze %dma_start3A_48 : memref<1x632x128xf32, #tpu.memory_space<hbm>> -> memref<632x128xf32, #tpu.memory_space<hbm>>
      %dma_start3A_50 = arith.constant 0 : i32
      %dma_start3A_51 = tpu.memref_slice %arg9[%mul3A_44, %dma_start3A_50] : memref<10112x128xf32, #tpu.memory_space<vmem_shared>> -> memref<632x128xf32, #tpu.memory_space<vmem_shared>>
      tpu.enqueue_dma source(%dma_start3A_51 : memref<632x128xf32, #tpu.memory_space<vmem_shared>>) target(%dma_start3A_49 : memref<632x128xf32, #tpu.memory_space<hbm>>) target_semaphore(%run_scoped3A_47 : memref<!tpu.dma_semaphore, #tpu.memory_space<semaphore_mem>>)
      %dma_wait3A = arith.constant 0 : i32
      %dma_wait3A_52 = tpu.memref_slice %arg5[%arg0, %mul3A_46, %dma_wait3A] : memref<2x10112x128xf32, #tpu.memory_space<hbm>> -> memref<1x632x128xf32, #tpu.memory_space<hbm>>
      %dma_wait3A_53 = tpu.memref_squeeze %dma_wait3A_52 : memref<1x632x128xf32, #tpu.memory_space<hbm>> -> memref<632x128xf32, #tpu.memory_space<hbm>>
      %dma_wait3A_54 = arith.constant 0 : i32
      %dma_wait3A_55 = tpu.memref_slice %arg9[%mul3A_44, %dma_wait3A_54] : memref<10112x128xf32, #tpu.memory_space<vmem_shared>> -> memref<632x128xf32, #tpu.memory_space<vmem_shared>>
      tpu.wait_dma2 semaphore(%run_scoped3A_47 : memref<!tpu.dma_semaphore, #tpu.memory_space<semaphore_mem>>) src(%dma_wait3A_55 : memref<632x128xf32, #tpu.memory_space<vmem_shared>>) dst(%dma_wait3A_53 : memref<632x128xf32, #tpu.memory_space<hbm>>)
      tpu.yield
    }) : () -> ()
    return
  }
}

module attributes {stable_mosaic.version = 14 : i64} {
  func.func @_dense_body(%arg0: i32, %arg1: memref<632x128xf32, #tpu.memory_space<vmem>>, %arg2: memref<2x632x128xf32, #tpu.memory_space<vmem>>, %arg3: memref<128x128xf32, #tpu.memory_space<vmem>>, %arg4: memref<1x128xf32, #tpu.memory_space<vmem>>, %arg5: memref<632x128xf32, #tpu.memory_space<vmem>>) attributes {dimension_semantics = [#tpu.dimension_semantics<arbitrary>], iteration_bounds = array<i64: 16>, scalar_prefetch = 0 : i64, scratch_operands = 0 : i64, tpu.core_type = #tpu.core_type<tc>, window_params = [{transform_indices = @transform_0, window_bounds = array<i64: 632, 128>}, {transform_indices = @transform_1, window_bounds = array<i64: 2, 632, 128>}, {pipeline_mode = #tpu.pipeline_mode<synchronous>, transform_indices = @transform_2, window_bounds = array<i64: 128, 128>}, {pipeline_mode = #tpu.pipeline_mode<synchronous>, transform_indices = @transform_3, window_bounds = array<i64: 1, 128>}, {transform_indices = @transform_4, window_bounds = array<i64: 632, 128>}]} {
    %get3A = arith.constant 0 : index
    %get3A_0 = arith.constant 0 : index
    %get3A_1 = vector.load %arg1[%get3A, %get3A_0] : memref<632x128xf32, #tpu.memory_space<vmem>>, vector<632x128xf32>
    %get3A_2 = arith.constant 0 : index
    %get3A_3 = arith.constant 0 : index
    %get3A_4 = arith.constant 0 : index
    %get3A_5 = vector.load %arg2[%get3A_2, %get3A_3, %get3A_4] : memref<2x632x128xf32, #tpu.memory_space<vmem>>, vector<1x632x128xf32>
    %get3A_6 = vector.shape_cast %get3A_5 : vector<1x632x128xf32> to vector<632x128xf32>
    %add3A = arith.addf %get3A_1, %get3A_6 : vector<632x128xf32>
    %get3A_7 = arith.constant 1 : index
    %get3A_8 = arith.constant 0 : index
    %get3A_9 = arith.constant 0 : index
    %get3A_10 = vector.load %arg2[%get3A_7, %get3A_8, %get3A_9] : memref<2x632x128xf32, #tpu.memory_space<vmem>>, vector<1x632x128xf32>
    %get3A_11 = vector.shape_cast %get3A_10 : vector<1x632x128xf32> to vector<632x128xf32>
    %add3A_12 = arith.addf %add3A, %get3A_11 : vector<632x128xf32>
    %get3A_13 = arith.constant 0 : index
    %get3A_14 = arith.constant 0 : index
    %get3A_15 = vector.load %arg3[%get3A_13, %get3A_14] : memref<128x128xf32, #tpu.memory_space<vmem>>, vector<128x128xf32>
    %dot_general3A = arith.constant dense<0.000000e+00> : vector<632x128xf32>
    %dot_general3A_16 = tpu.matmul %add3A_12, %get3A_15, %dot_general3A {dimension_numbers = #tpu.dot_dimension_numbers<[1], [1], [0], [0], [0, 0, 1, 0], [], []>, transpose_lhs_hint = false} : vector<632x128xf32>, vector<128x128xf32>, vector<632x128xf32> -> vector<632x128xf32>
    %get3A_17 = arith.constant 0 : index
    %get3A_18 = arith.constant 0 : index
    %get3A_19 = vector.load %arg4[%get3A_17, %get3A_18] : memref<1x128xf32, #tpu.memory_space<vmem>>, vector<1x128xf32>
    %add3A_20 = vector.broadcast %get3A_19 : vector<1x128xf32> to vector<632x128xf32>
    %add3A_21 = arith.addf %dot_general3A_16, %add3A_20 : vector<632x128xf32>
    %max3A = arith.constant 0.000000e+00 : f32
    %max3A_22 = vector.broadcast %max3A : f32 to vector<632x128xf32>
    %max3A_23 = arith.maximumf %add3A_21, %max3A_22 : vector<632x128xf32>
    %swap3A = arith.constant 0 : index
    %swap3A_24 = arith.constant 0 : index
    %swap3A_25 = vector.load %arg5[%swap3A, %swap3A_24] : memref<632x128xf32, #tpu.memory_space<vmem>>, vector<632x128xf32>
    tpu.vector_store %arg5[%swap3A, %swap3A_24], %max3A_23 {strides = array<i32>} : memref<632x128xf32, #tpu.memory_space<vmem>>, vector<632x128xf32>,
    return
  }
  func.func @transform_0(%arg0: i32) -> (i32, i32) {
    %c0_i32 = arith.constant 0 : i32
    %c0_i32_0 = arith.constant 0 : i32
    return %arg0, %c0_i32 : i32, i32
  }
  func.func @transform_1(%arg0: i32) -> (i32, i32, i32) {
    %c0_i32 = arith.constant 0 : i32
    %c0_i32_0 = arith.constant 0 : i32
    %c0_i32_1 = arith.constant 0 : i32
    return %c0_i32, %arg0, %c0_i32_0 : i32, i32, i32
  }
  func.func @transform_2(%arg0: i32) -> (i32, i32) {
    %c0_i32 = arith.constant 0 : i32
    %c0_i32_0 = arith.constant 0 : i32
    %c0_i32_1 = arith.constant 0 : i32
    return %c0_i32, %c0_i32_0 : i32, i32
  }
  func.func @transform_3(%arg0: i32) -> (i32, i32) {
    %c0_i32 = arith.constant 0 : i32
    %c0_i32_0 = arith.constant 0 : i32
    %c0_i32_1 = arith.constant 0 : i32
    return %c0_i32, %c0_i32_0 : i32, i32
  }
  func.func @transform_4(%arg0: i32) -> (i32, i32) {
    %c0_i32 = arith.constant 0 : i32
    %c0_i32_0 = arith.constant 0 : i32
    return %arg0, %c0_i32 : i32, i32
  }
}

module attributes {stable_mosaic.version = 14 : i64} {
  func.func @_final_body(%arg0: i32, %arg1: memref<632x128xf32, #tpu.memory_space<vmem>>, %arg2: memref<2x632x128xf32, #tpu.memory_space<vmem>>, %arg3: memref<128x128xf32, #tpu.memory_space<vmem>>, %arg4: memref<1x128xf32, #tpu.memory_space<vmem>>, %arg5: memref<1x1x632xi32, #tpu.memory_space<vmem>>, %arg6: memref<64x128xf32, #tpu.memory_space<vmem>>, %arg7: memref<1x64xf32, #tpu.memory_space<vmem>>, %arg8: memref<128x64xf32, #tpu.memory_space<vmem>>, %arg9: memref<128x128xf32, #tpu.memory_space<vmem>>, %arg10: memref<128x128xf32, #tpu.memory_space<vmem>>) attributes {dimension_semantics = [#tpu.dimension_semantics<arbitrary>], iteration_bounds = array<i64: 16>, scalar_prefetch = 0 : i64, scratch_operands = 2 : i64, tpu.core_type = #tpu.core_type<tc>, window_params = [{transform_indices = @transform_0, window_bounds = array<i64: 632, 128>}, {transform_indices = @transform_1, window_bounds = array<i64: 2, 632, 128>}, {pipeline_mode = #tpu.pipeline_mode<synchronous>, transform_indices = @transform_2, window_bounds = array<i64: 128, 128>}, {pipeline_mode = #tpu.pipeline_mode<synchronous>, transform_indices = @transform_3, window_bounds = array<i64: 1, 128>}, {transform_indices = @transform_4, window_bounds = array<i64: 1, 1, 632>}, {pipeline_mode = #tpu.pipeline_mode<synchronous>, transform_indices = @transform_5, window_bounds = array<i64: 64, 128>}, {pipeline_mode = #tpu.pipeline_mode<synchronous>, transform_indices = @transform_6, window_bounds = array<i64: 1, 64>}, {pipeline_mode = #tpu.pipeline_mode<synchronous>, transform_indices = @transform_7, window_bounds = array<i64: 128, 64>}]} {
    %eq3A = arith.constant 0 : i32
    %eq3A_0 = arith.cmpi eq, %arg0, %eq3A : i32
    %convert_element_type3A = arith.extui %eq3A_0 : i1 to i32
    %cond3A = arith.constant 0 : i32
    %cond3A_1 = arith.cmpi ne, %convert_element_type3A, %cond3A : i32
    scf.if %cond3A_1 {
      %broadcast_in_dim3A_59 = arith.constant 0.000000e+00 : f32
      %broadcast_in_dim3A_60 = vector.broadcast %broadcast_in_dim3A_59 : f32 to vector<128x128xf32>
      %swap3A_61 = arith.constant 0 : index
      %swap3A_62 = arith.constant 0 : index
      %swap3A_63 = vector.load %arg9[%swap3A_61, %swap3A_62] : memref<128x128xf32, #tpu.memory_space<vmem>>, vector<128x128xf32>
      tpu.vector_store %arg9[%swap3A_61, %swap3A_62], %broadcast_in_dim3A_60 {strides = array<i32>} : memref<128x128xf32, #tpu.memory_space<vmem>>, vector<128x128xf32>,
      %broadcast_in_dim3A_64 = arith.constant 0.000000e+00 : f32
      %broadcast_in_dim3A_65 = vector.broadcast %broadcast_in_dim3A_64 : f32 to vector<128x128xf32>
      %swap3A_66 = arith.constant 0 : index
      %swap3A_67 = arith.constant 0 : index
      %swap3A_68 = vector.load %arg10[%swap3A_66, %swap3A_67] : memref<128x128xf32, #tpu.memory_space<vmem>>, vector<128x128xf32>
      tpu.vector_store %arg10[%swap3A_66, %swap3A_67], %broadcast_in_dim3A_65 {strides = array<i32>} : memref<128x128xf32, #tpu.memory_space<vmem>>, vector<128x128xf32>,
    } else {
    }
    %get3A = arith.constant 0 : index
    %get3A_2 = arith.constant 0 : index
    %get3A_3 = vector.load %arg1[%get3A, %get3A_2] : memref<632x128xf32, #tpu.memory_space<vmem>>, vector<632x128xf32>
    %get3A_4 = arith.constant 0 : index
    %get3A_5 = arith.constant 0 : index
    %get3A_6 = arith.constant 0 : index
    %get3A_7 = vector.load %arg2[%get3A_4, %get3A_5, %get3A_6] : memref<2x632x128xf32, #tpu.memory_space<vmem>>, vector<1x632x128xf32>
    %get3A_8 = vector.shape_cast %get3A_7 : vector<1x632x128xf32> to vector<632x128xf32>
    %add3A = arith.addf %get3A_3, %get3A_8 : vector<632x128xf32>
    %get3A_9 = arith.constant 1 : index
    %get3A_10 = arith.constant 0 : index
    %get3A_11 = arith.constant 0 : index
    %get3A_12 = vector.load %arg2[%get3A_9, %get3A_10, %get3A_11] : memref<2x632x128xf32, #tpu.memory_space<vmem>>, vector<1x632x128xf32>
    %get3A_13 = vector.shape_cast %get3A_12 : vector<1x632x128xf32> to vector<632x128xf32>
    %add3A_14 = arith.addf %add3A, %get3A_13 : vector<632x128xf32>
    %get3A_15 = arith.constant 0 : index
    %get3A_16 = arith.constant 0 : index
    %get3A_17 = vector.load %arg3[%get3A_15, %get3A_16] : memref<128x128xf32, #tpu.memory_space<vmem>>, vector<128x128xf32>
    %dot_general3A = arith.constant dense<0.000000e+00> : vector<632x128xf32>
    %dot_general3A_18 = tpu.matmul %add3A_14, %get3A_17, %dot_general3A {dimension_numbers = #tpu.dot_dimension_numbers<[1], [1], [0], [0], [0, 0, 1, 0], [], []>, transpose_lhs_hint = false} : vector<632x128xf32>, vector<128x128xf32>, vector<632x128xf32> -> vector<632x128xf32>
    %get3A_19 = arith.constant 0 : index
    %get3A_20 = arith.constant 0 : index
    %get3A_21 = vector.load %arg4[%get3A_19, %get3A_20] : memref<1x128xf32, #tpu.memory_space<vmem>>, vector<1x128xf32>
    %add3A_22 = vector.broadcast %get3A_21 : vector<1x128xf32> to vector<632x128xf32>
    %add3A_23 = arith.addf %dot_general3A_18, %add3A_22 : vector<632x128xf32>
    %max3A = arith.constant 0.000000e+00 : f32
    %max3A_24 = vector.broadcast %max3A : f32 to vector<632x128xf32>
    %max3A_25 = arith.maximumf %add3A_23, %max3A_24 : vector<632x128xf32>
    %get3A_26 = arith.constant 0 : index
    %get3A_27 = arith.constant 0 : index
    %get3A_28 = arith.constant 0 : index
    %get3A_29 = vector.load %arg5[%get3A_26, %get3A_27, %get3A_28] : memref<1x1x632xi32, #tpu.memory_space<vmem>>, vector<1x1x632xi32>
    %get3A_30 = vector.shape_cast %get3A_29 : vector<1x1x632xi32> to vector<632xi32>
    %broadcast_in_dim3A = vector.shape_cast %get3A_30 : vector<632xi32> to vector<632x1xi32>
    %iota3A = tpu.iota {dimensions = array<i32: 1>} : vector<632x128xi32>
    %eq3A_31 = vector.broadcast %broadcast_in_dim3A : vector<632x1xi32> to vector<632x128xi32>
    %eq3A_32 = arith.cmpi eq, %eq3A_31, %iota3A : vector<632x128xi32>
    %convert_element_type3A_33 = arith.extui %eq3A_32 : vector<632x128xi1> to vector<632x128xi32>
    %convert_element_type3A_34 = arith.sitofp %convert_element_type3A_33 : vector<632x128xi32> to vector<632x128xf32>
    %get3A_35 = arith.constant 0 : index
    %get3A_36 = arith.constant 0 : index
    %get3A_37 = vector.load %arg9[%get3A_35, %get3A_36] : memref<128x128xf32, #tpu.memory_space<vmem>>, vector<128x128xf32>
    %dot_general3A_38 = arith.constant dense<0.000000e+00> : vector<128x128xf32>
    %dot_general3A_39 = tpu.matmul %convert_element_type3A_34, %max3A_25, %dot_general3A_38 {dimension_numbers = #tpu.dot_dimension_numbers<[0], [0], [1], [1], [0, 1, 1, 1], [], []>, transpose_lhs_hint = false} : vector<632x128xf32>, vector<632x128xf32>, vector<128x128xf32> -> vector<128x128xf32>
    %add3A_40 = arith.addf %get3A_37, %dot_general3A_39 : vector<128x128xf32>
    %swap3A = arith.constant 0 : index
    %swap3A_41 = arith.constant 0 : index
    %swap3A_42 = vector.load %arg9[%swap3A, %swap3A_41] : memref<128x128xf32, #tpu.memory_space<vmem>>, vector<128x128xf32>
    tpu.vector_store %arg9[%swap3A, %swap3A_41], %add3A_40 {strides = array<i32>} : memref<128x128xf32, #tpu.memory_space<vmem>>, vector<128x128xf32>,
    %get3A_43 = arith.constant 0 : index
    %get3A_44 = arith.constant 0 : index
    %get3A_45 = vector.load %arg10[%get3A_43, %get3A_44] : memref<128x128xf32, #tpu.memory_space<vmem>>, vector<128x128xf32>
    %broadcast_in_dim3A_46 = arith.constant 1.000000e+00 : f32
    %broadcast_in_dim3A_47 = vector.broadcast %broadcast_in_dim3A_46 : f32 to vector<632x128xf32>
    %dot_general3A_48 = arith.constant dense<0.000000e+00> : vector<128x128xf32>
    %dot_general3A_49 = tpu.matmul %convert_element_type3A_34, %broadcast_in_dim3A_47, %dot_general3A_48 {dimension_numbers = #tpu.dot_dimension_numbers<[0], [0], [1], [1], [0, 1, 1, 1], [], []>, transpose_lhs_hint = false} : vector<632x128xf32>, vector<632x128xf32>, vector<128x128xf32> -> vector<128x128xf32>
    %add3A_50 = arith.addf %get3A_45, %dot_general3A_49 : vector<128x128xf32>
    %swap3A_51 = arith.constant 0 : index
    %swap3A_52 = arith.constant 0 : index
    %swap3A_53 = vector.load %arg10[%swap3A_51, %swap3A_52] : memref<128x128xf32, #tpu.memory_space<vmem>>, vector<128x128xf32>
    tpu.vector_store %arg10[%swap3A_51, %swap3A_52], %add3A_50 {strides = array<i32>} : memref<128x128xf32, #tpu.memory_space<vmem>>, vector<128x128xf32>,
    %eq3A_54 = arith.constant 15 : i32
    %eq3A_55 = arith.cmpi eq, %arg0, %eq3A_54 : i32
    %convert_element_type3A_56 = arith.extui %eq3A_55 : i1 to i32
    %cond3A_57 = arith.constant 0 : i32
    %cond3A_58 = arith.cmpi ne, %convert_element_type3A_56, %cond3A_57 : i32
    scf.if %cond3A_58 {
      %get3A_59 = arith.constant 0 : index
      %get3A_60 = arith.constant 0 : index
      %get3A_61 = vector.load %arg9[%get3A_59, %get3A_60] : memref<128x128xf32, #tpu.memory_space<vmem>>, vector<128x128xf32>
      %get3A_62 = arith.constant 0 : index
      %get3A_63 = arith.constant 0 : index
      %get3A_64 = vector.load %arg10[%get3A_62, %get3A_63] : memref<128x128xf32, #tpu.memory_space<vmem>>, vector<128x128xf32>
      %max3A_65 = arith.constant 1.000000e+00 : f32
      %max3A_66 = vector.broadcast %max3A_65 : f32 to vector<128x128xf32>
      %max3A_67 = arith.maximumf %get3A_64, %max3A_66 : vector<128x128xf32>
      %div3A = arith.divf %get3A_61, %max3A_67 : vector<128x128xf32>
      %get3A_68 = arith.constant 0 : index
      %get3A_69 = arith.constant 0 : index
      %get3A_70 = vector.load %arg6[%get3A_68, %get3A_69] : memref<64x128xf32, #tpu.memory_space<vmem>>, vector<64x128xf32>
      %dot_general3A_71 = arith.constant dense<0.000000e+00> : vector<128x64xf32>
      %dot_general3A_72 = tpu.matmul %div3A, %get3A_70, %dot_general3A_71 {dimension_numbers = #tpu.dot_dimension_numbers<[1], [1], [0], [0], [0, 0, 1, 0], [], []>, transpose_lhs_hint = false} : vector<128x128xf32>, vector<64x128xf32>, vector<128x64xf32> -> vector<128x64xf32>
      %get3A_73 = arith.constant 0 : index
      %get3A_74 = arith.constant 0 : index
      %get3A_75 = vector.load %arg7[%get3A_73, %get3A_74] : memref<1x64xf32, #tpu.memory_space<vmem>>, vector<1x64xf32>
      %add3A_76 = vector.broadcast %get3A_75 : vector<1x64xf32> to vector<128x64xf32>
      %add3A_77 = arith.addf %dot_general3A_72, %add3A_76 : vector<128x64xf32>
      %swap3A_78 = arith.constant 0 : index
      %swap3A_79 = arith.constant 0 : index
      %swap3A_80 = vector.load %arg8[%swap3A_78, %swap3A_79] : memref<128x64xf32, #tpu.memory_space<vmem>>, vector<128x64xf32>
      tpu.vector_store %arg8[%swap3A_78, %swap3A_79], %add3A_77 {strides = array<i32>} : memref<128x64xf32, #tpu.memory_space<vmem>>, vector<128x64xf32>,
    } else {
    }
    return
  }
  func.func @transform_0(%arg0: i32) -> (i32, i32) {
    %c0_i32 = arith.constant 0 : i32
    %c0_i32_0 = arith.constant 0 : i32
    return %arg0, %c0_i32 : i32, i32
  }
  func.func @transform_1(%arg0: i32) -> (i32, i32, i32) {
    %c0_i32 = arith.constant 0 : i32
    %c0_i32_0 = arith.constant 0 : i32
    %c0_i32_1 = arith.constant 0 : i32
    return %c0_i32, %arg0, %c0_i32_0 : i32, i32, i32
  }
  func.func @transform_2(%arg0: i32) -> (i32, i32) {
    %c0_i32 = arith.constant 0 : i32
    %c0_i32_0 = arith.constant 0 : i32
    %c0_i32_1 = arith.constant 0 : i32
    return %c0_i32, %c0_i32_0 : i32, i32
  }
  func.func @transform_3(%arg0: i32) -> (i32, i32) {
    %c0_i32 = arith.constant 0 : i32
    %c0_i32_0 = arith.constant 0 : i32
    %c0_i32_1 = arith.constant 0 : i32
    return %c0_i32, %c0_i32_0 : i32, i32
  }
  func.func @transform_4(%arg0: i32) -> (i32, i32, i32) {
    %c0_i32 = arith.constant 0 : i32
    %c0_i32_0 = arith.constant 0 : i32
    %c0_i32_1 = arith.constant 0 : i32
    return %arg0, %c0_i32, %c0_i32_0 : i32, i32, i32
  }
  func.func @transform_5(%arg0: i32) -> (i32, i32) {
    %c0_i32 = arith.constant 0 : i32
    %c0_i32_0 = arith.constant 0 : i32
    %c0_i32_1 = arith.constant 0 : i32
    return %c0_i32, %c0_i32_0 : i32, i32
  }
  func.func @transform_6(%arg0: i32) -> (i32, i32) {
    %c0_i32 = arith.constant 0 : i32
    %c0_i32_0 = arith.constant 0 : i32
    %c0_i32_1 = arith.constant 0 : i32
    return %c0_i32, %c0_i32_0 : i32, i32
  }
  func.func @transform_7(%arg0: i32) -> (i32, i32) {
    %c0_i32 = arith.constant 0 : i32
    %c0_i32_0 = arith.constant 0 : i32
    %c0_i32_1 = arith.constant 0 : i32
    return %c0_i32, %c0_i32_0 : i32, i32
  }
}

</mosaic_0001>

<sc_bundles>
// kernel: kernel.11.cloned.1.call-start
scs
__scs_entry_jumppad:
0x0: {  	(pc) =	sbr.rel $0x88, $3  }
0x1: {  	(tag) =	ssettag $0x0;
	lr =	simm.s32 $0x1  }
0x2: {  	[smem:$0x3F96] =	sst lr;
	_ =	strace $0xD0000000  }
0x3: {  	_ = 	snop  }
0x4: {  	_ = 	snop  }
0x5: {  	_ = 	snop  }
0x6: {  	_ = 	snop  }
0x7: {  	_ = 	snop  }
__scs_overlays_trampoline_lowered:
0x8: {  	[smem:$0x3FA5] =	sst s0  }
0x9: {  	[smem:$0x3FA6] =	sst s1  }
0xa: {  	[smem:$0x3FA7] =	sst s2  }
0xb: {  	[smem:$0x3FA8] =	sst s3  }
0xc: {  	[smem:$0x3FA9] =	sst s4  }
0xd: {  	[smem:$0x3FAA] =	sst s5  }
0xe: {  	[smem:$0x3FAB] =	sst s6  }
0xf: {  	[smem:$0x3FAC] =	sst s7  }
0x10: {  	[smem:$0x3FAD] =	sst s8  }
0x11: {  	[smem:$0x3FAE] =	sst s9;
	s0 =	simm.s32 @!p0 $0x0  }
0x12: {  	s1 =	sld [smem:$0x3F94];
	s0 =	simm.s32 @p0 $0x1  }
0x13: {  	[smem:$0x3FAF] =	sst s0;
	s0 =	simm.s32 @!p1 $0x0  }
0x14: {  	s2 =	sld [smem:$0x3F93];
	s0 =	simm.s32 @p1 $0x1  }
0x15: {  	[smem:$0x3FB0] =	sst s0;
	s0 =	simm.s32 @!p2 $0x0  }
0x16: {  	s3 =	sld [smem:$0x3FDB];
	s0 =	simm.s32 @p2 $0x1  }
0x17: {  	s4 =	simm.s32 $0x1BF5;
	[smem:$0x3FB2] =	sst s0  }
0x18: {  	s0 =	sld [smem:$0x3F95];
	_ =	swait.ge [sflag:s4], $0x0  }
0x19: {  	s7 =	sld [smem:$0x3F96]  }
0x1a: {  	s8 =	sadd.s32 $0xFFFFE003, lr  }
0x1b: {  	s9 =	sadd.s32 $0xFFFFFEF7, lr;
	s5 =	simm.s32 $0xFFFFFFFF;
	p2 =	slt.u32 s8, $0xFFFFF086  }
0x1c: {  	p1 =	slt.u32 s9, $0xF7A;
	s5 =	simm.s32 @!p2 $0x0  }
0x1d: {  	s5 =	simm.s32 @p1 $0x1;
	p0 =	seq.s32 s7, s2  }
0x1e: {  	s7 =	smul.u32 @!p0 $0xF7A, s2;
	p2 =	seq.s32 @!p0 s5, $0x0  }
0x1f: {  	s9 =	smul.u32 $0xF7A, s1;
	s8 =	simm.s32 @!p0 $0x1BF5;
	p2 =	por !p2, p0  }
0x20: {  	[sflag:s8] =	ssyncset.s32 @!p0 $0xFFFFF086;
	s6 =	sadd.s32 @!p0 s3, s7;
	s7 =	simm.s32 @!p0 $0x108  }
0x21: {  	s3 =	sadd.s32 s3, s9;
	s6 =	sadd.s32 @!p0 $0x88, s6;
	s7 =	simm.s32 @p2 $0x1082  }
0x22: {  	[simem:s7], [sflag:s8] =	dma.local @!p0 [hbm:s6], $0xF7A  }
0x23: {  	s9 =	sor.u32 $0xD0000000, s2;
	s6 =	simm.s32 $0x108;
	_ =	swait.ge @!p0 [sflag:s8], $0x0  }
0x24: {  	s3 =	sadd.s32 $0x88, s3;
	s6 =	simm.s32 @!p1 $0x1082;
	[sflag:s4] =	ssyncset.s32 $0xFFFFF086  }
0x25: {  	[simem:s6], [sflag:s4] =	dma.local [hbm:s3], $0xF7A  }
0x26: {  	[smem:$0x3F96] =	sst s1;
	(tag) =	ssettag s2;
	_ =	strace s9  }
0x27: {  	s1 =	sld [smem:$0x3FA6]  }
0x28: {  	s2 =	sld [smem:$0x3FA7]  }
0x29: {  	s4 =	sld [smem:$0x3FA9]  }
0x2a: {  	p0 =	seq.s32 s5, $0x0;
	s5 =	sld [smem:$0x3FAA]  }
0x2b: {  	s6 =	sld [smem:$0x3FAB]  }
0x2c: {  	s7 =	sld [smem:$0x3FAC]  }
0x2d: {  	s3 =	simm.s32 $0x108;
	s8 =	sld [smem:$0x3FAD]  }
0x2e: {  	s3 =	simm.s32 @!p0 $0x1082;
	s9 =	sld [smem:$0x3FAE]  }
0x2f: {  	lr =	sadd.s32 s0, s3;
	s0 =	sld [smem:$0x3FA5]  }
0x30: {  	s3 =	sld [smem:$0x3FA8]  }
0x31: {  	[smem:$0x3FB1] =	sst s10  }
0x32: {  	s10 =	sld [smem:$0x3FAF];
	_ =	sdelay $0x3  }
0x33: {  	p0 =	seq.s32 s10, $0x1;
	s10 =	sld [smem:$0x3FB1];
	_ =	sdelay $0x3  }
0x34: {  	[smem:$0x3FB1] =	sst s10  }
0x35: {  	s10 =	sld [smem:$0x3FB0];
	_ =	sdelay $0x3  }
0x36: {  	p1 =	seq.s32 s10, $0x1;
	s10 =	sld [smem:$0x3FB1];
	_ =	sdelay $0x3  }
0x37: {  	[smem:$0x3FB1] =	sst s10  }
0x38: {  	s10 =	sld [smem:$0x3FB2]  }
0x39: {  	_ = 	snop;
	(pc) =	sbr.ind lr, $3  }
0x3a: {  	_ = 	snop  }
0x3b: {  	_ = 	snop  }
0x3c: {  	p2 =	seq.s32 s10, $0x1;
	s10 =	sld [smem:$0x3FB1]  }
0x3d: {  	_ =	shalt  }
0x3e: {  	_ =	shalt  }
0x3f: {  	_ =	shalt  }
0x40: {  	_ =	shalt  }
0x41: {  	_ =	shalt  }
0x42: {  	_ =	shalt  }
0x43: {  	_ =	shalt  }
0x44: {  	_ =	shalt  }
0x45: {  	_ =	shalt  }
0x46: {  	_ =	shalt  }
0x47: {  	_ =	shalt  }
0x48: {  	_ =	shalt  }
0x49: {  	_ =	shalt  }
0x4a: {  	_ =	shalt  }
0x4b: {  	_ =	shalt  }
0x4c: {  	_ =	shalt  }
0x4d: {  	_ =	shalt  }
0x4e: {  	_ =	shalt  }
0x4f: {  	_ =	shalt  }
0x50: {  	_ =	shalt  }
0x51: {  	_ =	shalt  }
0x52: {  	_ =	shalt  }
0x53: {  	_ =	shalt  }
0x54: {  	_ =	shalt  }
0x55: {  	_ =	shalt  }
0x56: {  	_ =	shalt  }
0x57: {  	_ =	shalt  }
0x58: {  	_ =	shalt  }
0x59: {  	_ =	shalt  }
0x5a: {  	_ =	shalt  }
0x5b: {  	_ =	shalt  }
0x5c: {  	_ =	shalt  }
0x5d: {  	_ =	shalt  }
0x5e: {  	_ =	shalt  }
0x5f: {  	_ =	shalt  }
0x60: {  	_ =	shalt  }
0x61: {  	_ =	shalt  }
0x62: {  	_ =	shalt  }
0x63: {  	_ =	shalt  }
0x64: {  	_ =	shalt  }
0x65: {  	_ =	shalt  }
0x66: {  	_ =	shalt  }
0x67: {  	_ =	shalt  }
0x68: {  	_ =	shalt  }
0x69: {  	_ =	shalt  }
0x6a: {  	_ =	shalt  }
0x6b: {  	_ =	shalt  }
0x6c: {  	_ =	shalt  }
0x6d: {  	_ =	shalt  }
0x6e: {  	_ =	shalt  }
0x6f: {  	_ =	shalt  }
0x70: {  	_ =	shalt  }
0x71: {  	_ =	shalt  }
0x72: {  	_ =	shalt  }
0x73: {  	_ =	shalt  }
0x74: {  	_ =	shalt  }
0x75: {  	_ =	shalt  }
0x76: {  	_ =	shalt  }
0x77: {  	_ =	shalt  }
0x78: {  	_ =	shalt  }
0x79: {  	_ =	shalt  }
0x7a: {  	_ =	shalt  }
0x7b: {  	_ =	shalt  }
0x7c: {  	_ =	shalt  }
0x7d: {  	_ =	shalt  }
0x7e: {  	_ =	shalt  }
0x7f: {  	_ =	shalt  }
0x80: {  	_ =	shalt  }
0x81: {  	_ =	shalt  }
0x82: {  	_ =	shalt  }
0x83: {  	_ =	shalt  }
0x84: {  	_ =	shalt  }
0x85: {  	_ =	shalt  }
0x86: {  	_ =	shalt  }
0x87: {  	_ =	shalt  }
.Lfunc_end0:
.L_simem_size_0:
called_computation.1_lowered:
.L_overlay_start_0:
0x88: {  	s2 =	sld [smem:$0x3FD9]  }
0x89: {  	s3 =	sld [smem:$0x3FFE];
	_ =	sdelay $0x1  }
0x8a: {  	s1 =	srdreg.scid  }
0x8b: {  	s0 =	sand.u32 $0x1, s1  }
0x8c: {  	s16 =	sshll.u32 s0, $0xA;
	s2 =	sadd.s32 s3, s2  }
0x8d: {  	s2 =	sadd.s32 s2, s16  }
0x8e: {  	[smem:$0x3FBD] =	sst s2  }
0x8f: {  	_ = 	snop  }
0x90: {  	(tm) =	ssettm $0x1  }
0x91: {  	s17 =	sld [smem:$0x3FFB];
	_ =	sdelay $0x3  }
0x92: {  	_ =	strace s17  }
0x93: {  	s2 =	sld [smem:$0x3FFC];
	_ =	sdelay $0x3  }
0x94: {  	_ =	strace s2  }
0x95: {  	s2 =	sld [smem:$0x3FFD];
	_ =	sdelay $0x3  }
0x96: {  	_ =	strace s2  }
0x97: {  	_ =	strace $0x8FFFFFFF  }
0x98: {  	s18 =	sld [smem:$0x3FDB];
	_ =	sdelay $0x1  }
0x99: {  	s19 =	simm.s32 $_scs_section_size  }
0x9a: {  	s4 =	simm.s32 $_size__tile_overlayer_lowered;
	s5 =	simm.s32 $_tile_overlayer_lowered  }
0x9b: {  	s22 =	simm.s32 $0x1BFF;
	s21 =	sshll.u32 s5, $0x1;
	s2 =	sadd.s32 s19, s18  }
0x9c: {  	s6 =	simm.s32 $0x0;
	s20 =	sshll.u32 s4, $0x1;
	s4 =	sadd.s32 s21, s2  }
0x9d: {  	[timem:s6], [sflag:s22] =	dma.local [hbm:s4], s20  }
0x9e: {  	_ =	swait.ge [sflag:s22], s20  }
0x9f: {  	s3 =	ssub.s32 $0x0, s20;
	[sflag:s22] =	ssyncset.done $0x0  }
0xa0: {  	[sflag:s22] =	ssyncadd.s32 s3;
	_ =	sdelay $0x1  }
0xa1: {  	s23 =	simm.s32 $0x1B8B  }
0xa2: {  	_ =	swait.ge [sflag:s23], $0x1  }
0xa3: {  	[sflag:s23] =	ssyncset.done $0x0  }
0xa4: {  	s25 =	simm.s32 $0x1B8E;
	s24 =	sld [smem:$0x3FFE];
	[sflag:s23] =	ssyncadd.s32 $0xFFFFFFFF  }
0xa5: {  	s26 =	simm.s32 $execute0_lowered;
	[smem:$0x3FD2] =	sst s25  }
0xa6: {  	s4 =	sshll.u32 s26, $0x1;
	_ =	strace $0x80000049;
	[dreg:$0x1] =	wrdreg $0xFFFFFFFF  }
0xa7: {  	s28 =	simm.s32 $_size_execute0_lowered;
	s2 =	sadd.s32 s2, s4;
	[dreg:$0x0] =	wrdreg $0x0  }
0xa8: {  	s4 =	sshll.u32 s28, $0x1;
	[dreg:$0x2] =	wrdreg s2  }
0xa9: {  	[dreg:$0x3] =	wrdreg s4  }
0xaa: {  	[dreg:$0x4] =	wrdreg $0xC0  }
0xab: {  	_ =	task [dreg:s6], $0x5FFFF  }
0xac: {  	[dreg:$0x1] =	wrdreg $0xFFFFFFFF  }
0xad: {  	[dreg:$0x0] =	wrdreg $0x60  }
0xae: {  	[dreg:$0x2] =	wrdreg s24  }
0xaf: {  	[dreg:$0x3] =	wrdreg $0xA8000  }
0xb0: {  	[dreg:$0x4] =	wrdreg $0x9  }
0xb1: {  	_ =	task.clear_ibuf [dreg:s6], $0x5FFFF;
	_ =	strace $0x90000049  }
0xb2: {  	s29 =	simm.s32 $0x9;
	_ =	strace $0x8000004B  }
0xb3: {  	_ =	swait.ge [sflag:s29], $0x1  }
0xb4: {  	[sflag:s29] =	ssyncadd.s32 $0xFFFFFFFF  }
0xb5: {  	_ =	strace $0x9000004B  }
0xb6: {  	_ =	sfence  }
0xb7: {  	s30 =	sld [smem:$0x0];
	_ =	sdelay $0x2  }
0xb8: {  	s31 =	sshll.u32 s1, $0xD;
	s1 =	sshrl.u32 s1, $0x2  }
0xb9: {  	s3 =	sand.u32 $0x4000, s31;
	s1 =	sadd.s32 s1, s30  }
0xba: {  	s0 =	sor.u32 s3, s0;
	s1 =	sshll.u32 s1, $0x11  }
0xbb: {  	s0 =	sor.u32 s1, s0  }
0xbc: {  	s0 =	sadd.s32 $0x8F2B, s0  }
0xbd: {  	[sflag:s0] =	ssyncadd.remote.s32 $0x1  }
0xbe: {  	_ =	sfence.sel $0xFFFF  }
0xbf: {  	[dreg:$0x0] =	wrdreg $0xFFFFFFFF;
	(pc) =	sbr.abs _section_cstart, $3  }
0xc0: {  	[dreg:$0x1] =	wrdreg $0xFFFFFFFF  }
0xc1: {  	_ =	task.clear_ibuf [dreg:s6], $0x2FFFF;
	_ =	strace $0x9FFFFFFF  }
0xc2: {  	(tm) =	ssettm $0x7FFFFFFF  }
0xc3: {  	_ =	shalt  }
tec
execute0_lowered:
.L_overlay_start_1:
0x0: {  	(tag) =	ssettag $0x1  }
0x1: {  	s6 =	rddreg [dreg:$0x0]  }
0x2: {  	s1 =	rddreg [dreg:$0x1];
	s2 =	srdreg.scid  }
0x3: {  	s0 =	rddreg [dreg:$0x2];
	s3 =	simm.s32 $0x0;
	s17 =	simm.s32 $0x3  }
0x4: {  	s18 =	simm.s32 $0x1400;
	s19 =	simm.s32 $0x80;
	s20 =	simm.s32 $0x6800  }
0x5: {  	s21 =	simm.s32 $0x1;
	s5 =	sand.u32 $0x1, s2;
	s2 =	stileid.u32  }
0x6: {  	s22 =	simm.s32 $0x2;
	[smem:$0x7FF] =	sst s3;
	s7 =	smul.u32 $0x13C000, s5  }
0x7: {  	s4 =	sadd.s32 $0x2600, s6;
	s12 =	sadd.s32 $0x8CE00, s6;
	s8 =	smul.u32 $0x13C00, s2  }
0x8: {  	s13 =	sadd.s32 $0x96E00, s6;
	s29 =	smul.u32 $0x4F000, s2;
	s9 =	sshll.u32 s5, $0x4  }
0x9: {  	_ =	strace $0x8000004A;
	s10 =	ssub.s32 $0x2, s5;
	s9 =	sor.u32 s2, s9  }
0xa: {  	s31 =	sshrl.u32 s10, $0x1;
	s7 =	sadd.s32 s8, s7;
	s30 =	sshrl.u32 s29, $0x2  }
0xb: {  	s9 =	smul.u32 $0x2800, s9;
	s15 =	ssub.s32 s10, s31;
	s7 =	sshrl.u32 s7, $0x3  }
0xc: {  	s5 =	sadd.s32 s30, s1;
	s15 =	smax.u32 s15, $0x1;
	s14 =	sadd.s32 s7, s6  }
0xd: {  	s6 =	sadd.s32 $0x4000, s5;
	s7 =	sadd.s32 $0x8000, s5;
	s11 =	sshrl.u32 s9, $0x3  }
0xe: {  	s8 =	sadd.s32 $0xC000, s5;
	s9 =	sadd.s32 $0x10000, s5;
	s10 =	sadd.s32 s12, s11  }
0xf: {  	s16 =	sadd.s32 $0x280, s11;
	s11 =	sadd.s32 s13, s11;
	s14 =	sadd.s32 $0x29E00, s14  }
0x10: {  	v0 =	vimm.f32 $0.0e+00;
	s12 =	sadd.s32 s12, s16;
	s13 =	sadd.s32 s13, s16;
	s16 =	simm.s32 $0x2800  }
.LBB2_1:
0x11: {  	s23 =	simm.s32 $0x0;
	s24 =	simm.s32 $0x200  }
.LBB2_2:
0x12: {  	p0 =	sne.s32 s24, $0xFE00;
	[tilespmem:s23+$0x2870] =	vst v0  }
0x13: {  	[tilespmem:s23+$0x2800] =	vst v0  }
0x14: {  	[tilespmem:s23+$0x2810] =	vst v0  }
.Ltmp0:
0x15: {  	[tilespmem:s23+$0x2820] =	vst v0;
	(pc) =	sbr.rel @p0 .LBB2_2-.Ltmp0, $4  }
0x16: {  	[tilespmem:s23+$0x2830] =	vst v0  }
0x17: {  	[tilespmem:s23+$0x2840] =	vst v0  }
0x18: {  	[tilespmem:s23+$0x2850] =	vst v0  }
0x19: {  	[tilespmem:s23+$0x2860] =	vst v0;
	s23 =	sshra.s32 s24, $0x2;
	s24 =	sadd.s32 $0x200, s24  }
0x1a: {  	[tilespmem:s23+$0x2870] =	vst v0  }
0x1b: {  	[tilespmem:s23+$0x2800] =	vst v0  }
0x1c: {  	[tilespmem:s23+$0x2810] =	vst v0  }
0x1d: {  	[tilespmem:s23+$0x2820] =	vst v0  }
0x1e: {  	[tilespmem:s23+$0x2830] =	vst v0  }
0x1f: {  	[tilespmem:s23+$0x2840] =	vst v0  }
0x20: {  	[tilespmem:s23+$0x2850] =	vst v0  }
0x21: {  	[tilespmem:s23+$0x2860] =	vst v0  }
0x22: {  	[spmem:s5] =	stream.linear.scatter [tilespmem:s16], [sflag:$0x3], $0x4000, $0x38;
	[tilespmem:$0x1E400] =	vst v63  }
0x23: {  	_ =	swait.ge [sflag:s17], $0x4000  }
0x24: {  	[sflag:s17] =	ssyncset.done $0x0  }
0x25: {  	[sflag:s17] =	ssyncadd.s32 $0xFFFFC000  }
0x26: {  	[spmem:s6] =	stream.linear.scatter [tilespmem:s16], [sflag:$0x3], $0x4000, $0x38;
	[tilespmem:$0x1E400] =	vst v63  }
0x27: {  	_ =	swait.ge [sflag:s17], $0x4000  }
0x28: {  	[sflag:s17] =	ssyncset.done $0x0  }
0x29: {  	[sflag:s17] =	ssyncadd.s32 $0xFFFFC000  }
0x2a: {  	[spmem:s7] =	stream.linear.scatter [tilespmem:s16], [sflag:$0x3], $0x4000, $0x38;
	[tilespmem:$0x1E400] =	vst v63  }
0x2b: {  	_ =	swait.ge [sflag:s17], $0x4000  }
0x2c: {  	[sflag:s17] =	ssyncset.done $0x0  }
0x2d: {  	[sflag:s17] =	ssyncadd.s32 $0xFFFFC000  }
0x2e: {  	[spmem:s8] =	stream.linear.scatter [tilespmem:s16], [sflag:$0x3], $0x4000, $0x38;
	[tilespmem:$0x1E400] =	vst v63  }
0x2f: {  	_ =	swait.ge [sflag:s17], $0x4000  }
0x30: {  	[sflag:s17] =	ssyncset.done $0x0  }
0x31: {  	[sflag:s17] =	ssyncadd.s32 $0xFFFFC000  }
0x32: {  	[spmem:s9] =	stream.linear.scatter [tilespmem:s16], [sflag:$0x3], $0x3C00, $0x38;
	[tilespmem:$0x1E400] =	vst v63  }
0x33: {  	_ =	swait.ge [sflag:s17], $0x3C00  }
0x34: {  	[sflag:s17] =	ssyncset.done $0x0  }
0x35: {  	[sflag:s17] =	ssyncadd.s32 $0xFFFFC400  }
0x36: {  	s26 =	simm.s32 $0x0;
	[bflag:$0x0] =	sbarrier.arrive $0xFFFF  }
0x37: {  	[tilespmem:s26], [sflag:$0x3] =	stream.linear.gather [hbm4b:s10+s26], $0x1400, $0x38;
	[tilespmem:$0x1E400] =	vst v63  }
0x38: {  	_ =	swait.ge [sflag:s17], $0x1400  }
0x39: {  	[sflag:s17] =	ssyncset.done $0x0  }
0x3a: {  	[sflag:s17] =	ssyncadd.s32 $0xFFFFEC00  }
0x3b: {  	[tilespmem:s18], [sflag:$0x3] =	stream.linear.gather [hbm4b:s11+s26], $0x1400, $0x38;
	[tilespmem:$0x1E400] =	vst v63  }
0x3c: {  	_ =	swait.ge [sflag:s17], $0x1400  }
0x3d: {  	[sflag:s17] =	ssyncset.done $0x0  }
0x3e: {  	s28 =	simm.s32 $0x0;
	[sflag:s17] =	ssyncadd.s32 $0xFFFFEC00  }
0x3f: {  	[tilespmem:s16], [sflag:$0x1] =	stream.indirect.gather [hbm4b:s4+s19], $0x80, s28, s19, $0xb8;
	[tilespmem:$0x1E400] =	vst v63  }
0x40: {  	s29 =	simm.s32 $0x80  }
0x41: {  	[tilespmem:s20], [sflag:$0x2] =	stream.indirect.gather [hbm4b:s4+s19], $0x80, s29, s19, $0xb8;
	[tilespmem:$0x1E400] =	vst v63  }
0x42: {  	_ =	swait.ge [sflag:s21], $0x4000  }
0x43: {  	[sflag:s21] =	ssyncset.done $0x0  }
0x44: {  	s30 =	simm.s32 $0x1400;
	[sflag:s21] =	ssyncadd.s32 $0xFFFFC000  }
0x45: {  	[spmem:s1] =	stream.indirect.scatter.add.f32 [tilespmem:s16], [sflag:$0x3], $0x80, s30, s19, $0xb8;
	[tilespmem:$0x1E400] =	vst v63  }
0x46: {  	_ =	swait.ge [sflag:s17], $0x4000  }
0x47: {  	[sflag:s17] =	ssyncset.done $0x0  }
0x48: {  	[sflag:s17] =	ssyncadd.s32 $0xFFFFC000  }
0x49: {  	_ =	swait.ge [sflag:s22], $0x4000  }
0x4a: {  	[sflag:s22] =	ssyncset.done $0x0  }
0x4b: {  	s31 =	simm.s32 $0x1480;
	[sflag:s22] =	ssyncadd.s32 $0xFFFFC000  }
0x4c: {  	[spmem:s1] =	stream.indirect.scatter.add.f32 [tilespmem:s20], [sflag:$0x3], $0x80, s31, s19, $0xb8;
	[tilespmem:$0x1E400] =	vst v63  }
0x4d: {  	_ =	swait.ge [sflag:s17], $0x4000  }
0x4e: {  	s23 =	simm.s32 $0x400;
	s24 =	simm.s32 $0x800;
	[sflag:s17] =	ssyncset.done $0x0  }
.LBB2_4:
0x4f: {  	s25 =	sshra.s32 s23, $0x2  }
0x50: {  	[sflag:s17] =	ssyncadd.s32 $0xFFFFC000;
	s23 =	smov.u32 s24;
	s26 =	sadd.s32 $0x400, s24  }
0x51: {  	[tilespmem:s16], [sflag:$0x1] =	stream.indirect.gather [hbm4b:s4+s19], $0x80, s25, s19, $0xb8;
	[tilespmem:$0x1E400] =	vst v63  }
0x52: {  	p0 =	sne.s32 s24, $0x4C00;
	s24 =	sadd.s32 $0x80, s25  }
0x53: {  	[tilespmem:s20], [sflag:$0x2] =	stream.indirect.gather [hbm4b:s4+s19], $0x80, s24, s19, $0xb8;
	[tilespmem:$0x1E400] =	vst v63  }
0x54: {  	_ =	swait.ge [sflag:s21], $0x4000  }
0x55: {  	[sflag:s21] =	ssyncset.done $0x0  }
0x56: {  	s24 =	sadd.s32 $0x1400, s25;
	[sflag:s21] =	ssyncadd.s32 $0xFFFFC000  }
0x57: {  	[spmem:s1] =	stream.indirect.scatter.add.f32 [tilespmem:s16], [sflag:$0x3], $0x80, s24, s19, $0xb8;
	[tilespmem:$0x1E400] =	vst v63  }
0x58: {  	_ =	swait.ge [sflag:s17], $0x4000  }
0x59: {  	[sflag:s17] =	ssyncset.done $0x0  }
0x5a: {  	[sflag:s17] =	ssyncadd.s32 $0xFFFFC000  }
0x5b: {  	_ =	swait.ge [sflag:s22], $0x4000  }
.Ltmp1:
0x5c: {  	[sflag:s22] =	ssyncset.done $0x0;
	(pc) =	sbr.rel @p0 .LBB2_4-.Ltmp1, $4  }
0x5d: {  	s24 =	sadd.s32 $0x1480, s25;
	[sflag:s22] =	ssyncadd.s32 $0xFFFFC000  }
0x5e: {  	[spmem:s1] =	stream.indirect.scatter.add.f32 [tilespmem:s20], [sflag:$0x3], $0x80, s24, s19, $0xb8;
	[tilespmem:$0x1E400] =	vst v63  }
0x5f: {  	_ =	swait.ge [sflag:s17], $0x4000  }
0x60: {  	s24 =	smov.u32 s26;
	[sflag:s17] =	ssyncset.done $0x0  }
0x61: {  	s23 =	sshra.s32 s23, $0x2;
	[sflag:s17] =	ssyncadd.s32 $0xFFFFC000  }
0x62: {  	[tilespmem:s16], [sflag:$0x1] =	stream.indirect.gather [hbm4b:s4+s19], $0x80, s23, s19, $0xb8;
	[tilespmem:$0x1E400] =	vst v63  }
0x63: {  	s24 =	sadd.s32 $0x80, s23  }
0x64: {  	[tilespmem:s20], [sflag:$0x2] =	stream.indirect.gather [hbm4b:s4+s19], $0x80, s24, s19, $0xb8;
	[tilespmem:$0x1E400] =	vst v63  }
0x65: {  	_ =	swait.ge [sflag:s21], $0x4000  }
0x66: {  	[sflag:s21] =	ssyncset.done $0x0  }
0x67: {  	s25 =	sadd.s32 $0x1400, s23;
	[sflag:s21] =	ssyncadd.s32 $0xFFFFC000  }
0x68: {  	[spmem:s1] =	stream.indirect.scatter.add.f32 [tilespmem:s16], [sflag:$0x3], $0x80, s25, s19, $0xb8;
	[tilespmem:$0x1E400] =	vst v63  }
0x69: {  	_ =	swait.ge [sflag:s17], $0x4000  }
0x6a: {  	[sflag:s17] =	ssyncset.done $0x0  }
0x6b: {  	[sflag:s17] =	ssyncadd.s32 $0xFFFFC000  }
0x6c: {  	_ =	swait.ge [sflag:s22], $0x4000  }
0x6d: {  	[sflag:s22] =	ssyncset.done $0x0  }
0x6e: {  	s23 =	sadd.s32 $0x1480, s23;
	[sflag:s22] =	ssyncadd.s32 $0xFFFFC000  }
0x6f: {  	[spmem:s1] =	stream.indirect.scatter.add.f32 [tilespmem:s20], [sflag:$0x3], $0x80, s23, s19, $0xb8;
	[tilespmem:$0x1E400] =	vst v63  }
0x70: {  	_ =	swait.ge [sflag:s17], $0x4000  }
0x71: {  	[sflag:s17] =	ssyncset.done $0x0  }
0x72: {  	s26 =	simm.s32 $0x0;
	[sflag:s17] =	ssyncadd.s32 $0xFFFFC000  }
0x73: {  	[tilespmem:s26], [sflag:$0x3] =	stream.linear.gather [hbm4b:s12+s26], $0x1400, $0x38;
	[tilespmem:$0x1E400] =	vst v63  }
0x74: {  	_ =	swait.ge [sflag:s17], $0x1400  }
0x75: {  	[sflag:s17] =	ssyncset.done $0x0  }
0x76: {  	[sflag:s17] =	ssyncadd.s32 $0xFFFFEC00  }
0x77: {  	[tilespmem:s18], [sflag:$0x3] =	stream.linear.gather [hbm4b:s13+s26], $0x1400, $0x38;
	[tilespmem:$0x1E400] =	vst v63  }
0x78: {  	_ =	swait.ge [sflag:s17], $0x1400  }
0x79: {  	[sflag:s17] =	ssyncset.done $0x0  }
0x7a: {  	s28 =	simm.s32 $0x0;
	[sflag:s17] =	ssyncadd.s32 $0xFFFFEC00  }
0x7b: {  	[tilespmem:s16], [sflag:$0x1] =	stream.indirect.gather [hbm4b:s4+s19], $0x80, s28, s19, $0xb8;
	[tilespmem:$0x1E400] =	vst v63  }
0x7c: {  	s29 =	simm.s32 $0x80  }
0x7d: {  	[tilespmem:s20], [sflag:$0x2] =	stream.indirect.gather [hbm4b:s4+s19], $0x80, s29, s19, $0xb8;
	[tilespmem:$0x1E400] =	vst v63  }
0x7e: {  	_ =	swait.ge [sflag:s21], $0x4000  }
0x7f: {  	[sflag:s21] =	ssyncset.done $0x0  }
0x80: {  	s30 =	simm.s32 $0x1400;
	[sflag:s21] =	ssyncadd.s32 $0xFFFFC000  }
0x81: {  	[spmem:s1] =	stream.indirect.scatter.add.f32 [tilespmem:s16], [sflag:$0x3], $0x80, s30, s19, $0xb8;
	[tilespmem:$0x1E400] =	vst v63  }
0x82: {  	_ =	swait.ge [sflag:s17], $0x4000  }
0x83: {  	[sflag:s17] =	ssyncset.done $0x0  }
0x84: {  	[sflag:s17] =	ssyncadd.s32 $0xFFFFC000  }
0x85: {  	_ =	swait.ge [sflag:s22], $0x4000  }
0x86: {  	[sflag:s22] =	ssyncset.done $0x0  }
0x87: {  	s31 =	simm.s32 $0x1480;
	[sflag:s22] =	ssyncadd.s32 $0xFFFFC000  }
0x88: {  	[spmem:s1] =	stream.indirect.scatter.add.f32 [tilespmem:s20], [sflag:$0x3], $0x80, s31, s19, $0xb8;
	[tilespmem:$0x1E400] =	vst v63  }
0x89: {  	_ =	swait.ge [sflag:s17], $0x4000  }
0x8a: {  	s24 =	simm.s32 $0x800;
	s23 =	simm.s32 $0x400;
	[sflag:s17] =	ssyncset.done $0x0  }
.LBB2_6:
0x8b: {  	s25 =	sshra.s32 s23, $0x2  }
0x8c: {  	[sflag:s17] =	ssyncadd.s32 $0xFFFFC000;
	s23 =	smov.u32 s24;
	s26 =	sadd.s32 $0x400, s24  }
0x8d: {  	[tilespmem:s16], [sflag:$0x1] =	stream.indirect.gather [hbm4b:s4+s19], $0x80, s25, s19, $0xb8;
	[tilespmem:$0x1E400] =	vst v63  }
0x8e: {  	p0 =	sne.s32 s24, $0x4C00;
	s24 =	sadd.s32 $0x80, s25  }
0x8f: {  	[tilespmem:s20], [sflag:$0x2] =	stream.indirect.gather [hbm4b:s4+s19], $0x80, s24, s19, $0xb8;
	[tilespmem:$0x1E400] =	vst v63  }
0x90: {  	_ =	swait.ge [sflag:s21], $0x4000  }
0x91: {  	[sflag:s21] =	ssyncset.done $0x0  }
0x92: {  	s24 =	sadd.s32 $0x1400, s25;
	[sflag:s21] =	ssyncadd.s32 $0xFFFFC000  }
0x93: {  	[spmem:s1] =	stream.indirect.scatter.add.f32 [tilespmem:s16], [sflag:$0x3], $0x80, s24, s19, $0xb8;
	[tilespmem:$0x1E400] =	vst v63  }
0x94: {  	_ =	swait.ge [sflag:s17], $0x4000  }
0x95: {  	[sflag:s17] =	ssyncset.done $0x0  }
0x96: {  	[sflag:s17] =	ssyncadd.s32 $0xFFFFC000  }
0x97: {  	_ =	swait.ge [sflag:s22], $0x4000  }
.Ltmp2:
0x98: {  	[sflag:s22] =	ssyncset.done $0x0;
	(pc) =	sbr.rel @p0 .LBB2_6-.Ltmp2, $4  }
0x99: {  	s24 =	sadd.s32 $0x1480, s25;
	[sflag:s22] =	ssyncadd.s32 $0xFFFFC000  }
0x9a: {  	[spmem:s1] =	stream.indirect.scatter.add.f32 [tilespmem:s20], [sflag:$0x3], $0x80, s24, s19, $0xb8;
	[tilespmem:$0x1E400] =	vst v63  }
0x9b: {  	_ =	swait.ge [sflag:s17], $0x4000  }
0x9c: {  	s24 =	smov.u32 s26;
	[sflag:s17] =	ssyncset.done $0x0  }
0x9d: {  	s23 =	sshra.s32 s23, $0x2;
	[sflag:s17] =	ssyncadd.s32 $0xFFFFC000  }
0x9e: {  	[tilespmem:s16], [sflag:$0x1] =	stream.indirect.gather [hbm4b:s4+s19], $0x80, s23, s19, $0xb8;
	[tilespmem:$0x1E400] =	vst v63  }
0x9f: {  	s24 =	sadd.s32 $0x80, s23  }
0xa0: {  	[tilespmem:s20], [sflag:$0x2] =	stream.indirect.gather [hbm4b:s4+s19], $0x80, s24, s19, $0xb8;
	[tilespmem:$0x1E400] =	vst v63  }
0xa1: {  	_ =	swait.ge [sflag:s21], $0x4000  }
0xa2: {  	[sflag:s21] =	ssyncset.done $0x0  }
0xa3: {  	s29 =	sadd.s32 $0x1400, s23;
	[sflag:s21] =	ssyncadd.s32 $0xFFFFC000  }
0xa4: {  	[spmem:s1] =	stream.indirect.scatter.add.f32 [tilespmem:s16], [sflag:$0x3], $0x80, s29, s19, $0xb8;
	[tilespmem:$0x1E400] =	vst v63  }
0xa5: {  	_ =	swait.ge [sflag:s17], $0x4000  }
0xa6: {  	[sflag:s17] =	ssyncset.done $0x0  }
0xa7: {  	[sflag:s17] =	ssyncadd.s32 $0xFFFFC000  }
0xa8: {  	_ =	swait.ge [sflag:s22], $0x4000  }
0xa9: {  	[sflag:s22] =	ssyncset.done $0x0  }
0xaa: {  	s23 =	sadd.s32 $0x1480, s23;
	[sflag:s22] =	ssyncadd.s32 $0xFFFFC000  }
0xab: {  	[spmem:s1] =	stream.indirect.scatter.add.f32 [tilespmem:s20], [sflag:$0x3], $0x80, s23, s19, $0xb8;
	[tilespmem:$0x1E400] =	vst v63  }
0xac: {  	_ =	swait.ge [sflag:s17], $0x4000  }
0xad: {  	s30 =	sshll.u32 s2, $0x6;
	s3 =	sadd.s32 $0x1, s3;
	[sflag:s17] =	ssyncset.done $0x0  }
0xae: {  	s31 =	sshrl.u32 s5, $0x3;
	p0 =	sne.s32 s3, s15;
	[sflag:s17] =	ssyncadd.s32 $0xFFFFC000  }
.Ltmp3:
0xaf: {  	s23 =	sor.u32 $0x1C03, s30;
	[bflag:$0x0] =	sbarrier.arrive $0xFFFF;
	(pc) =	sbr.rel @p0 .LBB2_1-.Ltmp3, $4  }
0xb0: {  	[hbm:s14], [sflag:s23] =	dma.local [spmem:s31], $0x2780  }
0xb1: {  	_ =	swait.ge [sflag:s17], $0x2780  }
0xb2: {  	[sflag:s17] =	ssyncset.done $0x0  }
0xb3: {  	[sflag:s17] =	ssyncadd.s32 $0xFFFFD880  }
0xb4: {  	_ =	sfence.sel $0x180000  }
0xb5: {  	[bflag:$0x0] =	sbarrier.arrive $0xFFFF  }
0xb6: {  	p0 =	sne.s32 s2, $0x0;
	_ =	strace $0x9000004A  }
0xb7: {  	s0 =	sadd.s32 @!p0 $0x100000, s0;
	[bflag:$0x2] =	sbarrier.arrive $0xFFFF  }
0xb8: {  	[sflag:s0] =	ssyncadd.tile.s32 @!p0 $0x1;
	_ =	shalt  }
.Lfunc_end2:
_tile_overlayer_lowered:
.L_overlay_start_2:
0xb9: {  	(tag) =	ssettag $0x2  }
0xba: {  	s0 =	rddreg [dreg:$0x0];
	s2 =	stileid.u32  }
0xbb: {  	s1 =	rddreg [dreg:$0x1];
	p0 =	sne.s32 s2, $0x0  }
0xbc: {  	s3 =	rddreg [dreg:$0x2];
	[bflag:$0x3] =	sbarrier.arrive $0xFFFF;
	s2 =	simm.s32 @!p0 $0x1C03  }
0xbd: {  	[timem:s3], [sflag:s2] =	dma.local @!p0 [hbm:s0], s1  }
0xbe: {  	s0 =	simm.s32 @!p0 $0x3  }
0xbf: {  	_ =	swait.ge @!p0 [sflag:s0], s1  }
0xc0: {  	s1 =	ssub.s32 @!p0 $0x0, s1;
	[sflag:s0] =	ssyncset.done @!p0 $0x0  }
0xc1: {  	[sflag:s0] =	ssyncadd.s32 @!p0 s1  }
0xc2: {  	[bflag:$0x3] =	sbarrier.arrive $0xFFFF  }
0xc3: {  	_ =	shalt  }

// kernel: kernel.14.cloned.1.call-start
scs
__scs_entry_jumppad:
0x0: {  	(pc) =	sbr.rel $0x88, $3  }
0x1: {  	(tag) =	ssettag $0x0;
	lr =	simm.s32 $0x1  }
0x2: {  	[smem:$0x3F96] =	sst lr;
	_ =	strace $0xD0000000  }
0x3: {  	_ = 	snop  }
0x4: {  	_ = 	snop  }
0x5: {  	_ = 	snop  }
0x6: {  	_ = 	snop  }
0x7: {  	_ = 	snop  }
__scs_overlays_trampoline_lowered:
0x8: {  	[smem:$0x3FA5] =	sst s0  }
0x9: {  	[smem:$0x3FA6] =	sst s1  }
0xa: {  	[smem:$0x3FA7] =	sst s2  }
0xb: {  	[smem:$0x3FA8] =	sst s3  }
0xc: {  	[smem:$0x3FA9] =	sst s4  }
0xd: {  	[smem:$0x3FAA] =	sst s5  }
0xe: {  	[smem:$0x3FAB] =	sst s6  }
0xf: {  	[smem:$0x3FAC] =	sst s7  }
0x10: {  	[smem:$0x3FAD] =	sst s8  }
0x11: {  	[smem:$0x3FAE] =	sst s9;
	s0 =	simm.s32 @!p0 $0x0  }
0x12: {  	s1 =	sld [smem:$0x3F94];
	s0 =	simm.s32 @p0 $0x1  }
0x13: {  	[smem:$0x3FAF] =	sst s0;
	s0 =	simm.s32 @!p1 $0x0  }
0x14: {  	s2 =	sld [smem:$0x3F93];
	s0 =	simm.s32 @p1 $0x1  }
0x15: {  	[smem:$0x3FB0] =	sst s0;
	s0 =	simm.s32 @!p2 $0x0  }
0x16: {  	s3 =	sld [smem:$0x3FDB];
	s0 =	simm.s32 @p2 $0x1  }
0x17: {  	s4 =	simm.s32 $0x1BF5;
	[smem:$0x3FB2] =	sst s0  }
0x18: {  	s0 =	sld [smem:$0x3F95];
	_ =	swait.ge [sflag:s4], $0x0  }
0x19: {  	s7 =	sld [smem:$0x3F96]  }
0x1a: {  	s8 =	sadd.s32 $0xFFFFE003, lr  }
0x1b: {  	s9 =	sadd.s32 $0xFFFFFEF7, lr;
	s5 =	simm.s32 $0xFFFFFFFF;
	p2 =	slt.u32 s8, $0xFFFFF086  }
0x1c: {  	p1 =	slt.u32 s9, $0xF7A;
	s5 =	simm.s32 @!p2 $0x0  }
0x1d: {  	s5 =	simm.s32 @p1 $0x1;
	p0 =	seq.s32 s7, s2  }
0x1e: {  	s7 =	smul.u32 @!p0 $0xF7A, s2;
	p2 =	seq.s32 @!p0 s5, $0x0  }
0x1f: {  	s9 =	smul.u32 $0xF7A, s1;
	s8 =	simm.s32 @!p0 $0x1BF5;
	p2 =	por !p2, p0  }
0x20: {  	[sflag:s8] =	ssyncset.s32 @!p0 $0xFFFFF086;
	s6 =	sadd.s32 @!p0 s3, s7;
	s7 =	simm.s32 @!p0 $0x108  }
0x21: {  	s3 =	sadd.s32 s3, s9;
	s6 =	sadd.s32 @!p0 $0x88, s6;
	s7 =	simm.s32 @p2 $0x1082  }
0x22: {  	[simem:s7], [sflag:s8] =	dma.local @!p0 [hbm:s6], $0xF7A  }
0x23: {  	s9 =	sor.u32 $0xD0000000, s2;
	s6 =	simm.s32 $0x108;
	_ =	swait.ge @!p0 [sflag:s8], $0x0  }
0x24: {  	s3 =	sadd.s32 $0x88, s3;
	s6 =	simm.s32 @!p1 $0x1082;
	[sflag:s4] =	ssyncset.s32 $0xFFFFF086  }
0x25: {  	[simem:s6], [sflag:s4] =	dma.local [hbm:s3], $0xF7A  }
0x26: {  	[smem:$0x3F96] =	sst s1;
	(tag) =	ssettag s2;
	_ =	strace s9  }
0x27: {  	s1 =	sld [smem:$0x3FA6]  }
0x28: {  	s2 =	sld [smem:$0x3FA7]  }
0x29: {  	s4 =	sld [smem:$0x3FA9]  }
0x2a: {  	p0 =	seq.s32 s5, $0x0;
	s5 =	sld [smem:$0x3FAA]  }
0x2b: {  	s6 =	sld [smem:$0x3FAB]  }
0x2c: {  	s7 =	sld [smem:$0x3FAC]  }
0x2d: {  	s3 =	simm.s32 $0x108;
	s8 =	sld [smem:$0x3FAD]  }
0x2e: {  	s3 =	simm.s32 @!p0 $0x1082;
	s9 =	sld [smem:$0x3FAE]  }
0x2f: {  	lr =	sadd.s32 s0, s3;
	s0 =	sld [smem:$0x3FA5]  }
0x30: {  	s3 =	sld [smem:$0x3FA8]  }
0x31: {  	[smem:$0x3FB1] =	sst s10  }
0x32: {  	s10 =	sld [smem:$0x3FAF];
	_ =	sdelay $0x3  }
0x33: {  	p0 =	seq.s32 s10, $0x1;
	s10 =	sld [smem:$0x3FB1];
	_ =	sdelay $0x3  }
0x34: {  	[smem:$0x3FB1] =	sst s10  }
0x35: {  	s10 =	sld [smem:$0x3FB0];
	_ =	sdelay $0x3  }
0x36: {  	p1 =	seq.s32 s10, $0x1;
	s10 =	sld [smem:$0x3FB1];
	_ =	sdelay $0x3  }
0x37: {  	[smem:$0x3FB1] =	sst s10  }
0x38: {  	s10 =	sld [smem:$0x3FB2]  }
0x39: {  	_ = 	snop;
	(pc) =	sbr.ind lr, $3  }
0x3a: {  	_ = 	snop  }
0x3b: {  	_ = 	snop  }
0x3c: {  	p2 =	seq.s32 s10, $0x1;
	s10 =	sld [smem:$0x3FB1]  }
0x3d: {  	_ =	shalt  }
0x3e: {  	_ =	shalt  }
0x3f: {  	_ =	shalt  }
0x40: {  	_ =	shalt  }
0x41: {  	_ =	shalt  }
0x42: {  	_ =	shalt  }
0x43: {  	_ =	shalt  }
0x44: {  	_ =	shalt  }
0x45: {  	_ =	shalt  }
0x46: {  	_ =	shalt  }
0x47: {  	_ =	shalt  }
0x48: {  	_ =	shalt  }
0x49: {  	_ =	shalt  }
0x4a: {  	_ =	shalt  }
0x4b: {  	_ =	shalt  }
0x4c: {  	_ =	shalt  }
0x4d: {  	_ =	shalt  }
0x4e: {  	_ =	shalt  }
0x4f: {  	_ =	shalt  }
0x50: {  	_ =	shalt  }
0x51: {  	_ =	shalt  }
0x52: {  	_ =	shalt  }
0x53: {  	_ =	shalt  }
0x54: {  	_ =	shalt  }
0x55: {  	_ =	shalt  }
0x56: {  	_ =	shalt  }
0x57: {  	_ =	shalt  }
0x58: {  	_ =	shalt  }
0x59: {  	_ =	shalt  }
0x5a: {  	_ =	shalt  }
0x5b: {  	_ =	shalt  }
0x5c: {  	_ =	shalt  }
0x5d: {  	_ =	shalt  }
0x5e: {  	_ =	shalt  }
0x5f: {  	_ =	shalt  }
0x60: {  	_ =	shalt  }
0x61: {  	_ =	shalt  }
0x62: {  	_ =	shalt  }
0x63: {  	_ =	shalt  }
0x64: {  	_ =	shalt  }
0x65: {  	_ =	shalt  }
0x66: {  	_ =	shalt  }
0x67: {  	_ =	shalt  }
0x68: {  	_ =	shalt  }
0x69: {  	_ =	shalt  }
0x6a: {  	_ =	shalt  }
0x6b: {  	_ =	shalt  }
0x6c: {  	_ =	shalt  }
0x6d: {  	_ =	shalt  }
0x6e: {  	_ =	shalt  }
0x6f: {  	_ =	shalt  }
0x70: {  	_ =	shalt  }
0x71: {  	_ =	shalt  }
0x72: {  	_ =	shalt  }
0x73: {  	_ =	shalt  }
0x74: {  	_ =	shalt  }
0x75: {  	_ =	shalt  }
0x76: {  	_ =	shalt  }
0x77: {  	_ =	shalt  }
0x78: {  	_ =	shalt  }
0x79: {  	_ =	shalt  }
0x7a: {  	_ =	shalt  }
0x7b: {  	_ =	shalt  }
0x7c: {  	_ =	shalt  }
0x7d: {  	_ =	shalt  }
0x7e: {  	_ =	shalt  }
0x7f: {  	_ =	shalt  }
0x80: {  	_ =	shalt  }
0x81: {  	_ =	shalt  }
0x82: {  	_ =	shalt  }
0x83: {  	_ =	shalt  }
0x84: {  	_ =	shalt  }
0x85: {  	_ =	shalt  }
0x86: {  	_ =	shalt  }
0x87: {  	_ =	shalt  }
.Lfunc_end0:
.L_simem_size_0:
called_computation.2_lowered:
.L_overlay_start_0:
0x88: {  	s2 =	sld [smem:$0x3FD9]  }
0x89: {  	s3 =	sld [smem:$0x3FFE];
	_ =	sdelay $0x1  }
0x8a: {  	s1 =	srdreg.scid  }
0x8b: {  	s0 =	sand.u32 $0x1, s1  }
0x8c: {  	s16 =	sshll.u32 s0, $0xA;
	s2 =	sadd.s32 s3, s2  }
0x8d: {  	s2 =	sadd.s32 s2, s16  }
0x8e: {  	[smem:$0x3FBD] =	sst s2  }
0x8f: {  	_ = 	snop  }
0x90: {  	(tm) =	ssettm $0x1  }
0x91: {  	s17 =	sld [smem:$0x3FFB];
	_ =	sdelay $0x3  }
0x92: {  	_ =	strace s17  }
0x93: {  	s2 =	sld [smem:$0x3FFC];
	_ =	sdelay $0x3  }
0x94: {  	_ =	strace s2  }
0x95: {  	s2 =	sld [smem:$0x3FFD];
	_ =	sdelay $0x3  }
0x96: {  	_ =	strace s2  }
0x97: {  	_ =	strace $0x8FFFFFFF  }
0x98: {  	s18 =	sld [smem:$0x3FDB];
	_ =	sdelay $0x1  }
0x99: {  	s19 =	simm.s32 $_scs_section_size  }
0x9a: {  	s4 =	simm.s32 $_size__tile_overlayer_lowered;
	s5 =	simm.s32 $_tile_overlayer_lowered  }
0x9b: {  	s22 =	simm.s32 $0x1BFF;
	s21 =	sshll.u32 s5, $0x1;
	s2 =	sadd.s32 s19, s18  }
0x9c: {  	s6 =	simm.s32 $0x0;
	s20 =	sshll.u32 s4, $0x1;
	s4 =	sadd.s32 s21, s2  }
0x9d: {  	[timem:s6], [sflag:s22] =	dma.local [hbm:s4], s20  }
0x9e: {  	_ =	swait.ge [sflag:s22], s20  }
0x9f: {  	s3 =	ssub.s32 $0x0, s20;
	[sflag:s22] =	ssyncset.done $0x0  }
0xa0: {  	[sflag:s22] =	ssyncadd.s32 s3;
	_ =	sdelay $0x1  }
0xa1: {  	s23 =	simm.s32 $0x1B8B  }
0xa2: {  	_ =	swait.ge [sflag:s23], $0x1  }
0xa3: {  	[sflag:s23] =	ssyncset.done $0x0  }
0xa4: {  	s25 =	simm.s32 $0x1B8E;
	s24 =	sld [smem:$0x3FFE];
	[sflag:s23] =	ssyncadd.s32 $0xFFFFFFFF  }
0xa5: {  	s26 =	simm.s32 $execute0_lowered;
	[smem:$0x3FD2] =	sst s25  }
0xa6: {  	s4 =	sshll.u32 s26, $0x1;
	_ =	strace $0x8000004C;
	[dreg:$0x1] =	wrdreg $0xFFFFFFFF  }
0xa7: {  	s28 =	simm.s32 $_size_execute0_lowered;
	s2 =	sadd.s32 s2, s4;
	[dreg:$0x0] =	wrdreg $0x0  }
0xa8: {  	s4 =	sshll.u32 s28, $0x1;
	[dreg:$0x2] =	wrdreg s2  }
0xa9: {  	[dreg:$0x3] =	wrdreg s4  }
0xaa: {  	[dreg:$0x4] =	wrdreg $0xC0  }
0xab: {  	_ =	task [dreg:s6], $0x5FFFF  }
0xac: {  	[dreg:$0x1] =	wrdreg $0xFFFFFFFF  }
0xad: {  	[dreg:$0x0] =	wrdreg $0x60  }
0xae: {  	[dreg:$0x2] =	wrdreg s24  }
0xaf: {  	[dreg:$0x3] =	wrdreg $0xA8000  }
0xb0: {  	[dreg:$0x4] =	wrdreg $0x9  }
0xb1: {  	_ =	task.clear_ibuf [dreg:s6], $0x5FFFF;
	_ =	strace $0x9000004C  }
0xb2: {  	s29 =	simm.s32 $0x9;
	_ =	strace $0x8000004E  }
0xb3: {  	_ =	swait.ge [sflag:s29], $0x1  }
0xb4: {  	[sflag:s29] =	ssyncadd.s32 $0xFFFFFFFF  }
0xb5: {  	_ =	strace $0x9000004E  }
0xb6: {  	_ =	sfence  }
0xb7: {  	s30 =	sld [smem:$0x0];
	_ =	sdelay $0x2  }
0xb8: {  	s31 =	sshll.u32 s1, $0xD;
	s1 =	sshrl.u32 s1, $0x2  }
0xb9: {  	s3 =	sand.u32 $0x4000, s31;
	s1 =	sadd.s32 s1, s30  }
0xba: {  	s0 =	sor.u32 s3, s0;
	s1 =	sshll.u32 s1, $0x11  }
0xbb: {  	s0 =	sor.u32 s1, s0  }
0xbc: {  	s0 =	sadd.s32 $0x8F2B, s0  }
0xbd: {  	[sflag:s0] =	ssyncadd.remote.s32 $0x1  }
0xbe: {  	_ =	sfence.sel $0xFFFF  }
0xbf: {  	[dreg:$0x0] =	wrdreg $0xFFFFFFFF;
	(pc) =	sbr.abs _section_cstart, $3  }
0xc0: {  	[dreg:$0x1] =	wrdreg $0xFFFFFFFF  }
0xc1: {  	_ =	task.clear_ibuf [dreg:s6], $0x2FFFF;
	_ =	strace $0x9FFFFFFF  }
0xc2: {  	(tm) =	ssettm $0x7FFFFFFF  }
0xc3: {  	_ =	shalt  }
tec
execute0_lowered:
.L_overlay_start_1:
0x0: {  	(tag) =	ssettag $0x1  }
0x1: {  	s6 =	rddreg [dreg:$0x0]  }
0x2: {  	s1 =	rddreg [dreg:$0x1];
	s2 =	srdreg.scid  }
0x3: {  	s0 =	rddreg [dreg:$0x2];
	s3 =	simm.s32 $0x0;
	s17 =	simm.s32 $0x3  }
0x4: {  	s18 =	simm.s32 $0x1400;
	s19 =	simm.s32 $0x80;
	s20 =	simm.s32 $0x6800  }
0x5: {  	s21 =	simm.s32 $0x1;
	s5 =	sand.u32 $0x1, s2;
	s2 =	stileid.u32  }
0x6: {  	s22 =	simm.s32 $0x2;
	[smem:$0x7FF] =	sst s3;
	s7 =	smul.u32 $0x13C000, s5  }
0x7: {  	s4 =	sadd.s32 $0x2600, s6;
	s12 =	sadd.s32 $0x8CE00, s6;
	s8 =	smul.u32 $0x13C00, s2  }
0x8: {  	s13 =	sadd.s32 $0x96E00, s6;
	s29 =	smul.u32 $0x4F000, s2;
	s9 =	sshll.u32 s5, $0x4  }
0x9: {  	_ =	strace $0x8000004D;
	s10 =	ssub.s32 $0x2, s5;
	s9 =	sor.u32 s2, s9  }
0xa: {  	s31 =	sshrl.u32 s10, $0x1;
	s7 =	sadd.s32 s8, s7;
	s30 =	sshrl.u32 s29, $0x2  }
0xb: {  	s9 =	smul.u32 $0x2800, s9;
	s15 =	ssub.s32 s10, s31;
	s7 =	sshrl.u32 s7, $0x3  }
0xc: {  	s5 =	sadd.s32 s30, s1;
	s15 =	smax.u32 s15, $0x1;
	s14 =	sadd.s32 s7, s6  }
0xd: {  	s6 =	sadd.s32 $0x4000, s5;
	s7 =	sadd.s32 $0x8000, s5;
	s11 =	sshrl.u32 s9, $0x3  }
0xe: {  	s8 =	sadd.s32 $0xC000, s5;
	s9 =	sadd.s32 $0x10000, s5;
	s10 =	sadd.s32 s12, s11  }
0xf: {  	s16 =	sadd.s32 $0x280, s11;
	s11 =	sadd.s32 s13, s11;
	s14 =	sadd.s32 $0x29E00, s14  }
0x10: {  	v0 =	vimm.f32 $0.0e+00;
	s12 =	sadd.s32 s12, s16;
	s13 =	sadd.s32 s13, s16;
	s16 =	simm.s32 $0x2800  }
.LBB2_1:
0x11: {  	s23 =	simm.s32 $0x0;
	s24 =	simm.s32 $0x200  }
.LBB2_2:
0x12: {  	p0 =	sne.s32 s24, $0xFE00;
	[tilespmem:s23+$0x2870] =	vst v0  }
0x13: {  	[tilespmem:s23+$0x2800] =	vst v0  }
0x14: {  	[tilespmem:s23+$0x2810] =	vst v0  }
.Ltmp0:
0x15: {  	[tilespmem:s23+$0x2820] =	vst v0;
	(pc) =	sbr.rel @p0 .LBB2_2-.Ltmp0, $4  }
0x16: {  	[tilespmem:s23+$0x2830] =	vst v0  }
0x17: {  	[tilespmem:s23+$0x2840] =	vst v0  }
0x18: {  	[tilespmem:s23+$0x2850] =	vst v0  }
0x19: {  	[tilespmem:s23+$0x2860] =	vst v0;
	s23 =	sshra.s32 s24, $0x2;
	s24 =	sadd.s32 $0x200, s24  }
0x1a: {  	[tilespmem:s23+$0x2870] =	vst v0  }
0x1b: {  	[tilespmem:s23+$0x2800] =	vst v0  }
0x1c: {  	[tilespmem:s23+$0x2810] =	vst v0  }
0x1d: {  	[tilespmem:s23+$0x2820] =	vst v0  }
0x1e: {  	[tilespmem:s23+$0x2830] =	vst v0  }
0x1f: {  	[tilespmem:s23+$0x2840] =	vst v0  }
0x20: {  	[tilespmem:s23+$0x2850] =	vst v0  }
0x21: {  	[tilespmem:s23+$0x2860] =	vst v0  }
0x22: {  	[spmem:s5] =	stream.linear.scatter [tilespmem:s16], [sflag:$0x3], $0x4000, $0x38;
	[tilespmem:$0x1E400] =	vst v63  }
0x23: {  	_ =	swait.ge [sflag:s17], $0x4000  }
0x24: {  	[sflag:s17] =	ssyncset.done $0x0  }
0x25: {  	[sflag:s17] =	ssyncadd.s32 $0xFFFFC000  }
0x26: {  	[spmem:s6] =	stream.linear.scatter [tilespmem:s16], [sflag:$0x3], $0x4000, $0x38;
	[tilespmem:$0x1E400] =	vst v63  }
0x27: {  	_ =	swait.ge [sflag:s17], $0x4000  }
0x28: {  	[sflag:s17] =	ssyncset.done $0x0  }
0x29: {  	[sflag:s17] =	ssyncadd.s32 $0xFFFFC000  }
0x2a: {  	[spmem:s7] =	stream.linear.scatter [tilespmem:s16], [sflag:$0x3], $0x4000, $0x38;
	[tilespmem:$0x1E400] =	vst v63  }
0x2b: {  	_ =	swait.ge [sflag:s17], $0x4000  }
0x2c: {  	[sflag:s17] =	ssyncset.done $0x0  }
0x2d: {  	[sflag:s17] =	ssyncadd.s32 $0xFFFFC000  }
0x2e: {  	[spmem:s8] =	stream.linear.scatter [tilespmem:s16], [sflag:$0x3], $0x4000, $0x38;
	[tilespmem:$0x1E400] =	vst v63  }
0x2f: {  	_ =	swait.ge [sflag:s17], $0x4000  }
0x30: {  	[sflag:s17] =	ssyncset.done $0x0  }
0x31: {  	[sflag:s17] =	ssyncadd.s32 $0xFFFFC000  }
0x32: {  	[spmem:s9] =	stream.linear.scatter [tilespmem:s16], [sflag:$0x3], $0x3C00, $0x38;
	[tilespmem:$0x1E400] =	vst v63  }
0x33: {  	_ =	swait.ge [sflag:s17], $0x3C00  }
0x34: {  	[sflag:s17] =	ssyncset.done $0x0  }
0x35: {  	[sflag:s17] =	ssyncadd.s32 $0xFFFFC400  }
0x36: {  	s26 =	simm.s32 $0x0;
	[bflag:$0x0] =	sbarrier.arrive $0xFFFF  }
0x37: {  	[tilespmem:s26], [sflag:$0x3] =	stream.linear.gather [hbm4b:s10+s26], $0x1400, $0x38;
	[tilespmem:$0x1E400] =	vst v63  }
0x38: {  	_ =	swait.ge [sflag:s17], $0x1400  }
0x39: {  	[sflag:s17] =	ssyncset.done $0x0  }
0x3a: {  	[sflag:s17] =	ssyncadd.s32 $0xFFFFEC00  }
0x3b: {  	[tilespmem:s18], [sflag:$0x3] =	stream.linear.gather [hbm4b:s11+s26], $0x1400, $0x38;
	[tilespmem:$0x1E400] =	vst v63  }
0x3c: {  	_ =	swait.ge [sflag:s17], $0x1400  }
0x3d: {  	[sflag:s17] =	ssyncset.done $0x0  }
0x3e: {  	s28 =	simm.s32 $0x0;
	[sflag:s17] =	ssyncadd.s32 $0xFFFFEC00  }
0x3f: {  	[tilespmem:s16], [sflag:$0x1] =	stream.indirect.gather [hbm4b:s4+s19], $0x80, s28, s19, $0xb8;
	[tilespmem:$0x1E400] =	vst v63  }
0x40: {  	s29 =	simm.s32 $0x80  }
0x41: {  	[tilespmem:s20], [sflag:$0x2] =	stream.indirect.gather [hbm4b:s4+s19], $0x80, s29, s19, $0xb8;
	[tilespmem:$0x1E400] =	vst v63  }
0x42: {  	_ =	swait.ge [sflag:s21], $0x4000  }
0x43: {  	[sflag:s21] =	ssyncset.done $0x0  }
0x44: {  	s30 =	simm.s32 $0x1400;
	[sflag:s21] =	ssyncadd.s32 $0xFFFFC000  }
0x45: {  	[spmem:s1] =	stream.indirect.scatter.add.f32 [tilespmem:s16], [sflag:$0x3], $0x80, s30, s19, $0xb8;
	[tilespmem:$0x1E400] =	vst v63  }
0x46: {  	_ =	swait.ge [sflag:s17], $0x4000  }
0x47: {  	[sflag:s17] =	ssyncset.done $0x0  }
0x48: {  	[sflag:s17] =	ssyncadd.s32 $0xFFFFC000  }
0x49: {  	_ =	swait.ge [sflag:s22], $0x4000  }
0x4a: {  	[sflag:s22] =	ssyncset.done $0x0  }
0x4b: {  	s31 =	simm.s32 $0x1480;
	[sflag:s22] =	ssyncadd.s32 $0xFFFFC000  }
0x4c: {  	[spmem:s1] =	stream.indirect.scatter.add.f32 [tilespmem:s20], [sflag:$0x3], $0x80, s31, s19, $0xb8;
	[tilespmem:$0x1E400] =	vst v63  }
0x4d: {  	_ =	swait.ge [sflag:s17], $0x4000  }
0x4e: {  	s23 =	simm.s32 $0x400;
	s24 =	simm.s32 $0x800;
	[sflag:s17] =	ssyncset.done $0x0  }
.LBB2_4:
0x4f: {  	s25 =	sshra.s32 s23, $0x2  }
0x50: {  	[sflag:s17] =	ssyncadd.s32 $0xFFFFC000;
	s23 =	smov.u32 s24;
	s26 =	sadd.s32 $0x400, s24  }
0x51: {  	[tilespmem:s16], [sflag:$0x1] =	stream.indirect.gather [hbm4b:s4+s19], $0x80, s25, s19, $0xb8;
	[tilespmem:$0x1E400] =	vst v63  }
0x52: {  	p0 =	sne.s32 s24, $0x4C00;
	s24 =	sadd.s32 $0x80, s25  }
0x53: {  	[tilespmem:s20], [sflag:$0x2] =	stream.indirect.gather [hbm4b:s4+s19], $0x80, s24, s19, $0xb8;
	[tilespmem:$0x1E400] =	vst v63  }
0x54: {  	_ =	swait.ge [sflag:s21], $0x4000  }
0x55: {  	[sflag:s21] =	ssyncset.done $0x0  }
0x56: {  	s24 =	sadd.s32 $0x1400, s25;
	[sflag:s21] =	ssyncadd.s32 $0xFFFFC000  }
0x57: {  	[spmem:s1] =	stream.indirect.scatter.add.f32 [tilespmem:s16], [sflag:$0x3], $0x80, s24, s19, $0xb8;
	[tilespmem:$0x1E400] =	vst v63  }
0x58: {  	_ =	swait.ge [sflag:s17], $0x4000  }
0x59: {  	[sflag:s17] =	ssyncset.done $0x0  }
0x5a: {  	[sflag:s17] =	ssyncadd.s32 $0xFFFFC000  }
0x5b: {  	_ =	swait.ge [sflag:s22], $0x4000  }
.Ltmp1:
0x5c: {  	[sflag:s22] =	ssyncset.done $0x0;
	(pc) =	sbr.rel @p0 .LBB2_4-.Ltmp1, $4  }
0x5d: {  	s24 =	sadd.s32 $0x1480, s25;
	[sflag:s22] =	ssyncadd.s32 $0xFFFFC000  }
0x5e: {  	[spmem:s1] =	stream.indirect.scatter.add.f32 [tilespmem:s20], [sflag:$0x3], $0x80, s24, s19, $0xb8;
	[tilespmem:$0x1E400] =	vst v63  }
0x5f: {  	_ =	swait.ge [sflag:s17], $0x4000  }
0x60: {  	s24 =	smov.u32 s26;
	[sflag:s17] =	ssyncset.done $0x0  }
0x61: {  	s23 =	sshra.s32 s23, $0x2;
	[sflag:s17] =	ssyncadd.s32 $0xFFFFC000  }
0x62: {  	[tilespmem:s16], [sflag:$0x1] =	stream.indirect.gather [hbm4b:s4+s19], $0x80, s23, s19, $0xb8;
	[tilespmem:$0x1E400] =	vst v63  }
0x63: {  	s24 =	sadd.s32 $0x80, s23  }
0x64: {  	[tilespmem:s20], [sflag:$0x2] =	stream.indirect.gather [hbm4b:s4+s19], $0x80, s24, s19, $0xb8;
	[tilespmem:$0x1E400] =	vst v63  }
0x65: {  	_ =	swait.ge [sflag:s21], $0x4000  }
0x66: {  	[sflag:s21] =	ssyncset.done $0x0  }
0x67: {  	s25 =	sadd.s32 $0x1400, s23;
	[sflag:s21] =	ssyncadd.s32 $0xFFFFC000  }
0x68: {  	[spmem:s1] =	stream.indirect.scatter.add.f32 [tilespmem:s16], [sflag:$0x3], $0x80, s25, s19, $0xb8;
	[tilespmem:$0x1E400] =	vst v63  }
0x69: {  	_ =	swait.ge [sflag:s17], $0x4000  }
0x6a: {  	[sflag:s17] =	ssyncset.done $0x0  }
0x6b: {  	[sflag:s17] =	ssyncadd.s32 $0xFFFFC000  }
0x6c: {  	_ =	swait.ge [sflag:s22], $0x4000  }
0x6d: {  	[sflag:s22] =	ssyncset.done $0x0  }
0x6e: {  	s23 =	sadd.s32 $0x1480, s23;
	[sflag:s22] =	ssyncadd.s32 $0xFFFFC000  }
0x6f: {  	[spmem:s1] =	stream.indirect.scatter.add.f32 [tilespmem:s20], [sflag:$0x3], $0x80, s23, s19, $0xb8;
	[tilespmem:$0x1E400] =	vst v63  }
0x70: {  	_ =	swait.ge [sflag:s17], $0x4000  }
0x71: {  	[sflag:s17] =	ssyncset.done $0x0  }
0x72: {  	s26 =	simm.s32 $0x0;
	[sflag:s17] =	ssyncadd.s32 $0xFFFFC000  }
0x73: {  	[tilespmem:s26], [sflag:$0x3] =	stream.linear.gather [hbm4b:s12+s26], $0x1400, $0x38;
	[tilespmem:$0x1E400] =	vst v63  }
0x74: {  	_ =	swait.ge [sflag:s17], $0x1400  }
0x75: {  	[sflag:s17] =	ssyncset.done $0x0  }
0x76: {  	[sflag:s17] =	ssyncadd.s32 $0xFFFFEC00  }
0x77: {  	[tilespmem:s18], [sflag:$0x3] =	stream.linear.gather [hbm4b:s13+s26], $0x1400, $0x38;
	[tilespmem:$0x1E400] =	vst v63  }
0x78: {  	_ =	swait.ge [sflag:s17], $0x1400  }
0x79: {  	[sflag:s17] =	ssyncset.done $0x0  }
0x7a: {  	s28 =	simm.s32 $0x0;
	[sflag:s17] =	ssyncadd.s32 $0xFFFFEC00  }
0x7b: {  	[tilespmem:s16], [sflag:$0x1] =	stream.indirect.gather [hbm4b:s4+s19], $0x80, s28, s19, $0xb8;
	[tilespmem:$0x1E400] =	vst v63  }
0x7c: {  	s29 =	simm.s32 $0x80  }
0x7d: {  	[tilespmem:s20], [sflag:$0x2] =	stream.indirect.gather [hbm4b:s4+s19], $0x80, s29, s19, $0xb8;
	[tilespmem:$0x1E400] =	vst v63  }
0x7e: {  	_ =	swait.ge [sflag:s21], $0x4000  }
0x7f: {  	[sflag:s21] =	ssyncset.done $0x0  }
0x80: {  	s30 =	simm.s32 $0x1400;
	[sflag:s21] =	ssyncadd.s32 $0xFFFFC000  }
0x81: {  	[spmem:s1] =	stream.indirect.scatter.add.f32 [tilespmem:s16], [sflag:$0x3], $0x80, s30, s19, $0xb8;
	[tilespmem:$0x1E400] =	vst v63  }
0x82: {  	_ =	swait.ge [sflag:s17], $0x4000  }
0x83: {  	[sflag:s17] =	ssyncset.done $0x0  }
0x84: {  	[sflag:s17] =	ssyncadd.s32 $0xFFFFC000  }
0x85: {  	_ =	swait.ge [sflag:s22], $0x4000  }
0x86: {  	[sflag:s22] =	ssyncset.done $0x0  }
0x87: {  	s31 =	simm.s32 $0x1480;
	[sflag:s22] =	ssyncadd.s32 $0xFFFFC000  }
0x88: {  	[spmem:s1] =	stream.indirect.scatter.add.f32 [tilespmem:s20], [sflag:$0x3], $0x80, s31, s19, $0xb8;
	[tilespmem:$0x1E400] =	vst v63  }
0x89: {  	_ =	swait.ge [sflag:s17], $0x4000  }
0x8a: {  	s24 =	simm.s32 $0x800;
	s23 =	simm.s32 $0x400;
	[sflag:s17] =	ssyncset.done $0x0  }
.LBB2_6:
0x8b: {  	s25 =	sshra.s32 s23, $0x2  }
0x8c: {  	[sflag:s17] =	ssyncadd.s32 $0xFFFFC000;
	s23 =	smov.u32 s24;
	s26 =	sadd.s32 $0x400, s24  }
0x8d: {  	[tilespmem:s16], [sflag:$0x1] =	stream.indirect.gather [hbm4b:s4+s19], $0x80, s25, s19, $0xb8;
	[tilespmem:$0x1E400] =	vst v63  }
0x8e: {  	p0 =	sne.s32 s24, $0x4C00;
	s24 =	sadd.s32 $0x80, s25  }
0x8f: {  	[tilespmem:s20], [sflag:$0x2] =	stream.indirect.gather [hbm4b:s4+s19], $0x80, s24, s19, $0xb8;
	[tilespmem:$0x1E400] =	vst v63  }
0x90: {  	_ =	swait.ge [sflag:s21], $0x4000  }
0x91: {  	[sflag:s21] =	ssyncset.done $0x0  }
0x92: {  	s24 =	sadd.s32 $0x1400, s25;
	[sflag:s21] =	ssyncadd.s32 $0xFFFFC000  }
0x93: {  	[spmem:s1] =	stream.indirect.scatter.add.f32 [tilespmem:s16], [sflag:$0x3], $0x80, s24, s19, $0xb8;
	[tilespmem:$0x1E400] =	vst v63  }
0x94: {  	_ =	swait.ge [sflag:s17], $0x4000  }
0x95: {  	[sflag:s17] =	ssyncset.done $0x0  }
0x96: {  	[sflag:s17] =	ssyncadd.s32 $0xFFFFC000  }
0x97: {  	_ =	swait.ge [sflag:s22], $0x4000  }
.Ltmp2:
0x98: {  	[sflag:s22] =	ssyncset.done $0x0;
	(pc) =	sbr.rel @p0 .LBB2_6-.Ltmp2, $4  }
0x99: {  	s24 =	sadd.s32 $0x1480, s25;
	[sflag:s22] =	ssyncadd.s32 $0xFFFFC000  }
0x9a: {  	[spmem:s1] =	stream.indirect.scatter.add.f32 [tilespmem:s20], [sflag:$0x3], $0x80, s24, s19, $0xb8;
	[tilespmem:$0x1E400] =	vst v63  }
0x9b: {  	_ =	swait.ge [sflag:s17], $0x4000  }
0x9c: {  	s24 =	smov.u32 s26;
	[sflag:s17] =	ssyncset.done $0x0  }
0x9d: {  	s23 =	sshra.s32 s23, $0x2;
	[sflag:s17] =	ssyncadd.s32 $0xFFFFC000  }
0x9e: {  	[tilespmem:s16], [sflag:$0x1] =	stream.indirect.gather [hbm4b:s4+s19], $0x80, s23, s19, $0xb8;
	[tilespmem:$0x1E400] =	vst v63  }
0x9f: {  	s24 =	sadd.s32 $0x80, s23  }
0xa0: {  	[tilespmem:s20], [sflag:$0x2] =	stream.indirect.gather [hbm4b:s4+s19], $0x80, s24, s19, $0xb8;
	[tilespmem:$0x1E400] =	vst v63  }
0xa1: {  	_ =	swait.ge [sflag:s21], $0x4000  }
0xa2: {  	[sflag:s21] =	ssyncset.done $0x0  }
0xa3: {  	s29 =	sadd.s32 $0x1400, s23;
	[sflag:s21] =	ssyncadd.s32 $0xFFFFC000  }
0xa4: {  	[spmem:s1] =	stream.indirect.scatter.add.f32 [tilespmem:s16], [sflag:$0x3], $0x80, s29, s19, $0xb8;
	[tilespmem:$0x1E400] =	vst v63  }
0xa5: {  	_ =	swait.ge [sflag:s17], $0x4000  }
0xa6: {  	[sflag:s17] =	ssyncset.done $0x0  }
0xa7: {  	[sflag:s17] =	ssyncadd.s32 $0xFFFFC000  }
0xa8: {  	_ =	swait.ge [sflag:s22], $0x4000  }
0xa9: {  	[sflag:s22] =	ssyncset.done $0x0  }
0xaa: {  	s23 =	sadd.s32 $0x1480, s23;
	[sflag:s22] =	ssyncadd.s32 $0xFFFFC000  }
0xab: {  	[spmem:s1] =	stream.indirect.scatter.add.f32 [tilespmem:s20], [sflag:$0x3], $0x80, s23, s19, $0xb8;
	[tilespmem:$0x1E400] =	vst v63  }
0xac: {  	_ =	swait.ge [sflag:s17], $0x4000  }
0xad: {  	s30 =	sshll.u32 s2, $0x6;
	s3 =	sadd.s32 $0x1, s3;
	[sflag:s17] =	ssyncset.done $0x0  }
0xae: {  	s31 =	sshrl.u32 s5, $0x3;
	p0 =	sne.s32 s3, s15;
	[sflag:s17] =	ssyncadd.s32 $0xFFFFC000  }
.Ltmp3:
0xaf: {  	s23 =	sor.u32 $0x1C03, s30;
	[bflag:$0x0] =	sbarrier.arrive $0xFFFF;
	(pc) =	sbr.rel @p0 .LBB2_1-.Ltmp3, $4  }
0xb0: {  	[hbm:s14], [sflag:s23] =	dma.local [spmem:s31], $0x2780  }
0xb1: {  	_ =	swait.ge [sflag:s17], $0x2780  }
0xb2: {  	[sflag:s17] =	ssyncset.done $0x0  }
0xb3: {  	[sflag:s17] =	ssyncadd.s32 $0xFFFFD880  }
0xb4: {  	_ =	sfence.sel $0x180000  }
0xb5: {  	[bflag:$0x0] =	sbarrier.arrive $0xFFFF  }
0xb6: {  	p0 =	sne.s32 s2, $0x0;
	_ =	strace $0x9000004D  }
0xb7: {  	s0 =	sadd.s32 @!p0 $0x100000, s0;
	[bflag:$0x2] =	sbarrier.arrive $0xFFFF  }
0xb8: {  	[sflag:s0] =	ssyncadd.tile.s32 @!p0 $0x1;
	_ =	shalt  }
.Lfunc_end2:
_tile_overlayer_lowered:
.L_overlay_start_2:
0xb9: {  	(tag) =	ssettag $0x2  }
0xba: {  	s0 =	rddreg [dreg:$0x0];
	s2 =	stileid.u32  }
0xbb: {  	s1 =	rddreg [dreg:$0x1];
	p0 =	sne.s32 s2, $0x0  }
0xbc: {  	s3 =	rddreg [dreg:$0x2];
	[bflag:$0x3] =	sbarrier.arrive $0xFFFF;
	s2 =	simm.s32 @!p0 $0x1C03  }
0xbd: {  	[timem:s3], [sflag:s2] =	dma.local @!p0 [hbm:s0], s1  }
0xbe: {  	s0 =	simm.s32 @!p0 $0x3  }
0xbf: {  	_ =	swait.ge @!p0 [sflag:s0], s1  }
0xc0: {  	s1 =	ssub.s32 @!p0 $0x0, s1;
	[sflag:s0] =	ssyncset.done @!p0 $0x0  }
0xc1: {  	[sflag:s0] =	ssyncadd.s32 @!p0 s1  }
0xc2: {  	[bflag:$0x3] =	sbarrier.arrive $0xFFFF  }
0xc3: {  	_ =	shalt  }

// kernel: kernel.8.cloned.1.call-start
scs
__scs_entry_jumppad:
0x0: {  	(pc) =	sbr.rel $0x88, $3  }
0x1: {  	(tag) =	ssettag $0x0;
	lr =	simm.s32 $0x1  }
0x2: {  	[smem:$0x3F96] =	sst lr;
	_ =	strace $0xD0000000  }
0x3: {  	_ = 	snop  }
0x4: {  	_ = 	snop  }
0x5: {  	_ = 	snop  }
0x6: {  	_ = 	snop  }
0x7: {  	_ = 	snop  }
__scs_overlays_trampoline_lowered:
0x8: {  	[smem:$0x3FA5] =	sst s0  }
0x9: {  	[smem:$0x3FA6] =	sst s1  }
0xa: {  	[smem:$0x3FA7] =	sst s2  }
0xb: {  	[smem:$0x3FA8] =	sst s3  }
0xc: {  	[smem:$0x3FA9] =	sst s4  }
0xd: {  	[smem:$0x3FAA] =	sst s5  }
0xe: {  	[smem:$0x3FAB] =	sst s6  }
0xf: {  	[smem:$0x3FAC] =	sst s7  }
0x10: {  	[smem:$0x3FAD] =	sst s8  }
0x11: {  	[smem:$0x3FAE] =	sst s9;
	s0 =	simm.s32 @!p0 $0x0  }
0x12: {  	s1 =	sld [smem:$0x3F94];
	s0 =	simm.s32 @p0 $0x1  }
0x13: {  	[smem:$0x3FAF] =	sst s0;
	s0 =	simm.s32 @!p1 $0x0  }
0x14: {  	s2 =	sld [smem:$0x3F93];
	s0 =	simm.s32 @p1 $0x1  }
0x15: {  	[smem:$0x3FB0] =	sst s0;
	s0 =	simm.s32 @!p2 $0x0  }
0x16: {  	s3 =	sld [smem:$0x3FDB];
	s0 =	simm.s32 @p2 $0x1  }
0x17: {  	s4 =	simm.s32 $0x1BF5;
	[smem:$0x3FB2] =	sst s0  }
0x18: {  	s0 =	sld [smem:$0x3F95];
	_ =	swait.ge [sflag:s4], $0x0  }
0x19: {  	s7 =	sld [smem:$0x3F96]  }
0x1a: {  	s8 =	sadd.s32 $0xFFFFE003, lr  }
0x1b: {  	s9 =	sadd.s32 $0xFFFFFEF7, lr;
	s5 =	simm.s32 $0xFFFFFFFF;
	p2 =	slt.u32 s8, $0xFFFFF086  }
0x1c: {  	p1 =	slt.u32 s9, $0xF7A;
	s5 =	simm.s32 @!p2 $0x0  }
0x1d: {  	s5 =	simm.s32 @p1 $0x1;
	p0 =	seq.s32 s7, s2  }
0x1e: {  	s7 =	smul.u32 @!p0 $0xF7A, s2;
	p2 =	seq.s32 @!p0 s5, $0x0  }
0x1f: {  	s9 =	smul.u32 $0xF7A, s1;
	s8 =	simm.s32 @!p0 $0x1BF5;
	p2 =	por !p2, p0  }
0x20: {  	[sflag:s8] =	ssyncset.s32 @!p0 $0xFFFFF086;
	s6 =	sadd.s32 @!p0 s3, s7;
	s7 =	simm.s32 @!p0 $0x108  }
0x21: {  	s3 =	sadd.s32 s3, s9;
	s6 =	sadd.s32 @!p0 $0x88, s6;
	s7 =	simm.s32 @p2 $0x1082  }
0x22: {  	[simem:s7], [sflag:s8] =	dma.local @!p0 [hbm:s6], $0xF7A  }
0x23: {  	s9 =	sor.u32 $0xD0000000, s2;
	s6 =	simm.s32 $0x108;
	_ =	swait.ge @!p0 [sflag:s8], $0x0  }
0x24: {  	s3 =	sadd.s32 $0x88, s3;
	s6 =	simm.s32 @!p1 $0x1082;
	[sflag:s4] =	ssyncset.s32 $0xFFFFF086  }
0x25: {  	[simem:s6], [sflag:s4] =	dma.local [hbm:s3], $0xF7A  }
0x26: {  	[smem:$0x3F96] =	sst s1;
	(tag) =	ssettag s2;
	_ =	strace s9  }
0x27: {  	s1 =	sld [smem:$0x3FA6]  }
0x28: {  	s2 =	sld [smem:$0x3FA7]  }
0x29: {  	s4 =	sld [smem:$0x3FA9]  }
0x2a: {  	p0 =	seq.s32 s5, $0x0;
	s5 =	sld [smem:$0x3FAA]  }
0x2b: {  	s6 =	sld [smem:$0x3FAB]  }
0x2c: {  	s7 =	sld [smem:$0x3FAC]  }
0x2d: {  	s3 =	simm.s32 $0x108;
	s8 =	sld [smem:$0x3FAD]  }
0x2e: {  	s3 =	simm.s32 @!p0 $0x1082;
	s9 =	sld [smem:$0x3FAE]  }
0x2f: {  	lr =	sadd.s32 s0, s3;
	s0 =	sld [smem:$0x3FA5]  }
0x30: {  	s3 =	sld [smem:$0x3FA8]  }
0x31: {  	[smem:$0x3FB1] =	sst s10  }
0x32: {  	s10 =	sld [smem:$0x3FAF];
	_ =	sdelay $0x3  }
0x33: {  	p0 =	seq.s32 s10, $0x1;
	s10 =	sld [smem:$0x3FB1];
	_ =	sdelay $0x3  }
0x34: {  	[smem:$0x3FB1] =	sst s10  }
0x35: {  	s10 =	sld [smem:$0x3FB0];
	_ =	sdelay $0x3  }
0x36: {  	p1 =	seq.s32 s10, $0x1;
	s10 =	sld [smem:$0x3FB1];
	_ =	sdelay $0x3  }
0x37: {  	[smem:$0x3FB1] =	sst s10  }
0x38: {  	s10 =	sld [smem:$0x3FB2]  }
0x39: {  	_ = 	snop;
	(pc) =	sbr.ind lr, $3  }
0x3a: {  	_ = 	snop  }
0x3b: {  	_ = 	snop  }
0x3c: {  	p2 =	seq.s32 s10, $0x1;
	s10 =	sld [smem:$0x3FB1]  }
0x3d: {  	_ =	shalt  }
0x3e: {  	_ =	shalt  }
0x3f: {  	_ =	shalt  }
0x40: {  	_ =	shalt  }
0x41: {  	_ =	shalt  }
0x42: {  	_ =	shalt  }
0x43: {  	_ =	shalt  }
0x44: {  	_ =	shalt  }
0x45: {  	_ =	shalt  }
0x46: {  	_ =	shalt  }
0x47: {  	_ =	shalt  }
0x48: {  	_ =	shalt  }
0x49: {  	_ =	shalt  }
0x4a: {  	_ =	shalt  }
0x4b: {  	_ =	shalt  }
0x4c: {  	_ =	shalt  }
0x4d: {  	_ =	shalt  }
0x4e: {  	_ =	shalt  }
0x4f: {  	_ =	shalt  }
0x50: {  	_ =	shalt  }
0x51: {  	_ =	shalt  }
0x52: {  	_ =	shalt  }
0x53: {  	_ =	shalt  }
0x54: {  	_ =	shalt  }
0x55: {  	_ =	shalt  }
0x56: {  	_ =	shalt  }
0x57: {  	_ =	shalt  }
0x58: {  	_ =	shalt  }
0x59: {  	_ =	shalt  }
0x5a: {  	_ =	shalt  }
0x5b: {  	_ =	shalt  }
0x5c: {  	_ =	shalt  }
0x5d: {  	_ =	shalt  }
0x5e: {  	_ =	shalt  }
0x5f: {  	_ =	shalt  }
0x60: {  	_ =	shalt  }
0x61: {  	_ =	shalt  }
0x62: {  	_ =	shalt  }
0x63: {  	_ =	shalt  }
0x64: {  	_ =	shalt  }
0x65: {  	_ =	shalt  }
0x66: {  	_ =	shalt  }
0x67: {  	_ =	shalt  }
0x68: {  	_ =	shalt  }
0x69: {  	_ =	shalt  }
0x6a: {  	_ =	shalt  }
0x6b: {  	_ =	shalt  }
0x6c: {  	_ =	shalt  }
0x6d: {  	_ =	shalt  }
0x6e: {  	_ =	shalt  }
0x6f: {  	_ =	shalt  }
0x70: {  	_ =	shalt  }
0x71: {  	_ =	shalt  }
0x72: {  	_ =	shalt  }
0x73: {  	_ =	shalt  }
0x74: {  	_ =	shalt  }
0x75: {  	_ =	shalt  }
0x76: {  	_ =	shalt  }
0x77: {  	_ =	shalt  }
0x78: {  	_ =	shalt  }
0x79: {  	_ =	shalt  }
0x7a: {  	_ =	shalt  }
0x7b: {  	_ =	shalt  }
0x7c: {  	_ =	shalt  }
0x7d: {  	_ =	shalt  }
0x7e: {  	_ =	shalt  }
0x7f: {  	_ =	shalt  }
0x80: {  	_ =	shalt  }
0x81: {  	_ =	shalt  }
0x82: {  	_ =	shalt  }
0x83: {  	_ =	shalt  }
0x84: {  	_ =	shalt  }
0x85: {  	_ =	shalt  }
0x86: {  	_ =	shalt  }
0x87: {  	_ =	shalt  }
.Lfunc_end0:
.L_simem_size_0:
called_computation_lowered:
.L_overlay_start_0:
0x88: {  	s2 =	sld [smem:$0x3FD9]  }
0x89: {  	s3 =	sld [smem:$0x3FFE];
	_ =	sdelay $0x1  }
0x8a: {  	s1 =	srdreg.scid  }
0x8b: {  	s0 =	sand.u32 $0x1, s1  }
0x8c: {  	s16 =	sshll.u32 s0, $0xA;
	s2 =	sadd.s32 s3, s2  }
0x8d: {  	s2 =	sadd.s32 s2, s16  }
0x8e: {  	[smem:$0x3FBD] =	sst s2  }
0x8f: {  	_ = 	snop  }
0x90: {  	(tm) =	ssettm $0x1  }
0x91: {  	s17 =	sld [smem:$0x3FFB];
	_ =	sdelay $0x3  }
0x92: {  	_ =	strace s17  }
0x93: {  	s2 =	sld [smem:$0x3FFC];
	_ =	sdelay $0x3  }
0x94: {  	_ =	strace s2  }
0x95: {  	s2 =	sld [smem:$0x3FFD];
	_ =	sdelay $0x3  }
0x96: {  	_ =	strace s2  }
0x97: {  	_ =	strace $0x8FFFFFFF  }
0x98: {  	s18 =	sld [smem:$0x3FDB];
	_ =	sdelay $0x1  }
0x99: {  	s19 =	simm.s32 $_scs_section_size  }
0x9a: {  	s4 =	simm.s32 $_size__tile_overlayer_lowered;
	s5 =	simm.s32 $_tile_overlayer_lowered  }
0x9b: {  	s22 =	simm.s32 $0x1BFF;
	s21 =	sshll.u32 s5, $0x1;
	s2 =	sadd.s32 s19, s18  }
0x9c: {  	s6 =	simm.s32 $0x0;
	s20 =	sshll.u32 s4, $0x1;
	s4 =	sadd.s32 s21, s2  }
0x9d: {  	[timem:s6], [sflag:s22] =	dma.local [hbm:s4], s20  }
0x9e: {  	_ =	swait.ge [sflag:s22], s20  }
0x9f: {  	s3 =	ssub.s32 $0x0, s20;
	[sflag:s22] =	ssyncset.done $0x0  }
0xa0: {  	[sflag:s22] =	ssyncadd.s32 s3;
	_ =	sdelay $0x1  }
0xa1: {  	s23 =	simm.s32 $0x1B8B  }
0xa2: {  	_ =	swait.ge [sflag:s23], $0x1  }
0xa3: {  	[sflag:s23] =	ssyncset.done $0x0  }
0xa4: {  	s25 =	simm.s32 $0x1B8E;
	s24 =	sld [smem:$0x3FFE];
	[sflag:s23] =	ssyncadd.s32 $0xFFFFFFFF  }
0xa5: {  	s26 =	simm.s32 $execute0_lowered;
	[smem:$0x3FD2] =	sst s25  }
0xa6: {  	s4 =	sshll.u32 s26, $0x1;
	_ =	strace $0x80000046;
	[dreg:$0x1] =	wrdreg $0xFFFFFFFF  }
0xa7: {  	s28 =	simm.s32 $_size_execute0_lowered;
	s2 =	sadd.s32 s2, s4;
	[dreg:$0x0] =	wrdreg $0x0  }
0xa8: {  	s4 =	sshll.u32 s28, $0x1;
	[dreg:$0x2] =	wrdreg s2  }
0xa9: {  	[dreg:$0x3] =	wrdreg s4  }
0xaa: {  	[dreg:$0x4] =	wrdreg $0xC0  }
0xab: {  	_ =	task [dreg:s6], $0x5FFFF  }
0xac: {  	[dreg:$0x1] =	wrdreg $0xFFFFFFFF  }
0xad: {  	[dreg:$0x0] =	wrdreg $0x60  }
0xae: {  	[dreg:$0x2] =	wrdreg s24  }
0xaf: {  	[dreg:$0x3] =	wrdreg $0xA8000  }
0xb0: {  	[dreg:$0x4] =	wrdreg $0x9  }
0xb1: {  	_ =	task.clear_ibuf [dreg:s6], $0x5FFFF;
	_ =	strace $0x90000046  }
0xb2: {  	s29 =	simm.s32 $0x9;
	_ =	strace $0x80000048  }
0xb3: {  	_ =	swait.ge [sflag:s29], $0x1  }
0xb4: {  	[sflag:s29] =	ssyncadd.s32 $0xFFFFFFFF  }
0xb5: {  	_ =	strace $0x90000048  }
0xb6: {  	_ =	sfence  }
0xb7: {  	s30 =	sld [smem:$0x0];
	_ =	sdelay $0x2  }
0xb8: {  	s31 =	sshll.u32 s1, $0xD;
	s1 =	sshrl.u32 s1, $0x2  }
0xb9: {  	s3 =	sand.u32 $0x4000, s31;
	s1 =	sadd.s32 s1, s30  }
0xba: {  	s0 =	sor.u32 s3, s0;
	s1 =	sshll.u32 s1, $0x11  }
0xbb: {  	s0 =	sor.u32 s1, s0  }
0xbc: {  	s0 =	sadd.s32 $0x8F2B, s0  }
0xbd: {  	[sflag:s0] =	ssyncadd.remote.s32 $0x1  }
0xbe: {  	_ =	sfence.sel $0xFFFF  }
0xbf: {  	[dreg:$0x0] =	wrdreg $0xFFFFFFFF;
	(pc) =	sbr.abs _section_cstart, $3  }
0xc0: {  	[dreg:$0x1] =	wrdreg $0xFFFFFFFF  }
0xc1: {  	_ =	task.clear_ibuf [dreg:s6], $0x2FFFF;
	_ =	strace $0x9FFFFFFF  }
0xc2: {  	(tm) =	ssettm $0x7FFFFFFF  }
0xc3: {  	_ =	shalt  }
tec
execute0_lowered:
.L_overlay_start_1:
0x0: {  	(tag) =	ssettag $0x1  }
0x1: {  	s6 =	rddreg [dreg:$0x0]  }
0x2: {  	s1 =	rddreg [dreg:$0x1];
	s2 =	srdreg.scid  }
0x3: {  	s0 =	rddreg [dreg:$0x2];
	s3 =	simm.s32 $0x0;
	s17 =	simm.s32 $0x3  }
0x4: {  	s18 =	simm.s32 $0x1400;
	s19 =	simm.s32 $0x80;
	s20 =	simm.s32 $0x6800  }
0x5: {  	s21 =	simm.s32 $0x1;
	s5 =	sand.u32 $0x1, s2;
	s2 =	stileid.u32  }
0x6: {  	s22 =	simm.s32 $0x2;
	[smem:$0x7FF] =	sst s3;
	s7 =	smul.u32 $0x13C000, s5  }
0x7: {  	s4 =	sadd.s32 $0x16600, s6;
	s12 =	sadd.s32 $0x2600, s6;
	s8 =	smul.u32 $0x13C00, s2  }
0x8: {  	s13 =	sadd.s32 $0xC600, s6;
	s29 =	smul.u32 $0x4F000, s2;
	s9 =	sshll.u32 s5, $0x4  }
0x9: {  	_ =	strace $0x80000047;
	s10 =	ssub.s32 $0x2, s5;
	s9 =	sor.u32 s2, s9  }
0xa: {  	s31 =	sshrl.u32 s10, $0x1;
	s7 =	sadd.s32 s8, s7;
	s30 =	sshrl.u32 s29, $0x2  }
0xb: {  	s9 =	smul.u32 $0x2800, s9;
	s15 =	ssub.s32 s10, s31;
	s7 =	sshrl.u32 s7, $0x3  }
0xc: {  	s5 =	sadd.s32 s30, s1;
	s15 =	smax.u32 s15, $0x1;
	s14 =	sadd.s32 s7, s6  }
0xd: {  	s6 =	sadd.s32 $0x4000, s5;
	s7 =	sadd.s32 $0x8000, s5;
	s11 =	sshrl.u32 s9, $0x3  }
0xe: {  	s8 =	sadd.s32 $0xC000, s5;
	s9 =	sadd.s32 $0x10000, s5;
	s10 =	sadd.s32 s12, s11  }
0xf: {  	s16 =	sadd.s32 $0x280, s11;
	s11 =	sadd.s32 s13, s11;
	s14 =	sadd.s32 $0x3DE00, s14  }
0x10: {  	v0 =	vimm.f32 $0.0e+00;
	s12 =	sadd.s32 s12, s16;
	s13 =	sadd.s32 s13, s16;
	s16 =	simm.s32 $0x2800  }
.LBB2_1:
0x11: {  	s23 =	simm.s32 $0x0;
	s24 =	simm.s32 $0x200  }
.LBB2_2:
0x12: {  	p0 =	sne.s32 s24, $0xFE00;
	[tilespmem:s23+$0x2870] =	vst v0  }
0x13: {  	[tilespmem:s23+$0x2800] =	vst v0  }
0x14: {  	[tilespmem:s23+$0x2810] =	vst v0  }
.Ltmp0:
0x15: {  	[tilespmem:s23+$0x2820] =	vst v0;
	(pc) =	sbr.rel @p0 .LBB2_2-.Ltmp0, $4  }
0x16: {  	[tilespmem:s23+$0x2830] =	vst v0  }
0x17: {  	[tilespmem:s23+$0x2840] =	vst v0  }
0x18: {  	[tilespmem:s23+$0x2850] =	vst v0  }
0x19: {  	[tilespmem:s23+$0x2860] =	vst v0;
	s23 =	sshra.s32 s24, $0x2;
	s24 =	sadd.s32 $0x200, s24  }
0x1a: {  	[tilespmem:s23+$0x2870] =	vst v0  }
0x1b: {  	[tilespmem:s23+$0x2800] =	vst v0  }
0x1c: {  	[tilespmem:s23+$0x2810] =	vst v0  }
0x1d: {  	[tilespmem:s23+$0x2820] =	vst v0  }
0x1e: {  	[tilespmem:s23+$0x2830] =	vst v0  }
0x1f: {  	[tilespmem:s23+$0x2840] =	vst v0  }
0x20: {  	[tilespmem:s23+$0x2850] =	vst v0  }
0x21: {  	[tilespmem:s23+$0x2860] =	vst v0  }
0x22: {  	[spmem:s5] =	stream.linear.scatter [tilespmem:s16], [sflag:$0x3], $0x4000, $0x38;
	[tilespmem:$0x1E400] =	vst v63  }
0x23: {  	_ =	swait.ge [sflag:s17], $0x4000  }
0x24: {  	[sflag:s17] =	ssyncset.done $0x0  }
0x25: {  	[sflag:s17] =	ssyncadd.s32 $0xFFFFC000  }
0x26: {  	[spmem:s6] =	stream.linear.scatter [tilespmem:s16], [sflag:$0x3], $0x4000, $0x38;
	[tilespmem:$0x1E400] =	vst v63  }
0x27: {  	_ =	swait.ge [sflag:s17], $0x4000  }
0x28: {  	[sflag:s17] =	ssyncset.done $0x0  }
0x29: {  	[sflag:s17] =	ssyncadd.s32 $0xFFFFC000  }
0x2a: {  	[spmem:s7] =	stream.linear.scatter [tilespmem:s16], [sflag:$0x3], $0x4000, $0x38;
	[tilespmem:$0x1E400] =	vst v63  }
0x2b: {  	_ =	swait.ge [sflag:s17], $0x4000  }
0x2c: {  	[sflag:s17] =	ssyncset.done $0x0  }
0x2d: {  	[sflag:s17] =	ssyncadd.s32 $0xFFFFC000  }
0x2e: {  	[spmem:s8] =	stream.linear.scatter [tilespmem:s16], [sflag:$0x3], $0x4000, $0x38;
	[tilespmem:$0x1E400] =	vst v63  }
0x2f: {  	_ =	swait.ge [sflag:s17], $0x4000  }
0x30: {  	[sflag:s17] =	ssyncset.done $0x0  }
0x31: {  	[sflag:s17] =	ssyncadd.s32 $0xFFFFC000  }
0x32: {  	[spmem:s9] =	stream.linear.scatter [tilespmem:s16], [sflag:$0x3], $0x3C00, $0x38;
	[tilespmem:$0x1E400] =	vst v63  }
0x33: {  	_ =	swait.ge [sflag:s17], $0x3C00  }
0x34: {  	[sflag:s17] =	ssyncset.done $0x0  }
0x35: {  	[sflag:s17] =	ssyncadd.s32 $0xFFFFC400  }
0x36: {  	s26 =	simm.s32 $0x0;
	[bflag:$0x0] =	sbarrier.arrive $0xFFFF  }
0x37: {  	[tilespmem:s26], [sflag:$0x3] =	stream.linear.gather [hbm4b:s10+s26], $0x1400, $0x38;
	[tilespmem:$0x1E400] =	vst v63  }
0x38: {  	_ =	swait.ge [sflag:s17], $0x1400  }
0x39: {  	[sflag:s17] =	ssyncset.done $0x0  }
0x3a: {  	[sflag:s17] =	ssyncadd.s32 $0xFFFFEC00  }
0x3b: {  	[tilespmem:s18], [sflag:$0x3] =	stream.linear.gather [hbm4b:s11+s26], $0x1400, $0x38;
	[tilespmem:$0x1E400] =	vst v63  }
0x3c: {  	_ =	swait.ge [sflag:s17], $0x1400  }
0x3d: {  	[sflag:s17] =	ssyncset.done $0x0  }
0x3e: {  	s28 =	simm.s32 $0x0;
	[sflag:s17] =	ssyncadd.s32 $0xFFFFEC00  }
0x3f: {  	[tilespmem:s16], [sflag:$0x1] =	stream.indirect.gather [hbm4b:s4+s19], $0x80, s28, s19, $0xb8;
	[tilespmem:$0x1E400] =	vst v63  }
0x40: {  	s29 =	simm.s32 $0x80  }
0x41: {  	[tilespmem:s20], [sflag:$0x2] =	stream.indirect.gather [hbm4b:s4+s19], $0x80, s29, s19, $0xb8;
	[tilespmem:$0x1E400] =	vst v63  }
0x42: {  	_ =	swait.ge [sflag:s21], $0x4000  }
0x43: {  	[sflag:s21] =	ssyncset.done $0x0  }
0x44: {  	s30 =	simm.s32 $0x1400;
	[sflag:s21] =	ssyncadd.s32 $0xFFFFC000  }
0x45: {  	[spmem:s1] =	stream.indirect.scatter.add.f32 [tilespmem:s16], [sflag:$0x3], $0x80, s30, s19, $0xb8;
	[tilespmem:$0x1E400] =	vst v63  }
0x46: {  	_ =	swait.ge [sflag:s17], $0x4000  }
0x47: {  	[sflag:s17] =	ssyncset.done $0x0  }
0x48: {  	[sflag:s17] =	ssyncadd.s32 $0xFFFFC000  }
0x49: {  	_ =	swait.ge [sflag:s22], $0x4000  }
0x4a: {  	[sflag:s22] =	ssyncset.done $0x0  }
0x4b: {  	s31 =	simm.s32 $0x1480;
	[sflag:s22] =	ssyncadd.s32 $0xFFFFC000  }
0x4c: {  	[spmem:s1] =	stream.indirect.scatter.add.f32 [tilespmem:s20], [sflag:$0x3], $0x80, s31, s19, $0xb8;
	[tilespmem:$0x1E400] =	vst v63  }
0x4d: {  	_ =	swait.ge [sflag:s17], $0x4000  }
0x4e: {  	s23 =	simm.s32 $0x400;
	s24 =	simm.s32 $0x800;
	[sflag:s17] =	ssyncset.done $0x0  }
.LBB2_4:
0x4f: {  	s25 =	sshra.s32 s23, $0x2  }
0x50: {  	[sflag:s17] =	ssyncadd.s32 $0xFFFFC000;
	s23 =	smov.u32 s24;
	s26 =	sadd.s32 $0x400, s24  }
0x51: {  	[tilespmem:s16], [sflag:$0x1] =	stream.indirect.gather [hbm4b:s4+s19], $0x80, s25, s19, $0xb8;
	[tilespmem:$0x1E400] =	vst v63  }
0x52: {  	p0 =	sne.s32 s24, $0x4C00;
	s24 =	sadd.s32 $0x80, s25  }
0x53: {  	[tilespmem:s20], [sflag:$0x2] =	stream.indirect.gather [hbm4b:s4+s19], $0x80, s24, s19, $0xb8;
	[tilespmem:$0x1E400] =	vst v63  }
0x54: {  	_ =	swait.ge [sflag:s21], $0x4000  }
0x55: {  	[sflag:s21] =	ssyncset.done $0x0  }
0x56: {  	s24 =	sadd.s32 $0x1400, s25;
	[sflag:s21] =	ssyncadd.s32 $0xFFFFC000  }
0x57: {  	[spmem:s1] =	stream.indirect.scatter.add.f32 [tilespmem:s16], [sflag:$0x3], $0x80, s24, s19, $0xb8;
	[tilespmem:$0x1E400] =	vst v63  }
0x58: {  	_ =	swait.ge [sflag:s17], $0x4000  }
0x59: {  	[sflag:s17] =	ssyncset.done $0x0  }
0x5a: {  	[sflag:s17] =	ssyncadd.s32 $0xFFFFC000  }
0x5b: {  	_ =	swait.ge [sflag:s22], $0x4000  }
.Ltmp1:
0x5c: {  	[sflag:s22] =	ssyncset.done $0x0;
	(pc) =	sbr.rel @p0 .LBB2_4-.Ltmp1, $4  }
0x5d: {  	s24 =	sadd.s32 $0x1480, s25;
	[sflag:s22] =	ssyncadd.s32 $0xFFFFC000  }
0x5e: {  	[spmem:s1] =	stream.indirect.scatter.add.f32 [tilespmem:s20], [sflag:$0x3], $0x80, s24, s19, $0xb8;
	[tilespmem:$0x1E400] =	vst v63  }
0x5f: {  	_ =	swait.ge [sflag:s17], $0x4000  }
0x60: {  	s24 =	smov.u32 s26;
	[sflag:s17] =	ssyncset.done $0x0  }
0x61: {  	s23 =	sshra.s32 s23, $0x2;
	[sflag:s17] =	ssyncadd.s32 $0xFFFFC000  }
0x62: {  	[tilespmem:s16], [sflag:$0x1] =	stream.indirect.gather [hbm4b:s4+s19], $0x80, s23, s19, $0xb8;
	[tilespmem:$0x1E400] =	vst v63  }
0x63: {  	s24 =	sadd.s32 $0x80, s23  }
0x64: {  	[tilespmem:s20], [sflag:$0x2] =	stream.indirect.gather [hbm4b:s4+s19], $0x80, s24, s19, $0xb8;
	[tilespmem:$0x1E400] =	vst v63  }
0x65: {  	_ =	swait.ge [sflag:s21], $0x4000  }
0x66: {  	[sflag:s21] =	ssyncset.done $0x0  }
0x67: {  	s25 =	sadd.s32 $0x1400, s23;
	[sflag:s21] =	ssyncadd.s32 $0xFFFFC000  }
0x68: {  	[spmem:s1] =	stream.indirect.scatter.add.f32 [tilespmem:s16], [sflag:$0x3], $0x80, s25, s19, $0xb8;
	[tilespmem:$0x1E400] =	vst v63  }
0x69: {  	_ =	swait.ge [sflag:s17], $0x4000  }
0x6a: {  	[sflag:s17] =	ssyncset.done $0x0  }
0x6b: {  	[sflag:s17] =	ssyncadd.s32 $0xFFFFC000  }
0x6c: {  	_ =	swait.ge [sflag:s22], $0x4000  }
0x6d: {  	[sflag:s22] =	ssyncset.done $0x0  }
0x6e: {  	s23 =	sadd.s32 $0x1480, s23;
	[sflag:s22] =	ssyncadd.s32 $0xFFFFC000  }
0x6f: {  	[spmem:s1] =	stream.indirect.scatter.add.f32 [tilespmem:s20], [sflag:$0x3], $0x80, s23, s19, $0xb8;
	[tilespmem:$0x1E400] =	vst v63  }
0x70: {  	_ =	swait.ge [sflag:s17], $0x4000  }
0x71: {  	[sflag:s17] =	ssyncset.done $0x0  }
0x72: {  	s26 =	simm.s32 $0x0;
	[sflag:s17] =	ssyncadd.s32 $0xFFFFC000  }
0x73: {  	[tilespmem:s26], [sflag:$0x3] =	stream.linear.gather [hbm4b:s12+s26], $0x1400, $0x38;
	[tilespmem:$0x1E400] =	vst v63  }
0x74: {  	_ =	swait.ge [sflag:s17], $0x1400  }
0x75: {  	[sflag:s17] =	ssyncset.done $0x0  }
0x76: {  	[sflag:s17] =	ssyncadd.s32 $0xFFFFEC00  }
0x77: {  	[tilespmem:s18], [sflag:$0x3] =	stream.linear.gather [hbm4b:s13+s26], $0x1400, $0x38;
	[tilespmem:$0x1E400] =	vst v63  }
0x78: {  	_ =	swait.ge [sflag:s17], $0x1400  }
0x79: {  	[sflag:s17] =	ssyncset.done $0x0  }
0x7a: {  	s28 =	simm.s32 $0x0;
	[sflag:s17] =	ssyncadd.s32 $0xFFFFEC00  }
0x7b: {  	[tilespmem:s16], [sflag:$0x1] =	stream.indirect.gather [hbm4b:s4+s19], $0x80, s28, s19, $0xb8;
	[tilespmem:$0x1E400] =	vst v63  }
0x7c: {  	s29 =	simm.s32 $0x80  }
0x7d: {  	[tilespmem:s20], [sflag:$0x2] =	stream.indirect.gather [hbm4b:s4+s19], $0x80, s29, s19, $0xb8;
	[tilespmem:$0x1E400] =	vst v63  }
0x7e: {  	_ =	swait.ge [sflag:s21], $0x4000  }
0x7f: {  	[sflag:s21] =	ssyncset.done $0x0  }
0x80: {  	s30 =	simm.s32 $0x1400;
	[sflag:s21] =	ssyncadd.s32 $0xFFFFC000  }
0x81: {  	[spmem:s1] =	stream.indirect.scatter.add.f32 [tilespmem:s16], [sflag:$0x3], $0x80, s30, s19, $0xb8;
	[tilespmem:$0x1E400] =	vst v63  }
0x82: {  	_ =	swait.ge [sflag:s17], $0x4000  }
0x83: {  	[sflag:s17] =	ssyncset.done $0x0  }
0x84: {  	[sflag:s17] =	ssyncadd.s32 $0xFFFFC000  }
0x85: {  	_ =	swait.ge [sflag:s22], $0x4000  }
0x86: {  	[sflag:s22] =	ssyncset.done $0x0  }
0x87: {  	s31 =	simm.s32 $0x1480;
	[sflag:s22] =	ssyncadd.s32 $0xFFFFC000  }
0x88: {  	[spmem:s1] =	stream.indirect.scatter.add.f32 [tilespmem:s20], [sflag:$0x3], $0x80, s31, s19, $0xb8;
	[tilespmem:$0x1E400] =	vst v63  }
0x89: {  	_ =	swait.ge [sflag:s17], $0x4000  }
0x8a: {  	s24 =	simm.s32 $0x800;
	s23 =	simm.s32 $0x400;
	[sflag:s17] =	ssyncset.done $0x0  }
.LBB2_6:
0x8b: {  	s25 =	sshra.s32 s23, $0x2  }
0x8c: {  	[sflag:s17] =	ssyncadd.s32 $0xFFFFC000;
	s23 =	smov.u32 s24;
	s26 =	sadd.s32 $0x400, s24  }
0x8d: {  	[tilespmem:s16], [sflag:$0x1] =	stream.indirect.gather [hbm4b:s4+s19], $0x80, s25, s19, $0xb8;
	[tilespmem:$0x1E400] =	vst v63  }
0x8e: {  	p0 =	sne.s32 s24, $0x4C00;
	s24 =	sadd.s32 $0x80, s25  }
0x8f: {  	[tilespmem:s20], [sflag:$0x2] =	stream.indirect.gather [hbm4b:s4+s19], $0x80, s24, s19, $0xb8;
	[tilespmem:$0x1E400] =	vst v63  }
0x90: {  	_ =	swait.ge [sflag:s21], $0x4000  }
0x91: {  	[sflag:s21] =	ssyncset.done $0x0  }
0x92: {  	s24 =	sadd.s32 $0x1400, s25;
	[sflag:s21] =	ssyncadd.s32 $0xFFFFC000  }
0x93: {  	[spmem:s1] =	stream.indirect.scatter.add.f32 [tilespmem:s16], [sflag:$0x3], $0x80, s24, s19, $0xb8;
	[tilespmem:$0x1E400] =	vst v63  }
0x94: {  	_ =	swait.ge [sflag:s17], $0x4000  }
0x95: {  	[sflag:s17] =	ssyncset.done $0x0  }
0x96: {  	[sflag:s17] =	ssyncadd.s32 $0xFFFFC000  }
0x97: {  	_ =	swait.ge [sflag:s22], $0x4000  }
.Ltmp2:
0x98: {  	[sflag:s22] =	ssyncset.done $0x0;
	(pc) =	sbr.rel @p0 .LBB2_6-.Ltmp2, $4  }
0x99: {  	s24 =	sadd.s32 $0x1480, s25;
	[sflag:s22] =	ssyncadd.s32 $0xFFFFC000  }
0x9a: {  	[spmem:s1] =	stream.indirect.scatter.add.f32 [tilespmem:s20], [sflag:$0x3], $0x80, s24, s19, $0xb8;
	[tilespmem:$0x1E400] =	vst v63  }
0x9b: {  	_ =	swait.ge [sflag:s17], $0x4000  }
0x9c: {  	s24 =	smov.u32 s26;
	[sflag:s17] =	ssyncset.done $0x0  }
0x9d: {  	s23 =	sshra.s32 s23, $0x2;
	[sflag:s17] =	ssyncadd.s32 $0xFFFFC000  }
0x9e: {  	[tilespmem:s16], [sflag:$0x1] =	stream.indirect.gather [hbm4b:s4+s19], $0x80, s23, s19, $0xb8;
	[tilespmem:$0x1E400] =	vst v63  }
0x9f: {  	s24 =	sadd.s32 $0x80, s23  }
0xa0: {  	[tilespmem:s20], [sflag:$0x2] =	stream.indirect.gather [hbm4b:s4+s19], $0x80, s24, s19, $0xb8;
	[tilespmem:$0x1E400] =	vst v63  }
0xa1: {  	_ =	swait.ge [sflag:s21], $0x4000  }
0xa2: {  	[sflag:s21] =	ssyncset.done $0x0  }
0xa3: {  	s29 =	sadd.s32 $0x1400, s23;
	[sflag:s21] =	ssyncadd.s32 $0xFFFFC000  }
0xa4: {  	[spmem:s1] =	stream.indirect.scatter.add.f32 [tilespmem:s16], [sflag:$0x3], $0x80, s29, s19, $0xb8;
	[tilespmem:$0x1E400] =	vst v63  }
0xa5: {  	_ =	swait.ge [sflag:s17], $0x4000  }
0xa6: {  	[sflag:s17] =	ssyncset.done $0x0  }
0xa7: {  	[sflag:s17] =	ssyncadd.s32 $0xFFFFC000  }
0xa8: {  	_ =	swait.ge [sflag:s22], $0x4000  }
0xa9: {  	[sflag:s22] =	ssyncset.done $0x0  }
0xaa: {  	s23 =	sadd.s32 $0x1480, s23;
	[sflag:s22] =	ssyncadd.s32 $0xFFFFC000  }
0xab: {  	[spmem:s1] =	stream.indirect.scatter.add.f32 [tilespmem:s20], [sflag:$0x3], $0x80, s23, s19, $0xb8;
	[tilespmem:$0x1E400] =	vst v63  }
0xac: {  	_ =	swait.ge [sflag:s17], $0x4000  }
0xad: {  	s30 =	sshll.u32 s2, $0x6;
	s3 =	sadd.s32 $0x1, s3;
	[sflag:s17] =	ssyncset.done $0x0  }
0xae: {  	s31 =	sshrl.u32 s5, $0x3;
	p0 =	sne.s32 s3, s15;
	[sflag:s17] =	ssyncadd.s32 $0xFFFFC000  }
.Ltmp3:
0xaf: {  	s23 =	sor.u32 $0x1C03, s30;
	[bflag:$0x0] =	sbarrier.arrive $0xFFFF;
	(pc) =	sbr.rel @p0 .LBB2_1-.Ltmp3, $4  }
0xb0: {  	[hbm:s14], [sflag:s23] =	dma.local [spmem:s31], $0x2780  }
0xb1: {  	_ =	swait.ge [sflag:s17], $0x2780  }
0xb2: {  	[sflag:s17] =	ssyncset.done $0x0  }
0xb3: {  	[sflag:s17] =	ssyncadd.s32 $0xFFFFD880  }
0xb4: {  	_ =	sfence.sel $0x180000  }
0xb5: {  	[bflag:$0x0] =	sbarrier.arrive $0xFFFF  }
0xb6: {  	p0 =	sne.s32 s2, $0x0;
	_ =	strace $0x90000047  }
0xb7: {  	s0 =	sadd.s32 @!p0 $0x100000, s0;
	[bflag:$0x2] =	sbarrier.arrive $0xFFFF  }
0xb8: {  	[sflag:s0] =	ssyncadd.tile.s32 @!p0 $0x1;
	_ =	shalt  }
.Lfunc_end2:
_tile_overlayer_lowered:
.L_overlay_start_2:
0xb9: {  	(tag) =	ssettag $0x2  }
0xba: {  	s0 =	rddreg [dreg:$0x0];
	s2 =	stileid.u32  }
0xbb: {  	s1 =	rddreg [dreg:$0x1];
	p0 =	sne.s32 s2, $0x0  }
0xbc: {  	s3 =	rddreg [dreg:$0x2];
	[bflag:$0x3] =	sbarrier.arrive $0xFFFF;
	s2 =	simm.s32 @!p0 $0x1C03  }
0xbd: {  	[timem:s3], [sflag:s2] =	dma.local @!p0 [hbm:s0], s1  }
0xbe: {  	s0 =	simm.s32 @!p0 $0x3  }
0xbf: {  	_ =	swait.ge @!p0 [sflag:s0], s1  }
0xc0: {  	s1 =	ssub.s32 @!p0 $0x0, s1;
	[sflag:s0] =	ssyncset.done @!p0 $0x0  }
0xc1: {  	[sflag:s0] =	ssyncadd.s32 @!p0 s1  }
0xc2: {  	[bflag:$0x3] =	sbarrier.arrive $0xFFFF  }
0xc3: {  	_ =	shalt  }

</sc_bundles>
